<compile_context>
chip_gen: v7x
topology: tpu7x:2x2x1
jax: 0.10.2.dev20260603
libtpu: 0.0.44.dev20260713+nightly
codegen_flags: <defaults>
</compile_context>

<pallas_src>
import functools

import jax
import jax.numpy as jnp
import numpy as np
from jax import lax
from jax.experimental import pallas as pl
from jax.experimental.pallas import tpu as pltpu
from jax.experimental.pallas import tpu_sc as plsc

D = 64
SEQ = 50
BATCH = 16384
VOCAB = 1000000
SCALE = 8.0

NC, NS = 2, 16
NW = NC * NS
BLK = 128
NBT = BATCH // BLK
BT_PER_W = NBT // NW
NBUF = 4
STAGE_W = BLK + 1
ROW_W = 2 * D


def _pos_encoding():
    d = D / 2
    positions = np.arange(SEQ)[:, np.newaxis]
    depths = np.arange(d)[np.newaxis, :] / d
    angle_rates = 1 / 10000 ** depths
    angle_rads = positions * angle_rates
    pe = np.concatenate([np.sin(angle_rads), np.cos(angle_rads)], axis=-1)
    return np.asarray(pe, dtype=np.float32)


_POS = _pos_encoding()

_mesh = plsc.VectorSubcoreMesh(core_axis_name="c", subcore_axis_name="s")

_BV = 8192


def _tc_transpose_body(t_ref, out_ref):
    eye = jnp.eye(D, dtype=jnp.float32)
    out_ref[:, :D] = jax.lax.dot(
        t_ref[...].T, eye, preferred_element_type=jnp.float32
    )


def _tc_transpose(tT):
    grid = ((VOCAB + _BV - 1) // _BV,)
    return pl.pallas_call(
        _tc_transpose_body,
        grid=grid,
        in_specs=[pl.BlockSpec((D, _BV), lambda i: (0, i))],
        out_specs=pl.BlockSpec((_BV, ROW_W), lambda i: (i, 0)),
        out_shape=jax.ShapeDtypeStruct((VOCAB, ROW_W), jnp.float32),
        compiler_params=pltpu.CompilerParams(
            dimension_semantics=("arbitrary",),
            fuse_transposed_lhs_in_matmul=True,
        ),
    )(tT)


@functools.partial(
    pl.kernel,
    mesh=_mesh,
    out_type=jax.ShapeDtypeStruct((SEQ, D // 8, NBT, 8, BLK), jnp.float32),
    scratch_types=[
        pltpu.VMEM((SEQ, D), jnp.float32),
        pltpu.VMEM((SEQ, BT_PER_W * BLK), jnp.int32),
        pltpu.VMEM((NBUF, BLK, D), jnp.float32),
        pltpu.VMEM((2, D // 8, 8, STAGE_W), jnp.float32),
        pltpu.SemaphoreType.DMA((NBUF,)),
        pltpu.SemaphoreType.DMA((2,)),
    ],
    compiler_params=pltpu.CompilerParams(
        use_tc_tiling_on_sc=False, needs_layout_passes=False
    ),
)
def _sc_lookup(idx_hbm, table_hbm, pos_hbm, out_hbm, pos_v, idx_v, rows_v,
               stage_v, gsems, ssems):
    wid = lax.axis_index("s") * NC + lax.axis_index("c")
    bt0 = wid * BT_PER_W

    pltpu.sync_copy(pos_hbm, pos_v)
    pltpu.sync_copy(idx_hbm.at[:, pl.ds(bt0 * BLK, BT_PER_W * BLK)], idx_v)

    lanes = lax.iota(jnp.int32, 16)
    ct_c = [(lanes + 16 * k) >> 3 for k in range(D // 16)]
    ci_c = [(lanes + 16 * k) & 7 for k in range(D // 16)]

    def gather_start(p, bl, b):
        pltpu.async_copy(
            table_hbm.at[idx_v.at[p, pl.ds(bl * BLK, BLK)]],
            rows_v.at[b], gsems.at[b],
        )

    def gather_wait(p, bl, b):
        pltpu.make_async_copy(
            table_hbm.at[idx_v.at[p, pl.ds(bl * BLK, BLK)]],
            rows_v.at[b], gsems.at[b],
        ).wait()

    def store_start(p, bl, sb):
        pltpu.async_copy(
            stage_v.at[sb, :, :, pl.ds(0, BLK)],
            out_hbm.at[p, :, bt0 + bl, :, :], ssems.at[sb],
        )

    def store_wait(p, bl, sb):
        pltpu.make_async_copy(
            stage_v.at[sb, :, :, pl.ds(0, BLK)],
            out_hbm.at[p, :, bt0 + bl, :, :], ssems.at[sb],
        ).wait()

    for j in range(3):
        gather_start(0, j, j)

    def body(p, carry):
        pv = [pos_v[p, pl.ds(16 * k, 16)] for k in range(D // 16)]
        for j in range(BT_PER_W):
            b = j
            sb = j % 2
            gather_wait(p, j, b)

            jn = (j + 3) % NBUF
            if j == 0:
                gather_start(p, 3, jn)
            else:

                @pl.when(p < SEQ - 1)
                def _():
                    gather_start(p + 1, j - 1, jn)

            if j >= 2:
                store_wait(p, j - 2, sb)
            else:

                @pl.when(p >= 1)
                def _():
                    store_wait(p - 1, j + 2, sb)

            @plsc.parallel_loop(0, BLK, unroll=8)
            def tok(bi):
                bvec = jnp.full((16,), bi, dtype=jnp.int32)
                for k in range(D // 16):
                    val = rows_v[b, bi, pl.ds(16 * k, 16)] * SCALE + pv[k]
                    plsc.store_scatter(
                        stage_v.at[sb], [ct_c[k], ci_c[k], bvec], val
                    )

            store_start(p, j, sb)
        return carry

    lax.fori_loop(0, SEQ, body, 0)

    store_wait(SEQ - 1, BT_PER_W - 2, 0)
    store_wait(SEQ - 1, BT_PER_W - 1, 1)


def kernel(inputs, table):
    idx = inputs.T * 2
    table2 = _tc_transpose(table.T).reshape(2 * VOCAB, D)
    out5 = _sc_lookup(idx, table2, _POS)
    return out5.transpose(2, 4, 0, 1, 3).reshape(BATCH, SEQ, D)

# --- scband reference (transcript-rebuilt; emitter-appended) ---
"""Pipeline reference for scband-positional-encoding-38190849196375 (READ-ONLY COPY).

The authoritative reference and input builder live on the scoring server;
editing this copy changes nothing except your own understanding.
"""

import jax, jax.numpy as jnp
import numpy as np

VOCAB = 1000000
D = 64
MAX_LEN = 50


def positional_encoding(length, depth):
    d = depth / 2
    positions = np.arange(length)[:, np.newaxis]
    depths = np.arange(d)[np.newaxis, :] / d
    angle_rates = 1 / 10000 ** depths
    angle_rads = positions * angle_rates
    pe = np.concatenate([np.sin(angle_rads), np.cos(angle_rads)], axis=-1)
    return jnp.asarray(pe, dtype=jnp.float32)


POS_ENC = positional_encoding(MAX_LEN, D)


def setup_inputs(seed: int = 0) -> dict:
    key = jax.random.key(seed)
    k1, k2 = jax.random.split(key)
    inputs = jax.random.randint(k1, (16384, 50), 0, VOCAB, dtype=jnp.int32)
    table = jax.random.normal(k2, (VOCAB, D), dtype=jnp.float32) * 0.05
    return {"inputs": inputs, "table": table}


def reference(inputs, table):
    length = inputs.shape[1]
    emb = jnp.take(table, inputs, axis=0)
    emb = emb * jnp.sqrt(jnp.asarray(D, jnp.float32))
    emb = emb + POS_ENC[jnp.newaxis, :length, :]
    return emb

if __name__ == "__main__":
    import jax
    _d = setup_inputs()
    print(jax.jit(kernel)(*tuple(_d.values())))

</pallas_src>

<mosaic_0001>
#map = affine_map<(d0, d1) -> (0, 0)>
#map1 = affine_map<(d0, d1) -> (0, 0, 0, 0, 0)>
module attributes {stable_mosaic.version = 14 : i64} {
  func.func @_sc_lookup(%arg0: i32, %arg1: i32, %arg2: memref<50x16384xi32, #tpu.memory_space<hbm>>, %arg3: memref<2000000x64xf32, #tpu.memory_space<hbm>>, %arg4: memref<50x64xf32, #tpu.memory_space<hbm>>, %arg5: memref<50x8x128x8x128xf32, #tpu.memory_space<hbm>>, %arg6: memref<50x64xf32, #tpu.memory_space<vmem>>, %arg7: memref<50x512xi32, #tpu.memory_space<vmem>>, %arg8: memref<4x128x64xf32, #tpu.memory_space<vmem>>, %arg9: memref<2x8x8x129xf32, #tpu.memory_space<vmem>>, %arg10: memref<4x!tpu.dma_semaphore, #tpu.memory_space<semaphore_mem>>, %arg11: memref<2x!tpu.dma_semaphore, #tpu.memory_space<semaphore_mem>>) attributes {dimension_semantics = [#tpu.dimension_semantics<core_parallel>, #tpu.dimension_semantics<subcore_parallel>], iteration_bounds = array<i64: 2, 16>, scalar_prefetch = 0 : i64, scratch_operands = 6 : i64, tpu.core_type = #tpu.core_type<sc_vector_subcore>, window_params = [{transform_indices = #map}, {transform_indices = #map}, {transform_indices = #map}, {transform_indices = #map1}]} {
    %mul3A = arith.constant 2 : i32
    %mul3A_0 = arith.muli %arg1, %mul3A : i32
    %add3A = arith.addi %mul3A_0, %arg0 : i32
    %mul3A_1 = arith.constant 4 : i32
    %mul3A_2 = arith.muli %add3A, %mul3A_1 : i32
    "tpu.region"() ({
      %run_scoped3A = tpu.sem_alloc : memref<!tpu.dma_semaphore, #tpu.memory_space<semaphore_mem>>
      tpu.enqueue_dma source(%arg4 : memref<50x64xf32, #tpu.memory_space<hbm>>) target(%arg6 : memref<50x64xf32, #tpu.memory_space<vmem>>) target_semaphore(%run_scoped3A : memref<!tpu.dma_semaphore, #tpu.memory_space<semaphore_mem>>)
      tpu.wait_dma2 semaphore(%run_scoped3A : memref<!tpu.dma_semaphore, #tpu.memory_space<semaphore_mem>>) src(%arg4 : memref<50x64xf32, #tpu.memory_space<hbm>>) dst(%arg6 : memref<50x64xf32, #tpu.memory_space<vmem>>)
      tpu.yield
    }) : () -> ()
    %mul3A_3 = arith.constant 128 : i32
    %mul3A_4 = arith.muli %mul3A_2, %mul3A_3 : i32
    "tpu.region"() ({
      %run_scoped3A = tpu.sem_alloc : memref<!tpu.dma_semaphore, #tpu.memory_space<semaphore_mem>>
      %dma_start3A_153 = arith.constant 0 : i32
      %dma_start3A_154 = tpu.memref_slice %arg2[%dma_start3A_153, %mul3A_4] : memref<50x16384xi32, #tpu.memory_space<hbm>> -> memref<50x512xi32, #tpu.memory_space<hbm>>
      %dma_start3A_155 = arith.constant 0 : i32
      %dma_start3A_156 = tpu.memref_slice %arg2[%dma_start3A_155, %mul3A_4] : memref<50x16384xi32, #tpu.memory_space<hbm>> -> memref<50x512xi32, #tpu.memory_space<hbm>>
      tpu.enqueue_dma source(%dma_start3A_156 : memref<50x512xi32, #tpu.memory_space<hbm>>) target(%arg7 : memref<50x512xi32, #tpu.memory_space<vmem>>) target_semaphore(%run_scoped3A : memref<!tpu.dma_semaphore, #tpu.memory_space<semaphore_mem>>)
      %dma_wait3A_157 = arith.constant 0 : i32
      %dma_wait3A_158 = tpu.memref_slice %arg2[%dma_wait3A_157, %mul3A_4] : memref<50x16384xi32, #tpu.memory_space<hbm>> -> memref<50x512xi32, #tpu.memory_space<hbm>>
      %dma_wait3A_159 = arith.constant 0 : i32
      %dma_wait3A_160 = tpu.memref_slice %arg2[%dma_wait3A_159, %mul3A_4] : memref<50x16384xi32, #tpu.memory_space<hbm>> -> memref<50x512xi32, #tpu.memory_space<hbm>>
      tpu.wait_dma2 semaphore(%run_scoped3A : memref<!tpu.dma_semaphore, #tpu.memory_space<semaphore_mem>>) src(%dma_wait3A_160 : memref<50x512xi32, #tpu.memory_space<hbm>>) dst(%arg7 : memref<50x512xi32, #tpu.memory_space<vmem>>)
      tpu.yield
    }) : () -> ()
    %iota3A = tpu.iota {dimensions = array<i32: 0>} : vector<16xi32>
    %add3A_5 = arith.constant 0 : i32
    %add3A_6 = vector.broadcast %add3A_5 : i32 to vector<16xi32>
    %add3A_7 = arith.addi %iota3A, %add3A_6 : vector<16xi32>
    %shift_right_arithmetic3A = arith.constant 3 : i32
    %shift_right_arithmetic3A_8 = vector.broadcast %shift_right_arithmetic3A : i32 to vector<16xi32>
    %shift_right_arithmetic3A_9 = arith.shrsi %add3A_7, %shift_right_arithmetic3A_8 : vector<16xi32>
    %add3A_10 = arith.constant 16 : i32
    %add3A_11 = vector.broadcast %add3A_10 : i32 to vector<16xi32>
    %add3A_12 = arith.addi %iota3A, %add3A_11 : vector<16xi32>
    %shift_right_arithmetic3A_13 = arith.constant 3 : i32
    %shift_right_arithmetic3A_14 = vector.broadcast %shift_right_arithmetic3A_13 : i32 to vector<16xi32>
    %shift_right_arithmetic3A_15 = arith.shrsi %add3A_12, %shift_right_arithmetic3A_14 : vector<16xi32>
    %add3A_16 = arith.constant 32 : i32
    %add3A_17 = vector.broadcast %add3A_16 : i32 to vector<16xi32>
    %add3A_18 = arith.addi %iota3A, %add3A_17 : vector<16xi32>
    %shift_right_arithmetic3A_19 = arith.constant 3 : i32
    %shift_right_arithmetic3A_20 = vector.broadcast %shift_right_arithmetic3A_19 : i32 to vector<16xi32>
    %shift_right_arithmetic3A_21 = arith.shrsi %add3A_18, %shift_right_arithmetic3A_20 : vector<16xi32>
    %add3A_22 = arith.constant 48 : i32
    %add3A_23 = vector.broadcast %add3A_22 : i32 to vector<16xi32>
    %add3A_24 = arith.addi %iota3A, %add3A_23 : vector<16xi32>
    %shift_right_arithmetic3A_25 = arith.constant 3 : i32
    %shift_right_arithmetic3A_26 = vector.broadcast %shift_right_arithmetic3A_25 : i32 to vector<16xi32>
    %shift_right_arithmetic3A_27 = arith.shrsi %add3A_24, %shift_right_arithmetic3A_26 : vector<16xi32>
    %add3A_28 = arith.constant 0 : i32
    %add3A_29 = vector.broadcast %add3A_28 : i32 to vector<16xi32>
    %add3A_30 = arith.addi %iota3A, %add3A_29 : vector<16xi32>
    %and3A = arith.constant 7 : i32
    %and3A_31 = vector.broadcast %and3A : i32 to vector<16xi32>
    %and3A_32 = arith.andi %add3A_30, %and3A_31 : vector<16xi32>
    %add3A_33 = arith.constant 16 : i32
    %add3A_34 = vector.broadcast %add3A_33 : i32 to vector<16xi32>
    %add3A_35 = arith.addi %iota3A, %add3A_34 : vector<16xi32>
    %and3A_36 = arith.constant 7 : i32
    %and3A_37 = vector.broadcast %and3A_36 : i32 to vector<16xi32>
    %and3A_38 = arith.andi %add3A_35, %and3A_37 : vector<16xi32>
    %add3A_39 = arith.constant 32 : i32
    %add3A_40 = vector.broadcast %add3A_39 : i32 to vector<16xi32>
    %add3A_41 = arith.addi %iota3A, %add3A_40 : vector<16xi32>
    %and3A_42 = arith.constant 7 : i32
    %and3A_43 = vector.broadcast %and3A_42 : i32 to vector<16xi32>
    %and3A_44 = arith.andi %add3A_41, %and3A_43 : vector<16xi32>
    %add3A_45 = arith.constant 48 : i32
    %add3A_46 = vector.broadcast %add3A_45 : i32 to vector<16xi32>
    %add3A_47 = arith.addi %iota3A, %add3A_46 : vector<16xi32>
    %and3A_48 = arith.constant 7 : i32
    %and3A_49 = vector.broadcast %and3A_48 : i32 to vector<16xi32>
    %and3A_50 = arith.andi %add3A_47, %and3A_49 : vector<16xi32>
    %dma_start3A = arith.constant 0 : i32
    %dma_start3A_51 = arith.constant 0 : i32
    %dma_start3A_52 = arith.constant 0 : i32
    %dma_start3A_53 = arith.constant 0 : i32
    %dma_start3A_54 = arith.constant 0 : i32
    %dma_start3A_55 = tpu.memref_slice %arg8[%dma_start3A_51, %dma_start3A_53, %dma_start3A_54] : memref<4x128x64xf32, #tpu.memory_space<vmem>> -> memref<1x128x64xf32, #tpu.memory_space<vmem>>
    %dma_start3A_56 = tpu.memref_squeeze %dma_start3A_55 : memref<1x128x64xf32, #tpu.memory_space<vmem>> -> memref<128x64xf32, #tpu.memory_space<vmem>>
    %dma_start3A_57 = arith.constant 0 : i32
    %dma_start3A_58 = tpu.memref_slice %arg7[%dma_start3A, %dma_start3A_57] : memref<50x512xi32, #tpu.memory_space<vmem>> -> memref<1x128xi32, #tpu.memory_space<vmem>>
    %dma_start3A_59 = tpu.memref_squeeze %dma_start3A_58 : memref<1x128xi32, #tpu.memory_space<vmem>> -> memref<128xi32, #tpu.memory_space<vmem>>
    %dma_start3A_60 = arith.constant 0 : i32
    %dma_start3A_61 = arith.constant 0 : i32
    %dma_start3A_62 = tpu.memref_slice %arg3[%dma_start3A_60, %dma_start3A_61] : memref<2000000x64xf32, #tpu.memory_space<hbm>> -> memref<2000000x64xf32, #tpu.memory_space<hbm>>
    %dma_start3A_63 = tpu.memref_slice %arg10[%dma_start3A_52] : memref<4x!tpu.dma_semaphore, #tpu.memory_space<semaphore_mem>> -> memref<1x!tpu.dma_semaphore, #tpu.memory_space<semaphore_mem>>
    %dma_start3A_64 = tpu.memref_squeeze %dma_start3A_63 : memref<1x!tpu.dma_semaphore, #tpu.memory_space<semaphore_mem>> -> memref<!tpu.dma_semaphore, #tpu.memory_space<semaphore_mem>>
    tpu.enqueue_indirect_dma source(%dma_start3A_62 : memref<2000000x64xf32, #tpu.memory_space<hbm>>) target(%dma_start3A_56 : memref<128x64xf32, #tpu.memory_space<vmem>>) offsets(%dma_start3A_59 : memref<128xi32, #tpu.memory_space<vmem>>) semaphore(%dma_start3A_64 : memref<!tpu.dma_semaphore, #tpu.memory_space<semaphore_mem>>)
    %dma_start3A_65 = arith.constant 0 : i32
    %dma_start3A_66 = arith.constant 1 : i32
    %dma_start3A_67 = arith.constant 1 : i32
    %dma_start3A_68 = arith.constant 0 : i32
    %dma_start3A_69 = arith.constant 0 : i32
    %dma_start3A_70 = tpu.memref_slice %arg8[%dma_start3A_66, %dma_start3A_68, %dma_start3A_69] : memref<4x128x64xf32, #tpu.memory_space<vmem>> -> memref<1x128x64xf32, #tpu.memory_space<vmem>>
    %dma_start3A_71 = tpu.memref_squeeze %dma_start3A_70 : memref<1x128x64xf32, #tpu.memory_space<vmem>> -> memref<128x64xf32, #tpu.memory_space<vmem>>
    %dma_start3A_72 = arith.constant 128 : i32
    %dma_start3A_73 = tpu.memref_slice %arg7[%dma_start3A_65, %dma_start3A_72] : memref<50x512xi32, #tpu.memory_space<vmem>> -> memref<1x128xi32, #tpu.memory_space<vmem>>
    %dma_start3A_74 = tpu.memref_squeeze %dma_start3A_73 : memref<1x128xi32, #tpu.memory_space<vmem>> -> memref<128xi32, #tpu.memory_space<vmem>>
    %dma_start3A_75 = arith.constant 0 : i32
    %dma_start3A_76 = arith.constant 0 : i32
    %dma_start3A_77 = tpu.memref_slice %arg3[%dma_start3A_75, %dma_start3A_76] : memref<2000000x64xf32, #tpu.memory_space<hbm>> -> memref<2000000x64xf32, #tpu.memory_space<hbm>>
    %dma_start3A_78 = tpu.memref_slice %arg10[%dma_start3A_67] : memref<4x!tpu.dma_semaphore, #tpu.memory_space<semaphore_mem>> -> memref<1x!tpu.dma_semaphore, #tpu.memory_space<semaphore_mem>>
    %dma_start3A_79 = tpu.memref_squeeze %dma_start3A_78 : memref<1x!tpu.dma_semaphore, #tpu.memory_space<semaphore_mem>> -> memref<!tpu.dma_semaphore, #tpu.memory_space<semaphore_mem>>
    tpu.enqueue_indirect_dma source(%dma_start3A_77 : memref<2000000x64xf32, #tpu.memory_space<hbm>>) target(%dma_start3A_71 : memref<128x64xf32, #tpu.memory_space<vmem>>) offsets(%dma_start3A_74 : memref<128xi32, #tpu.memory_space<vmem>>) semaphore(%dma_start3A_79 : memref<!tpu.dma_semaphore, #tpu.memory_space<semaphore_mem>>)
    %dma_start3A_80 = arith.constant 0 : i32
    %dma_start3A_81 = arith.constant 2 : i32
    %dma_start3A_82 = arith.constant 2 : i32
    %dma_start3A_83 = arith.constant 0 : i32
    %dma_start3A_84 = arith.constant 0 : i32
    %dma_start3A_85 = tpu.memref_slice %arg8[%dma_start3A_81, %dma_start3A_83, %dma_start3A_84] : memref<4x128x64xf32, #tpu.memory_space<vmem>> -> memref<1x128x64xf32, #tpu.memory_space<vmem>>
    %dma_start3A_86 = tpu.memref_squeeze %dma_start3A_85 : memref<1x128x64xf32, #tpu.memory_space<vmem>> -> memref<128x64xf32, #tpu.memory_space<vmem>>
    %dma_start3A_87 = arith.constant 256 : i32
    %dma_start3A_88 = tpu.memref_slice %arg7[%dma_start3A_80, %dma_start3A_87] : memref<50x512xi32, #tpu.memory_space<vmem>> -> memref<1x128xi32, #tpu.memory_space<vmem>>
    %dma_start3A_89 = tpu.memref_squeeze %dma_start3A_88 : memref<1x128xi32, #tpu.memory_space<vmem>> -> memref<128xi32, #tpu.memory_space<vmem>>
    %dma_start3A_90 = arith.constant 0 : i32
    %dma_start3A_91 = arith.constant 0 : i32
    %dma_start3A_92 = tpu.memref_slice %arg3[%dma_start3A_90, %dma_start3A_91] : memref<2000000x64xf32, #tpu.memory_space<hbm>> -> memref<2000000x64xf32, #tpu.memory_space<hbm>>
    %dma_start3A_93 = tpu.memref_slice %arg10[%dma_start3A_82] : memref<4x!tpu.dma_semaphore, #tpu.memory_space<semaphore_mem>> -> memref<1x!tpu.dma_semaphore, #tpu.memory_space<semaphore_mem>>
    %dma_start3A_94 = tpu.memref_squeeze %dma_start3A_93 : memref<1x!tpu.dma_semaphore, #tpu.memory_space<semaphore_mem>> -> memref<!tpu.dma_semaphore, #tpu.memory_space<semaphore_mem>>
    tpu.enqueue_indirect_dma source(%dma_start3A_92 : memref<2000000x64xf32, #tpu.memory_space<hbm>>) target(%dma_start3A_86 : memref<128x64xf32, #tpu.memory_space<vmem>>) offsets(%dma_start3A_89 : memref<128xi32, #tpu.memory_space<vmem>>) semaphore(%dma_start3A_94 : memref<!tpu.dma_semaphore, #tpu.memory_space<semaphore_mem>>)
    %scan3A = arith.constant 0 : i32
    %scan3A_95 = arith.constant 0 : i32
    %scan3A_96 = arith.constant 50 : i32
    %scan3A_97 = arith.addi %scan3A_95, %scan3A_96 : i32
    %scan3A_98 = arith.constant 1 : i32
    scf.for %scan3A_153 = %scan3A_95 to %scan3A_97 step %scan3A_98  : i32 {
      %get3A = arith.index_cast %scan3A_153 : i32 to index
      %get3A_154 = arith.constant 0 : index
      %get3A_155 = tpu.vector_load %arg6[%get3A, %get3A_154] {strides = array<i32>} : memref<50x64xf32, #tpu.memory_space<vmem>>, vector<16xf32>,
      %get3A_156 = arith.index_cast %scan3A_153 : i32 to index
      %get3A_157 = arith.constant 16 : index
      %get3A_158 = tpu.vector_load %arg6[%get3A_156, %get3A_157] {strides = array<i32>} : memref<50x64xf32, #tpu.memory_space<vmem>>, vector<16xf32>,
      %get3A_159 = arith.index_cast %scan3A_153 : i32 to index
      %get3A_160 = arith.constant 32 : index
      %get3A_161 = tpu.vector_load %arg6[%get3A_159, %get3A_160] {strides = array<i32>} : memref<50x64xf32, #tpu.memory_space<vmem>>, vector<16xf32>,
      %get3A_162 = arith.index_cast %scan3A_153 : i32 to index
      %get3A_163 = arith.constant 48 : index
      %get3A_164 = tpu.vector_load %arg6[%get3A_162, %get3A_163] {strides = array<i32>} : memref<50x64xf32, #tpu.memory_space<vmem>>, vector<16xf32>,
      %dma_wait3A_165 = arith.constant 0 : i32
      %dma_wait3A_166 = arith.constant 0 : i32
      %dma_wait3A_167 = arith.constant 0 : i32
      %dma_wait3A_168 = arith.constant 0 : i32
      %dma_wait3A_169 = tpu.memref_slice %arg8[%dma_wait3A_165, %dma_wait3A_167, %dma_wait3A_168] : memref<4x128x64xf32, #tpu.memory_space<vmem>> -> memref<1x128x64xf32, #tpu.memory_space<vmem>>
      %dma_wait3A_170 = tpu.memref_squeeze %dma_wait3A_169 : memref<1x128x64xf32, #tpu.memory_space<vmem>> -> memref<128x64xf32, #tpu.memory_space<vmem>>
      %dma_wait3A_171 = arith.constant 0 : i32
      %dma_wait3A_172 = tpu.memref_slice %arg7[%scan3A_153, %dma_wait3A_171] : memref<50x512xi32, #tpu.memory_space<vmem>> -> memref<1x128xi32, #tpu.memory_space<vmem>>
      %dma_wait3A_173 = tpu.memref_squeeze %dma_wait3A_172 : memref<1x128xi32, #tpu.memory_space<vmem>> -> memref<128xi32, #tpu.memory_space<vmem>>
      %dma_wait3A_174 = arith.constant 0 : i32
      %dma_wait3A_175 = arith.constant 0 : i32
      %dma_wait3A_176 = tpu.memref_slice %arg3[%dma_wait3A_174, %dma_wait3A_175] : memref<2000000x64xf32, #tpu.memory_space<hbm>> -> memref<2000000x64xf32, #tpu.memory_space<hbm>>
      %dma_wait3A_177 = tpu.memref_slice %arg10[%dma_wait3A_166] : memref<4x!tpu.dma_semaphore, #tpu.memory_space<semaphore_mem>> -> memref<1x!tpu.dma_semaphore, #tpu.memory_space<semaphore_mem>>
      %dma_wait3A_178 = tpu.memref_squeeze %dma_wait3A_177 : memref<1x!tpu.dma_semaphore, #tpu.memory_space<semaphore_mem>> -> memref<!tpu.dma_semaphore, #tpu.memory_space<semaphore_mem>>
      tpu.wait_indirect_dma semaphore(%dma_wait3A_178 : memref<!tpu.dma_semaphore, #tpu.memory_space<semaphore_mem>>) src(%dma_wait3A_176 : memref<2000000x64xf32, #tpu.memory_space<hbm>>) dst(%dma_wait3A_170 : memref<128x64xf32, #tpu.memory_space<vmem>>)
      %dma_start3A_179 = arith.constant 3 : i32
      %dma_start3A_180 = arith.constant 3 : i32
      %dma_start3A_181 = arith.constant 0 : i32
      %dma_start3A_182 = arith.constant 0 : i32
      %dma_start3A_183 = tpu.memref_slice %arg8[%dma_start3A_179, %dma_start3A_181, %dma_start3A_182] : memref<4x128x64xf32, #tpu.memory_space<vmem>> -> memref<1x128x64xf32, #tpu.memory_space<vmem>>
      %dma_start3A_184 = tpu.memref_squeeze %dma_start3A_183 : memref<1x128x64xf32, #tpu.memory_space<vmem>> -> memref<128x64xf32, #tpu.memory_space<vmem>>
      %dma_start3A_185 = arith.constant 384 : i32
      %dma_start3A_186 = tpu.memref_slice %arg7[%scan3A_153, %dma_start3A_185] : memref<50x512xi32, #tpu.memory_space<vmem>> -> memref<1x128xi32, #tpu.memory_space<vmem>>
      %dma_start3A_187 = tpu.memref_squeeze %dma_start3A_186 : memref<1x128xi32, #tpu.memory_space<vmem>> -> memref<128xi32, #tpu.memory_space<vmem>>
      %dma_start3A_188 = arith.constant 0 : i32
      %dma_start3A_189 = arith.constant 0 : i32
      %dma_start3A_190 = tpu.memref_slice %arg3[%dma_start3A_188, %dma_start3A_189] : memref<2000000x64xf32, #tpu.memory_space<hbm>> -> memref<2000000x64xf32, #tpu.memory_space<hbm>>
      %dma_start3A_191 = tpu.memref_slice %arg10[%dma_start3A_180] : memref<4x!tpu.dma_semaphore, #tpu.memory_space<semaphore_mem>> -> memref<1x!tpu.dma_semaphore, #tpu.memory_space<semaphore_mem>>
      %dma_start3A_192 = tpu.memref_squeeze %dma_start3A_191 : memref<1x!tpu.dma_semaphore, #tpu.memory_space<semaphore_mem>> -> memref<!tpu.dma_semaphore, #tpu.memory_space<semaphore_mem>>
      tpu.enqueue_indirect_dma source(%dma_start3A_190 : memref<2000000x64xf32, #tpu.memory_space<hbm>>) target(%dma_start3A_184 : memref<128x64xf32, #tpu.memory_space<vmem>>) offsets(%dma_start3A_187 : memref<128xi32, #tpu.memory_space<vmem>>) semaphore(%dma_start3A_192 : memref<!tpu.dma_semaphore, #tpu.memory_space<semaphore_mem>>)
      %ge3A = arith.constant 1 : i32
      %ge3A_193 = arith.cmpi sge, %scan3A_153, %ge3A : i32
      %convert_element_type3A = arith.extui %ge3A_193 : i1 to i32
      %cond3A = arith.constant 0 : i32
      %cond3A_194 = arith.cmpi ne, %convert_element_type3A, %cond3A : i32
      scf.if %cond3A_194 {
        %sub3A = arith.constant 1 : i32
        %sub3A_423 = arith.subi %scan3A_153, %sub3A : i32
        %add3A_424 = arith.constant 2 : i32
        %add3A_425 = arith.addi %mul3A_2, %add3A_424 : i32
        %dma_wait3A_426 = arith.constant 0 : i32
        %dma_wait3A_427 = arith.constant 0 : i32
        %dma_wait3A_428 = arith.constant 0 : i32
        %dma_wait3A_429 = arith.constant 0 : i32
        %dma_wait3A_430 = arith.constant 0 : i32
        %dma_wait3A_431 = tpu.memref_slice %arg9[%dma_wait3A_426, %dma_wait3A_428, %dma_wait3A_429, %dma_wait3A_430] : memref<2x8x8x129xf32, #tpu.memory_space<vmem>> -> memref<1x8x8x128xf32, #tpu.memory_space<vmem>>
        %dma_wait3A_432 = tpu.memref_squeeze %dma_wait3A_431 : memref<1x8x8x128xf32, #tpu.memory_space<vmem>> -> memref<8x8x128xf32, #tpu.memory_space<vmem>>
        %dma_wait3A_433 = arith.constant 0 : i32
        %dma_wait3A_434 = arith.constant 0 : i32
        %dma_wait3A_435 = arith.constant 0 : i32
        %dma_wait3A_436 = tpu.memref_slice %arg5[%sub3A_423, %dma_wait3A_433, %add3A_425, %dma_wait3A_434, %dma_wait3A_435] : memref<50x8x128x8x128xf32, #tpu.memory_space<hbm>> -> memref<1x8x1x8x128xf32, #tpu.memory_space<hbm>>
        %dma_wait3A_437 = tpu.memref_squeeze %dma_wait3A_436 : memref<1x8x1x8x128xf32, #tpu.memory_space<hbm>> -> memref<8x8x128xf32, #tpu.memory_space<hbm>>
        %dma_wait3A_438 = tpu.memref_slice %arg11[%dma_wait3A_427] : memref<2x!tpu.dma_semaphore, #tpu.memory_space<semaphore_mem>> -> memref<1x!tpu.dma_semaphore, #tpu.memory_space<semaphore_mem>>
        %dma_wait3A_439 = tpu.memref_squeeze %dma_wait3A_438 : memref<1x!tpu.dma_semaphore, #tpu.memory_space<semaphore_mem>> -> memref<!tpu.dma_semaphore, #tpu.memory_space<semaphore_mem>>
        %dma_wait3A_440 = arith.constant 0 : i32
        %dma_wait3A_441 = arith.constant 0 : i32
        %dma_wait3A_442 = arith.constant 0 : i32
        %dma_wait3A_443 = tpu.memref_slice %arg5[%sub3A_423, %dma_wait3A_440, %add3A_425, %dma_wait3A_441, %dma_wait3A_442] : memref<50x8x128x8x128xf32, #tpu.memory_space<hbm>> -> memref<1x8x1x8x128xf32, #tpu.memory_space<hbm>>
        %dma_wait3A_444 = tpu.memref_squeeze %dma_wait3A_443 : memref<1x8x1x8x128xf32, #tpu.memory_space<hbm>> -> memref<8x8x128xf32, #tpu.memory_space<hbm>>
        %dma_wait3A_445 = arith.constant 0 : i32
        %dma_wait3A_446 = arith.constant 0 : i32
        %dma_wait3A_447 = arith.constant 0 : i32
        %dma_wait3A_448 = tpu.memref_slice %arg9[%dma_wait3A_426, %dma_wait3A_445, %dma_wait3A_446, %dma_wait3A_447] : memref<2x8x8x129xf32, #tpu.memory_space<vmem>> -> memref<1x8x8x128xf32, #tpu.memory_space<vmem>>
        %dma_wait3A_449 = tpu.memref_squeeze %dma_wait3A_448 : memref<1x8x8x128xf32, #tpu.memory_space<vmem>> -> memref<8x8x128xf32, #tpu.memory_space<vmem>>
        tpu.wait_dma2 semaphore(%dma_wait3A_439 : memref<!tpu.dma_semaphore, #tpu.memory_space<semaphore_mem>>) src(%dma_wait3A_449 : memref<8x8x128xf32, #tpu.memory_space<vmem>>) dst(%dma_wait3A_444 : memref<8x8x128xf32, #tpu.memory_space<hbm>>)
      } else {
      }
      %parallel_loop3A = arith.constant 0 : i32
      %parallel_loop3A_195 = arith.constant 128 : i32
      %parallel_loop3A_196 = arith.constant 1 : i32
      scf.for %parallel_loop3A_423 = %parallel_loop3A to %parallel_loop3A_195 step %parallel_loop3A_196  : i32 {
        %parallel_loop3A_424 = vector.broadcast %parallel_loop3A_423 : i32 to vector<16xi32>
        %parallel_loop3A_425 = arith.constant 0 : i32
        %parallel_loop3A_426 = arith.index_cast %parallel_loop3A_425 : i32 to index
        %parallel_loop3A_427 = arith.index_cast %parallel_loop3A_423 : i32 to index
        %parallel_loop3A_428 = arith.constant 0 : index
        %parallel_loop3A_429 = tpu.vector_load %arg8[%parallel_loop3A_426, %parallel_loop3A_427, %parallel_loop3A_428] {strides = array<i32>} : memref<4x128x64xf32, #tpu.memory_space<vmem>>, vector<16xf32>,
        %parallel_loop3A_430 = arith.constant 8.000000e+00 : f32
        %parallel_loop3A_431 = vector.broadcast %parallel_loop3A_430 : f32 to vector<16xf32>
        %parallel_loop3A_432 = arith.mulf %parallel_loop3A_429, %parallel_loop3A_431 : vector<16xf32>
        %parallel_loop3A_433 = arith.addf %parallel_loop3A_432, %get3A_155 : vector<16xf32>
        %parallel_loop3A_434 = arith.constant 0 : i32
        %parallel_loop3A_435 = arith.constant 0 : i32
        %parallel_loop3A_436 = arith.constant 0 : i32
        %parallel_loop3A_437 = arith.constant 0 : i32
        %parallel_loop3A_438 = tpu.memref_slice %arg9[%parallel_loop3A_434, %parallel_loop3A_435, %parallel_loop3A_436, %parallel_loop3A_437] : memref<2x8x8x129xf32, #tpu.memory_space<vmem>> -> memref<1x8x8x129xf32, #tpu.memory_space<vmem>>
        %parallel_loop3A_439 = tpu.memref_squeeze %parallel_loop3A_438 : memref<1x8x8x129xf32, #tpu.memory_space<vmem>> -> memref<8x8x129xf32, #tpu.memory_space<vmem>>
        tpu.vector_store_idx %parallel_loop3A_439[%shift_right_arithmetic3A_9, %and3A_32, %parallel_loop3A_424], %parallel_loop3A_433 : memref<8x8x129xf32, #tpu.memory_space<vmem>>[vector<16xi32>, vector<16xi32>, vector<16xi32>], vector<16xf32>,
        %parallel_loop3A_440 = arith.constant 0 : i32
        %parallel_loop3A_441 = arith.index_cast %parallel_loop3A_440 : i32 to index
        %parallel_loop3A_442 = arith.index_cast %parallel_loop3A_423 : i32 to index
        %parallel_loop3A_443 = arith.constant 16 : index
        %parallel_loop3A_444 = tpu.vector_load %arg8[%parallel_loop3A_441, %parallel_loop3A_442, %parallel_loop3A_443] {strides = array<i32>} : memref<4x128x64xf32, #tpu.memory_space<vmem>>, vector<16xf32>,
        %parallel_loop3A_445 = arith.constant 8.000000e+00 : f32
        %parallel_loop3A_446 = vector.broadcast %parallel_loop3A_445 : f32 to vector<16xf32>
        %parallel_loop3A_447 = arith.mulf %parallel_loop3A_444, %parallel_loop3A_446 : vector<16xf32>
        %parallel_loop3A_448 = arith.addf %parallel_loop3A_447, %get3A_158 : vector<16xf32>
        %parallel_loop3A_449 = arith.constant 0 : i32
        %parallel_loop3A_450 = arith.constant 0 : i32
        %parallel_loop3A_451 = arith.constant 0 : i32
        %parallel_loop3A_452 = arith.constant 0 : i32
        %parallel_loop3A_453 = tpu.memref_slice %arg9[%parallel_loop3A_449, %parallel_loop3A_450, %parallel_loop3A_451, %parallel_loop3A_452] : memref<2x8x8x129xf32, #tpu.memory_space<vmem>> -> memref<1x8x8x129xf32, #tpu.memory_space<vmem>>
        %parallel_loop3A_454 = tpu.memref_squeeze %parallel_loop3A_453 : memref<1x8x8x129xf32, #tpu.memory_space<vmem>> -> memref<8x8x129xf32, #tpu.memory_space<vmem>>
        tpu.vector_store_idx %parallel_loop3A_454[%shift_right_arithmetic3A_15, %and3A_38, %parallel_loop3A_424], %parallel_loop3A_448 : memref<8x8x129xf32, #tpu.memory_space<vmem>>[vector<16xi32>, vector<16xi32>, vector<16xi32>], vector<16xf32>,
        %parallel_loop3A_455 = arith.constant 0 : i32
        %parallel_loop3A_456 = arith.index_cast %parallel_loop3A_455 : i32 to index
        %parallel_loop3A_457 = arith.index_cast %parallel_loop3A_423 : i32 to index
        %parallel_loop3A_458 = arith.constant 32 : index
        %parallel_loop3A_459 = tpu.vector_load %arg8[%parallel_loop3A_456, %parallel_loop3A_457, %parallel_loop3A_458] {strides = array<i32>} : memref<4x128x64xf32, #tpu.memory_space<vmem>>, vector<16xf32>,
        %parallel_loop3A_460 = arith.constant 8.000000e+00 : f32
        %parallel_loop3A_461 = vector.broadcast %parallel_loop3A_460 : f32 to vector<16xf32>
        %parallel_loop3A_462 = arith.mulf %parallel_loop3A_459, %parallel_loop3A_461 : vector<16xf32>
        %parallel_loop3A_463 = arith.addf %parallel_loop3A_462, %get3A_161 : vector<16xf32>
        %parallel_loop3A_464 = arith.constant 0 : i32
        %parallel_loop3A_465 = arith.constant 0 : i32
        %parallel_loop3A_466 = arith.constant 0 : i32
        %parallel_loop3A_467 = arith.constant 0 : i32
        %parallel_loop3A_468 = tpu.memref_slice %arg9[%parallel_loop3A_464, %parallel_loop3A_465, %parallel_loop3A_466, %parallel_loop3A_467] : memref<2x8x8x129xf32, #tpu.memory_space<vmem>> -> memref<1x8x8x129xf32, #tpu.memory_space<vmem>>
        %parallel_loop3A_469 = tpu.memref_squeeze %parallel_loop3A_468 : memref<1x8x8x129xf32, #tpu.memory_space<vmem>> -> memref<8x8x129xf32, #tpu.memory_space<vmem>>
        tpu.vector_store_idx %parallel_loop3A_469[%shift_right_arithmetic3A_21, %and3A_44, %parallel_loop3A_424], %parallel_loop3A_463 : memref<8x8x129xf32, #tpu.memory_space<vmem>>[vector<16xi32>, vector<16xi32>, vector<16xi32>], vector<16xf32>,
        %parallel_loop3A_470 = arith.constant 0 : i32
        %parallel_loop3A_471 = arith.index_cast %parallel_loop3A_470 : i32 to index
        %parallel_loop3A_472 = arith.index_cast %parallel_loop3A_423 : i32 to index
        %parallel_loop3A_473 = arith.constant 48 : index
        %parallel_loop3A_474 = tpu.vector_load %arg8[%parallel_loop3A_471, %parallel_loop3A_472, %parallel_loop3A_473] {strides = array<i32>} : memref<4x128x64xf32, #tpu.memory_space<vmem>>, vector<16xf32>,
        %parallel_loop3A_475 = arith.constant 8.000000e+00 : f32
        %parallel_loop3A_476 = vector.broadcast %parallel_loop3A_475 : f32 to vector<16xf32>
        %parallel_loop3A_477 = arith.mulf %parallel_loop3A_474, %parallel_loop3A_476 : vector<16xf32>
        %parallel_loop3A_478 = arith.addf %parallel_loop3A_477, %get3A_164 : vector<16xf32>
        %parallel_loop3A_479 = arith.constant 0 : i32
        %parallel_loop3A_480 = arith.constant 0 : i32
        %parallel_loop3A_481 = arith.constant 0 : i32
        %parallel_loop3A_482 = arith.constant 0 : i32
        %parallel_loop3A_483 = tpu.memref_slice %arg9[%parallel_loop3A_479, %parallel_loop3A_480, %parallel_loop3A_481, %parallel_loop3A_482] : memref<2x8x8x129xf32, #tpu.memory_space<vmem>> -> memref<1x8x8x129xf32, #tpu.memory_space<vmem>>
        %parallel_loop3A_484 = tpu.memref_squeeze %parallel_loop3A_483 : memref<1x8x8x129xf32, #tpu.memory_space<vmem>> -> memref<8x8x129xf32, #tpu.memory_space<vmem>>
        tpu.vector_store_idx %parallel_loop3A_484[%shift_right_arithmetic3A_27, %and3A_50, %parallel_loop3A_424], %parallel_loop3A_478 : memref<8x8x129xf32, #tpu.memory_space<vmem>>[vector<16xi32>, vector<16xi32>, vector<16xi32>], vector<16xf32>,
      } {sc.loop_unroll_factor = 8 : i64, sc.parallel_access}
      %add3A_197 = arith.constant 0 : i32
      %add3A_198 = arith.addi %mul3A_2, %add3A_197 : i32
      %dma_start3A_199 = arith.constant 0 : i32
      %dma_start3A_200 = arith.constant 0 : i32
      %dma_start3A_201 = arith.constant 0 : i32
      %dma_start3A_202 = arith.constant 0 : i32
      %dma_start3A_203 = arith.constant 0 : i32
      %dma_start3A_204 = tpu.memref_slice %arg9[%dma_start3A_199, %dma_start3A_201, %dma_start3A_202, %dma_start3A_203] : memref<2x8x8x129xf32, #tpu.memory_space<vmem>> -> memref<1x8x8x128xf32, #tpu.memory_space<vmem>>
      %dma_start3A_205 = tpu.memref_squeeze %dma_start3A_204 : memref<1x8x8x128xf32, #tpu.memory_space<vmem>> -> memref<8x8x128xf32, #tpu.memory_space<vmem>>
      %dma_start3A_206 = arith.constant 0 : i32
      %dma_start3A_207 = arith.constant 0 : i32
      %dma_start3A_208 = arith.constant 0 : i32
      %dma_start3A_209 = tpu.memref_slice %arg5[%scan3A_153, %dma_start3A_206, %add3A_198, %dma_start3A_207, %dma_start3A_208] : memref<50x8x128x8x128xf32, #tpu.memory_space<hbm>> -> memref<1x8x1x8x128xf32, #tpu.memory_space<hbm>>
      %dma_start3A_210 = tpu.memref_squeeze %dma_start3A_209 : memref<1x8x1x8x128xf32, #tpu.memory_space<hbm>> -> memref<8x8x128xf32, #tpu.memory_space<hbm>>
      %dma_start3A_211 = tpu.memref_slice %arg11[%dma_start3A_200] : memref<2x!tpu.dma_semaphore, #tpu.memory_space<semaphore_mem>> -> memref<1x!tpu.dma_semaphore, #tpu.memory_space<semaphore_mem>>
      %dma_start3A_212 = tpu.memref_squeeze %dma_start3A_211 : memref<1x!tpu.dma_semaphore, #tpu.memory_space<semaphore_mem>> -> memref<!tpu.dma_semaphore, #tpu.memory_space<semaphore_mem>>
      %dma_start3A_213 = arith.constant 0 : i32
      %dma_start3A_214 = arith.constant 0 : i32
      %dma_start3A_215 = arith.constant 0 : i32
      %dma_start3A_216 = tpu.memref_slice %arg5[%scan3A_153, %dma_start3A_213, %add3A_198, %dma_start3A_214, %dma_start3A_215] : memref<50x8x128x8x128xf32, #tpu.memory_space<hbm>> -> memref<1x8x1x8x128xf32, #tpu.memory_space<hbm>>
      %dma_start3A_217 = tpu.memref_squeeze %dma_start3A_216 : memref<1x8x1x8x128xf32, #tpu.memory_space<hbm>> -> memref<8x8x128xf32, #tpu.memory_space<hbm>>
      %dma_start3A_218 = arith.constant 0 : i32
      %dma_start3A_219 = arith.constant 0 : i32
      %dma_start3A_220 = arith.constant 0 : i32
      %dma_start3A_221 = tpu.memref_slice %arg9[%dma_start3A_199, %dma_start3A_218, %dma_start3A_219, %dma_start3A_220] : memref<2x8x8x129xf32, #tpu.memory_space<vmem>> -> memref<1x8x8x128xf32, #tpu.memory_space<vmem>>
      %dma_start3A_222 = tpu.memref_squeeze %dma_start3A_221 : memref<1x8x8x128xf32, #tpu.memory_space<vmem>> -> memref<8x8x128xf32, #tpu.memory_space<vmem>>
      tpu.enqueue_dma source(%dma_start3A_222 : memref<8x8x128xf32, #tpu.memory_space<vmem>>) target(%dma_start3A_217 : memref<8x8x128xf32, #tpu.memory_space<hbm>>) target_semaphore(%dma_start3A_212 : memref<!tpu.dma_semaphore, #tpu.memory_space<semaphore_mem>>)
      %dma_wait3A_223 = arith.constant 1 : i32
      %dma_wait3A_224 = arith.constant 1 : i32
      %dma_wait3A_225 = arith.constant 0 : i32
      %dma_wait3A_226 = arith.constant 0 : i32
      %dma_wait3A_227 = tpu.memref_slice %arg8[%dma_wait3A_223, %dma_wait3A_225, %dma_wait3A_226] : memref<4x128x64xf32, #tpu.memory_space<vmem>> -> memref<1x128x64xf32, #tpu.memory_space<vmem>>
      %dma_wait3A_228 = tpu.memref_squeeze %dma_wait3A_227 : memref<1x128x64xf32, #tpu.memory_space<vmem>> -> memref<128x64xf32, #tpu.memory_space<vmem>>
      %dma_wait3A_229 = arith.constant 128 : i32
      %dma_wait3A_230 = tpu.memref_slice %arg7[%scan3A_153, %dma_wait3A_229] : memref<50x512xi32, #tpu.memory_space<vmem>> -> memref<1x128xi32, #tpu.memory_space<vmem>>
      %dma_wait3A_231 = tpu.memref_squeeze %dma_wait3A_230 : memref<1x128xi32, #tpu.memory_space<vmem>> -> memref<128xi32, #tpu.memory_space<vmem>>
      %dma_wait3A_232 = arith.constant 0 : i32
      %dma_wait3A_233 = arith.constant 0 : i32
      %dma_wait3A_234 = tpu.memref_slice %arg3[%dma_wait3A_232, %dma_wait3A_233] : memref<2000000x64xf32, #tpu.memory_space<hbm>> -> memref<2000000x64xf32, #tpu.memory_space<hbm>>
      %dma_wait3A_235 = tpu.memref_slice %arg10[%dma_wait3A_224] : memref<4x!tpu.dma_semaphore, #tpu.memory_space<semaphore_mem>> -> memref<1x!tpu.dma_semaphore, #tpu.memory_space<semaphore_mem>>
      %dma_wait3A_236 = tpu.memref_squeeze %dma_wait3A_235 : memref<1x!tpu.dma_semaphore, #tpu.memory_space<semaphore_mem>> -> memref<!tpu.dma_semaphore, #tpu.memory_space<semaphore_mem>>
      tpu.wait_indirect_dma semaphore(%dma_wait3A_236 : memref<!tpu.dma_semaphore, #tpu.memory_space<semaphore_mem>>) src(%dma_wait3A_234 : memref<2000000x64xf32, #tpu.memory_space<hbm>>) dst(%dma_wait3A_228 : memref<128x64xf32, #tpu.memory_space<vmem>>)
      %lt3A = arith.constant 49 : i32
      %lt3A_237 = arith.cmpi slt, %scan3A_153, %lt3A : i32
      %convert_element_type3A_238 = arith.extui %lt3A_237 : i1 to i32
      %cond3A_239 = arith.constant 0 : i32
      %cond3A_240 = arith.cmpi ne, %convert_element_type3A_238, %cond3A_239 : i32
      scf.if %cond3A_240 {
        %add3A_423 = arith.constant 1 : i32
        %add3A_424 = arith.addi %scan3A_153, %add3A_423 : i32
        %dma_start3A_425 = arith.constant 0 : i32
        %dma_start3A_426 = arith.constant 0 : i32
        %dma_start3A_427 = arith.constant 0 : i32
        %dma_start3A_428 = arith.constant 0 : i32
        %dma_start3A_429 = tpu.memref_slice %arg8[%dma_start3A_425, %dma_start3A_427, %dma_start3A_428] : memref<4x128x64xf32, #tpu.memory_space<vmem>> -> memref<1x128x64xf32, #tpu.memory_space<vmem>>
        %dma_start3A_430 = tpu.memref_squeeze %dma_start3A_429 : memref<1x128x64xf32, #tpu.memory_space<vmem>> -> memref<128x64xf32, #tpu.memory_space<vmem>>
        %dma_start3A_431 = arith.constant 0 : i32
        %dma_start3A_432 = tpu.memref_slice %arg7[%add3A_424, %dma_start3A_431] : memref<50x512xi32, #tpu.memory_space<vmem>> -> memref<1x128xi32, #tpu.memory_space<vmem>>
        %dma_start3A_433 = tpu.memref_squeeze %dma_start3A_432 : memref<1x128xi32, #tpu.memory_space<vmem>> -> memref<128xi32, #tpu.memory_space<vmem>>
        %dma_start3A_434 = arith.constant 0 : i32
        %dma_start3A_435 = arith.constant 0 : i32
        %dma_start3A_436 = tpu.memref_slice %arg3[%dma_start3A_434, %dma_start3A_435] : memref<2000000x64xf32, #tpu.memory_space<hbm>> -> memref<2000000x64xf32, #tpu.memory_space<hbm>>
        %dma_start3A_437 = tpu.memref_slice %arg10[%dma_start3A_426] : memref<4x!tpu.dma_semaphore, #tpu.memory_space<semaphore_mem>> -> memref<1x!tpu.dma_semaphore, #tpu.memory_space<semaphore_mem>>
        %dma_start3A_438 = tpu.memref_squeeze %dma_start3A_437 : memref<1x!tpu.dma_semaphore, #tpu.memory_space<semaphore_mem>> -> memref<!tpu.dma_semaphore, #tpu.memory_space<semaphore_mem>>
        tpu.enqueue_indirect_dma source(%dma_start3A_436 : memref<2000000x64xf32, #tpu.memory_space<hbm>>) target(%dma_start3A_430 : memref<128x64xf32, #tpu.memory_space<vmem>>) offsets(%dma_start3A_433 : memref<128xi32, #tpu.memory_space<vmem>>) semaphore(%dma_start3A_438 : memref<!tpu.dma_semaphore, #tpu.memory_space<semaphore_mem>>)
      } else {
      }
      %ge3A_241 = arith.constant 1 : i32
      %ge3A_242 = arith.cmpi sge, %scan3A_153, %ge3A_241 : i32
      %convert_element_type3A_243 = arith.extui %ge3A_242 : i1 to i32
      %cond3A_244 = arith.constant 0 : i32
      %cond3A_245 = arith.cmpi ne, %convert_element_type3A_243, %cond3A_244 : i32
      scf.if %cond3A_245 {
        %sub3A = arith.constant 1 : i32
        %sub3A_423 = arith.subi %scan3A_153, %sub3A : i32
        %add3A_424 = arith.constant 3 : i32
        %add3A_425 = arith.addi %mul3A_2, %add3A_424 : i32
        %dma_wait3A_426 = arith.constant 1 : i32
        %dma_wait3A_427 = arith.constant 1 : i32
        %dma_wait3A_428 = arith.constant 0 : i32
        %dma_wait3A_429 = arith.constant 0 : i32
        %dma_wait3A_430 = arith.constant 0 : i32
        %dma_wait3A_431 = tpu.memref_slice %arg9[%dma_wait3A_426, %dma_wait3A_428, %dma_wait3A_429, %dma_wait3A_430] : memref<2x8x8x129xf32, #tpu.memory_space<vmem>> -> memref<1x8x8x128xf32, #tpu.memory_space<vmem>>
        %dma_wait3A_432 = tpu.memref_squeeze %dma_wait3A_431 : memref<1x8x8x128xf32, #tpu.memory_space<vmem>> -> memref<8x8x128xf32, #tpu.memory_space<vmem>>
        %dma_wait3A_433 = arith.constant 0 : i32
        %dma_wait3A_434 = arith.constant 0 : i32
        %dma_wait3A_435 = arith.constant 0 : i32
        %dma_wait3A_436 = tpu.memref_slice %arg5[%sub3A_423, %dma_wait3A_433, %add3A_425, %dma_wait3A_434, %dma_wait3A_435] : memref<50x8x128x8x128xf32, #tpu.memory_space<hbm>> -> memref<1x8x1x8x128xf32, #tpu.memory_space<hbm>>
        %dma_wait3A_437 = tpu.memref_squeeze %dma_wait3A_436 : memref<1x8x1x8x128xf32, #tpu.memory_space<hbm>> -> memref<8x8x128xf32, #tpu.memory_space<hbm>>
        %dma_wait3A_438 = tpu.memref_slice %arg11[%dma_wait3A_427] : memref<2x!tpu.dma_semaphore, #tpu.memory_space<semaphore_mem>> -> memref<1x!tpu.dma_semaphore, #tpu.memory_space<semaphore_mem>>
        %dma_wait3A_439 = tpu.memref_squeeze %dma_wait3A_438 : memref<1x!tpu.dma_semaphore, #tpu.memory_space<semaphore_mem>> -> memref<!tpu.dma_semaphore, #tpu.memory_space<semaphore_mem>>
        %dma_wait3A_440 = arith.constant 0 : i32
        %dma_wait3A_441 = arith.constant 0 : i32
        %dma_wait3A_442 = arith.constant 0 : i32
        %dma_wait3A_443 = tpu.memref_slice %arg5[%sub3A_423, %dma_wait3A_440, %add3A_425, %dma_wait3A_441, %dma_wait3A_442] : memref<50x8x128x8x128xf32, #tpu.memory_space<hbm>> -> memref<1x8x1x8x128xf32, #tpu.memory_space<hbm>>
        %dma_wait3A_444 = tpu.memref_squeeze %dma_wait3A_443 : memref<1x8x1x8x128xf32, #tpu.memory_space<hbm>> -> memref<8x8x128xf32, #tpu.memory_space<hbm>>
        %dma_wait3A_445 = arith.constant 0 : i32
        %dma_wait3A_446 = arith.constant 0 : i32
        %dma_wait3A_447 = arith.constant 0 : i32
        %dma_wait3A_448 = tpu.memref_slice %arg9[%dma_wait3A_426, %dma_wait3A_445, %dma_wait3A_446, %dma_wait3A_447] : memref<2x8x8x129xf32, #tpu.memory_space<vmem>> -> memref<1x8x8x128xf32, #tpu.memory_space<vmem>>
        %dma_wait3A_449 = tpu.memref_squeeze %dma_wait3A_448 : memref<1x8x8x128xf32, #tpu.memory_space<vmem>> -> memref<8x8x128xf32, #tpu.memory_space<vmem>>
        tpu.wait_dma2 semaphore(%dma_wait3A_439 : memref<!tpu.dma_semaphore, #tpu.memory_space<semaphore_mem>>) src(%dma_wait3A_449 : memref<8x8x128xf32, #tpu.memory_space<vmem>>) dst(%dma_wait3A_444 : memref<8x8x128xf32, #tpu.memory_space<hbm>>)
      } else {
      }
      %parallel_loop3A_246 = arith.constant 0 : i32
      %parallel_loop3A_247 = arith.constant 128 : i32
      %parallel_loop3A_248 = arith.constant 1 : i32
      scf.for %parallel_loop3A_423 = %parallel_loop3A_246 to %parallel_loop3A_247 step %parallel_loop3A_248  : i32 {
        %parallel_loop3A_424 = vector.broadcast %parallel_loop3A_423 : i32 to vector<16xi32>
        %parallel_loop3A_425 = arith.constant 1 : i32
        %parallel_loop3A_426 = arith.index_cast %parallel_loop3A_425 : i32 to index
        %parallel_loop3A_427 = arith.index_cast %parallel_loop3A_423 : i32 to index
        %parallel_loop3A_428 = arith.constant 0 : index
        %parallel_loop3A_429 = tpu.vector_load %arg8[%parallel_loop3A_426, %parallel_loop3A_427, %parallel_loop3A_428] {strides = array<i32>} : memref<4x128x64xf32, #tpu.memory_space<vmem>>, vector<16xf32>,
        %parallel_loop3A_430 = arith.constant 8.000000e+00 : f32
        %parallel_loop3A_431 = vector.broadcast %parallel_loop3A_430 : f32 to vector<16xf32>
        %parallel_loop3A_432 = arith.mulf %parallel_loop3A_429, %parallel_loop3A_431 : vector<16xf32>
        %parallel_loop3A_433 = arith.addf %parallel_loop3A_432, %get3A_155 : vector<16xf32>
        %parallel_loop3A_434 = arith.constant 1 : i32
        %parallel_loop3A_435 = arith.constant 0 : i32
        %parallel_loop3A_436 = arith.constant 0 : i32
        %parallel_loop3A_437 = arith.constant 0 : i32
        %parallel_loop3A_438 = tpu.memref_slice %arg9[%parallel_loop3A_434, %parallel_loop3A_435, %parallel_loop3A_436, %parallel_loop3A_437] : memref<2x8x8x129xf32, #tpu.memory_space<vmem>> -> memref<1x8x8x129xf32, #tpu.memory_space<vmem>>
        %parallel_loop3A_439 = tpu.memref_squeeze %parallel_loop3A_438 : memref<1x8x8x129xf32, #tpu.memory_space<vmem>> -> memref<8x8x129xf32, #tpu.memory_space<vmem>>
        tpu.vector_store_idx %parallel_loop3A_439[%shift_right_arithmetic3A_9, %and3A_32, %parallel_loop3A_424], %parallel_loop3A_433 : memref<8x8x129xf32, #tpu.memory_space<vmem>>[vector<16xi32>, vector<16xi32>, vector<16xi32>], vector<16xf32>,
        %parallel_loop3A_440 = arith.constant 1 : i32
        %parallel_loop3A_441 = arith.index_cast %parallel_loop3A_440 : i32 to index
        %parallel_loop3A_442 = arith.index_cast %parallel_loop3A_423 : i32 to index
        %parallel_loop3A_443 = arith.constant 16 : index
        %parallel_loop3A_444 = tpu.vector_load %arg8[%parallel_loop3A_441, %parallel_loop3A_442, %parallel_loop3A_443] {strides = array<i32>} : memref<4x128x64xf32, #tpu.memory_space<vmem>>, vector<16xf32>,
        %parallel_loop3A_445 = arith.constant 8.000000e+00 : f32
        %parallel_loop3A_446 = vector.broadcast %parallel_loop3A_445 : f32 to vector<16xf32>
        %parallel_loop3A_447 = arith.mulf %parallel_loop3A_444, %parallel_loop3A_446 : vector<16xf32>
        %parallel_loop3A_448 = arith.addf %parallel_loop3A_447, %get3A_158 : vector<16xf32>
        %parallel_loop3A_449 = arith.constant 1 : i32
        %parallel_loop3A_450 = arith.constant 0 : i32
        %parallel_loop3A_451 = arith.constant 0 : i32
        %parallel_loop3A_452 = arith.constant 0 : i32
        %parallel_loop3A_453 = tpu.memref_slice %arg9[%parallel_loop3A_449, %parallel_loop3A_450, %parallel_loop3A_451, %parallel_loop3A_452] : memref<2x8x8x129xf32, #tpu.memory_space<vmem>> -> memref<1x8x8x129xf32, #tpu.memory_space<vmem>>
        %parallel_loop3A_454 = tpu.memref_squeeze %parallel_loop3A_453 : memref<1x8x8x129xf32, #tpu.memory_space<vmem>> -> memref<8x8x129xf32, #tpu.memory_space<vmem>>
        tpu.vector_store_idx %parallel_loop3A_454[%shift_right_arithmetic3A_15, %and3A_38, %parallel_loop3A_424], %parallel_loop3A_448 : memref<8x8x129xf32, #tpu.memory_space<vmem>>[vector<16xi32>, vector<16xi32>, vector<16xi32>], vector<16xf32>,
        %parallel_loop3A_455 = arith.constant 1 : i32
        %parallel_loop3A_456 = arith.index_cast %parallel_loop3A_455 : i32 to index
        %parallel_loop3A_457 = arith.index_cast %parallel_loop3A_423 : i32 to index
        %parallel_loop3A_458 = arith.constant 32 : index
        %parallel_loop3A_459 = tpu.vector_load %arg8[%parallel_loop3A_456, %parallel_loop3A_457, %parallel_loop3A_458] {strides = array<i32>} : memref<4x128x64xf32, #tpu.memory_space<vmem>>, vector<16xf32>,
        %parallel_loop3A_460 = arith.constant 8.000000e+00 : f32
        %parallel_loop3A_461 = vector.broadcast %parallel_loop3A_460 : f32 to vector<16xf32>
        %parallel_loop3A_462 = arith.mulf %parallel_loop3A_459, %parallel_loop3A_461 : vector<16xf32>
        %parallel_loop3A_463 = arith.addf %parallel_loop3A_462, %get3A_161 : vector<16xf32>
        %parallel_loop3A_464 = arith.constant 1 : i32
        %parallel_loop3A_465 = arith.constant 0 : i32
        %parallel_loop3A_466 = arith.constant 0 : i32
        %parallel_loop3A_467 = arith.constant 0 : i32
        %parallel_loop3A_468 = tpu.memref_slice %arg9[%parallel_loop3A_464, %parallel_loop3A_465, %parallel_loop3A_466, %parallel_loop3A_467] : memref<2x8x8x129xf32, #tpu.memory_space<vmem>> -> memref<1x8x8x129xf32, #tpu.memory_space<vmem>>
        %parallel_loop3A_469 = tpu.memref_squeeze %parallel_loop3A_468 : memref<1x8x8x129xf32, #tpu.memory_space<vmem>> -> memref<8x8x129xf32, #tpu.memory_space<vmem>>
        tpu.vector_store_idx %parallel_loop3A_469[%shift_right_arithmetic3A_21, %and3A_44, %parallel_loop3A_424], %parallel_loop3A_463 : memref<8x8x129xf32, #tpu.memory_space<vmem>>[vector<16xi32>, vector<16xi32>, vector<16xi32>], vector<16xf32>,
        %parallel_loop3A_470 = arith.constant 1 : i32
        %parallel_loop3A_471 = arith.index_cast %parallel_loop3A_470 : i32 to index
        %parallel_loop3A_472 = arith.index_cast %parallel_loop3A_423 : i32 to index
        %parallel_loop3A_473 = arith.constant 48 : index
        %parallel_loop3A_474 = tpu.vector_load %arg8[%parallel_loop3A_471, %parallel_loop3A_472, %parallel_loop3A_473] {strides = array<i32>} : memref<4x128x64xf32, #tpu.memory_space<vmem>>, vector<16xf32>,
        %parallel_loop3A_475 = arith.constant 8.000000e+00 : f32
        %parallel_loop3A_476 = vector.broadcast %parallel_loop3A_475 : f32 to vector<16xf32>
        %parallel_loop3A_477 = arith.mulf %parallel_loop3A_474, %parallel_loop3A_476 : vector<16xf32>
        %parallel_loop3A_478 = arith.addf %parallel_loop3A_477, %get3A_164 : vector<16xf32>
        %parallel_loop3A_479 = arith.constant 1 : i32
        %parallel_loop3A_480 = arith.constant 0 : i32
        %parallel_loop3A_481 = arith.constant 0 : i32
        %parallel_loop3A_482 = arith.constant 0 : i32
        %parallel_loop3A_483 = tpu.memref_slice %arg9[%parallel_loop3A_479, %parallel_loop3A_480, %parallel_loop3A_481, %parallel_loop3A_482] : memref<2x8x8x129xf32, #tpu.memory_space<vmem>> -> memref<1x8x8x129xf32, #tpu.memory_space<vmem>>
        %parallel_loop3A_484 = tpu.memref_squeeze %parallel_loop3A_483 : memref<1x8x8x129xf32, #tpu.memory_space<vmem>> -> memref<8x8x129xf32, #tpu.memory_space<vmem>>
        tpu.vector_store_idx %parallel_loop3A_484[%shift_right_arithmetic3A_27, %and3A_50, %parallel_loop3A_424], %parallel_loop3A_478 : memref<8x8x129xf32, #tpu.memory_space<vmem>>[vector<16xi32>, vector<16xi32>, vector<16xi32>], vector<16xf32>,
      } {sc.loop_unroll_factor = 8 : i64, sc.parallel_access}
      %add3A_249 = arith.constant 1 : i32
      %add3A_250 = arith.addi %mul3A_2, %add3A_249 : i32
      %dma_start3A_251 = arith.constant 1 : i32
      %dma_start3A_252 = arith.constant 1 : i32
      %dma_start3A_253 = arith.constant 0 : i32
      %dma_start3A_254 = arith.constant 0 : i32
      %dma_start3A_255 = arith.constant 0 : i32
      %dma_start3A_256 = tpu.memref_slice %arg9[%dma_start3A_251, %dma_start3A_253, %dma_start3A_254, %dma_start3A_255] : memref<2x8x8x129xf32, #tpu.memory_space<vmem>> -> memref<1x8x8x128xf32, #tpu.memory_space<vmem>>
      %dma_start3A_257 = tpu.memref_squeeze %dma_start3A_256 : memref<1x8x8x128xf32, #tpu.memory_space<vmem>> -> memref<8x8x128xf32, #tpu.memory_space<vmem>>
      %dma_start3A_258 = arith.constant 0 : i32
      %dma_start3A_259 = arith.constant 0 : i32
      %dma_start3A_260 = arith.constant 0 : i32
      %dma_start3A_261 = tpu.memref_slice %arg5[%scan3A_153, %dma_start3A_258, %add3A_250, %dma_start3A_259, %dma_start3A_260] : memref<50x8x128x8x128xf32, #tpu.memory_space<hbm>> -> memref<1x8x1x8x128xf32, #tpu.memory_space<hbm>>
      %dma_start3A_262 = tpu.memref_squeeze %dma_start3A_261 : memref<1x8x1x8x128xf32, #tpu.memory_space<hbm>> -> memref<8x8x128xf32, #tpu.memory_space<hbm>>
      %dma_start3A_263 = tpu.memref_slice %arg11[%dma_start3A_252] : memref<2x!tpu.dma_semaphore, #tpu.memory_space<semaphore_mem>> -> memref<1x!tpu.dma_semaphore, #tpu.memory_space<semaphore_mem>>
      %dma_start3A_264 = tpu.memref_squeeze %dma_start3A_263 : memref<1x!tpu.dma_semaphore, #tpu.memory_space<semaphore_mem>> -> memref<!tpu.dma_semaphore, #tpu.memory_space<semaphore_mem>>
      %dma_start3A_265 = arith.constant 0 : i32
      %dma_start3A_266 = arith.constant 0 : i32
      %dma_start3A_267 = arith.constant 0 : i32
      %dma_start3A_268 = tpu.memref_slice %arg5[%scan3A_153, %dma_start3A_265, %add3A_250, %dma_start3A_266, %dma_start3A_267] : memref<50x8x128x8x128xf32, #tpu.memory_space<hbm>> -> memref<1x8x1x8x128xf32, #tpu.memory_space<hbm>>
      %dma_start3A_269 = tpu.memref_squeeze %dma_start3A_268 : memref<1x8x1x8x128xf32, #tpu.memory_space<hbm>> -> memref<8x8x128xf32, #tpu.memory_space<hbm>>
      %dma_start3A_270 = arith.constant 0 : i32
      %dma_start3A_271 = arith.constant 0 : i32
      %dma_start3A_272 = arith.constant 0 : i32
      %dma_start3A_273 = tpu.memref_slice %arg9[%dma_start3A_251, %dma_start3A_270, %dma_start3A_271, %dma_start3A_272] : memref<2x8x8x129xf32, #tpu.memory_space<vmem>> -> memref<1x8x8x128xf32, #tpu.memory_space<vmem>>
      %dma_start3A_274 = tpu.memref_squeeze %dma_start3A_273 : memref<1x8x8x128xf32, #tpu.memory_space<vmem>> -> memref<8x8x128xf32, #tpu.memory_space<vmem>>
      tpu.enqueue_dma source(%dma_start3A_274 : memref<8x8x128xf32, #tpu.memory_space<vmem>>) target(%dma_start3A_269 : memref<8x8x128xf32, #tpu.memory_space<hbm>>) target_semaphore(%dma_start3A_264 : memref<!tpu.dma_semaphore, #tpu.memory_space<semaphore_mem>>)
      %dma_wait3A_275 = arith.constant 2 : i32
      %dma_wait3A_276 = arith.constant 2 : i32
      %dma_wait3A_277 = arith.constant 0 : i32
      %dma_wait3A_278 = arith.constant 0 : i32
      %dma_wait3A_279 = tpu.memref_slice %arg8[%dma_wait3A_275, %dma_wait3A_277, %dma_wait3A_278] : memref<4x128x64xf32, #tpu.memory_space<vmem>> -> memref<1x128x64xf32, #tpu.memory_space<vmem>>
      %dma_wait3A_280 = tpu.memref_squeeze %dma_wait3A_279 : memref<1x128x64xf32, #tpu.memory_space<vmem>> -> memref<128x64xf32, #tpu.memory_space<vmem>>
      %dma_wait3A_281 = arith.constant 256 : i32
      %dma_wait3A_282 = tpu.memref_slice %arg7[%scan3A_153, %dma_wait3A_281] : memref<50x512xi32, #tpu.memory_space<vmem>> -> memref<1x128xi32, #tpu.memory_space<vmem>>
      %dma_wait3A_283 = tpu.memref_squeeze %dma_wait3A_282 : memref<1x128xi32, #tpu.memory_space<vmem>> -> memref<128xi32, #tpu.memory_space<vmem>>
      %dma_wait3A_284 = arith.constant 0 : i32
      %dma_wait3A_285 = arith.constant 0 : i32
      %dma_wait3A_286 = tpu.memref_slice %arg3[%dma_wait3A_284, %dma_wait3A_285] : memref<2000000x64xf32, #tpu.memory_space<hbm>> -> memref<2000000x64xf32, #tpu.memory_space<hbm>>
      %dma_wait3A_287 = tpu.memref_slice %arg10[%dma_wait3A_276] : memref<4x!tpu.dma_semaphore, #tpu.memory_space<semaphore_mem>> -> memref<1x!tpu.dma_semaphore, #tpu.memory_space<semaphore_mem>>
      %dma_wait3A_288 = tpu.memref_squeeze %dma_wait3A_287 : memref<1x!tpu.dma_semaphore, #tpu.memory_space<semaphore_mem>> -> memref<!tpu.dma_semaphore, #tpu.memory_space<semaphore_mem>>
      tpu.wait_indirect_dma semaphore(%dma_wait3A_288 : memref<!tpu.dma_semaphore, #tpu.memory_space<semaphore_mem>>) src(%dma_wait3A_286 : memref<2000000x64xf32, #tpu.memory_space<hbm>>) dst(%dma_wait3A_280 : memref<128x64xf32, #tpu.memory_space<vmem>>)
      %lt3A_289 = arith.constant 49 : i32
      %lt3A_290 = arith.cmpi slt, %scan3A_153, %lt3A_289 : i32
      %convert_element_type3A_291 = arith.extui %lt3A_290 : i1 to i32
      %cond3A_292 = arith.constant 0 : i32
      %cond3A_293 = arith.cmpi ne, %convert_element_type3A_291, %cond3A_292 : i32
      scf.if %cond3A_293 {
        %add3A_423 = arith.constant 1 : i32
        %add3A_424 = arith.addi %scan3A_153, %add3A_423 : i32
        %dma_start3A_425 = arith.constant 1 : i32
        %dma_start3A_426 = arith.constant 1 : i32
        %dma_start3A_427 = arith.constant 0 : i32
        %dma_start3A_428 = arith.constant 0 : i32
        %dma_start3A_429 = tpu.memref_slice %arg8[%dma_start3A_425, %dma_start3A_427, %dma_start3A_428] : memref<4x128x64xf32, #tpu.memory_space<vmem>> -> memref<1x128x64xf32, #tpu.memory_space<vmem>>
        %dma_start3A_430 = tpu.memref_squeeze %dma_start3A_429 : memref<1x128x64xf32, #tpu.memory_space<vmem>> -> memref<128x64xf32, #tpu.memory_space<vmem>>
        %dma_start3A_431 = arith.constant 128 : i32
        %dma_start3A_432 = tpu.memref_slice %arg7[%add3A_424, %dma_start3A_431] : memref<50x512xi32, #tpu.memory_space<vmem>> -> memref<1x128xi32, #tpu.memory_space<vmem>>
        %dma_start3A_433 = tpu.memref_squeeze %dma_start3A_432 : memref<1x128xi32, #tpu.memory_space<vmem>> -> memref<128xi32, #tpu.memory_space<vmem>>
        %dma_start3A_434 = arith.constant 0 : i32
        %dma_start3A_435 = arith.constant 0 : i32
        %dma_start3A_436 = tpu.memref_slice %arg3[%dma_start3A_434, %dma_start3A_435] : memref<2000000x64xf32, #tpu.memory_space<hbm>> -> memref<2000000x64xf32, #tpu.memory_space<hbm>>
        %dma_start3A_437 = tpu.memref_slice %arg10[%dma_start3A_426] : memref<4x!tpu.dma_semaphore, #tpu.memory_space<semaphore_mem>> -> memref<1x!tpu.dma_semaphore, #tpu.memory_space<semaphore_mem>>
        %dma_start3A_438 = tpu.memref_squeeze %dma_start3A_437 : memref<1x!tpu.dma_semaphore, #tpu.memory_space<semaphore_mem>> -> memref<!tpu.dma_semaphore, #tpu.memory_space<semaphore_mem>>
        tpu.enqueue_indirect_dma source(%dma_start3A_436 : memref<2000000x64xf32, #tpu.memory_space<hbm>>) target(%dma_start3A_430 : memref<128x64xf32, #tpu.memory_space<vmem>>) offsets(%dma_start3A_433 : memref<128xi32, #tpu.memory_space<vmem>>) semaphore(%dma_start3A_438 : memref<!tpu.dma_semaphore, #tpu.memory_space<semaphore_mem>>)
      } else {
      }
      %add3A_294 = arith.constant 0 : i32
      %add3A_295 = arith.addi %mul3A_2, %add3A_294 : i32
      %dma_wait3A_296 = arith.constant 0 : i32
      %dma_wait3A_297 = arith.constant 0 : i32
      %dma_wait3A_298 = arith.constant 0 : i32
      %dma_wait3A_299 = arith.constant 0 : i32
      %dma_wait3A_300 = arith.constant 0 : i32
      %dma_wait3A_301 = tpu.memref_slice %arg9[%dma_wait3A_296, %dma_wait3A_298, %dma_wait3A_299, %dma_wait3A_300] : memref<2x8x8x129xf32, #tpu.memory_space<vmem>> -> memref<1x8x8x128xf32, #tpu.memory_space<vmem>>
      %dma_wait3A_302 = tpu.memref_squeeze %dma_wait3A_301 : memref<1x8x8x128xf32, #tpu.memory_space<vmem>> -> memref<8x8x128xf32, #tpu.memory_space<vmem>>
      %dma_wait3A_303 = arith.constant 0 : i32
      %dma_wait3A_304 = arith.constant 0 : i32
      %dma_wait3A_305 = arith.constant 0 : i32
      %dma_wait3A_306 = tpu.memref_slice %arg5[%scan3A_153, %dma_wait3A_303, %add3A_295, %dma_wait3A_304, %dma_wait3A_305] : memref<50x8x128x8x128xf32, #tpu.memory_space<hbm>> -> memref<1x8x1x8x128xf32, #tpu.memory_space<hbm>>
      %dma_wait3A_307 = tpu.memref_squeeze %dma_wait3A_306 : memref<1x8x1x8x128xf32, #tpu.memory_space<hbm>> -> memref<8x8x128xf32, #tpu.memory_space<hbm>>
      %dma_wait3A_308 = tpu.memref_slice %arg11[%dma_wait3A_297] : memref<2x!tpu.dma_semaphore, #tpu.memory_space<semaphore_mem>> -> memref<1x!tpu.dma_semaphore, #tpu.memory_space<semaphore_mem>>
      %dma_wait3A_309 = tpu.memref_squeeze %dma_wait3A_308 : memref<1x!tpu.dma_semaphore, #tpu.memory_space<semaphore_mem>> -> memref<!tpu.dma_semaphore, #tpu.memory_space<semaphore_mem>>
      %dma_wait3A_310 = arith.constant 0 : i32
      %dma_wait3A_311 = arith.constant 0 : i32
      %dma_wait3A_312 = arith.constant 0 : i32
      %dma_wait3A_313 = tpu.memref_slice %arg5[%scan3A_153, %dma_wait3A_310, %add3A_295, %dma_wait3A_311, %dma_wait3A_312] : memref<50x8x128x8x128xf32, #tpu.memory_space<hbm>> -> memref<1x8x1x8x128xf32, #tpu.memory_space<hbm>>
      %dma_wait3A_314 = tpu.memref_squeeze %dma_wait3A_313 : memref<1x8x1x8x128xf32, #tpu.memory_space<hbm>> -> memref<8x8x128xf32, #tpu.memory_space<hbm>>
      %dma_wait3A_315 = arith.constant 0 : i32
      %dma_wait3A_316 = arith.constant 0 : i32
      %dma_wait3A_317 = arith.constant 0 : i32
      %dma_wait3A_318 = tpu.memref_slice %arg9[%dma_wait3A_296, %dma_wait3A_315, %dma_wait3A_316, %dma_wait3A_317] : memref<2x8x8x129xf32, #tpu.memory_space<vmem>> -> memref<1x8x8x128xf32, #tpu.memory_space<vmem>>
      %dma_wait3A_319 = tpu.memref_squeeze %dma_wait3A_318 : memref<1x8x8x128xf32, #tpu.memory_space<vmem>> -> memref<8x8x128xf32, #tpu.memory_space<vmem>>
      tpu.wait_dma2 semaphore(%dma_wait3A_309 : memref<!tpu.dma_semaphore, #tpu.memory_space<semaphore_mem>>) src(%dma_wait3A_319 : memref<8x8x128xf32, #tpu.memory_space<vmem>>) dst(%dma_wait3A_314 : memref<8x8x128xf32, #tpu.memory_space<hbm>>)
      %parallel_loop3A_320 = arith.constant 0 : i32
      %parallel_loop3A_321 = arith.constant 128 : i32
      %parallel_loop3A_322 = arith.constant 1 : i32
      scf.for %parallel_loop3A_423 = %parallel_loop3A_320 to %parallel_loop3A_321 step %parallel_loop3A_322  : i32 {
        %parallel_loop3A_424 = vector.broadcast %parallel_loop3A_423 : i32 to vector<16xi32>
        %parallel_loop3A_425 = arith.constant 2 : i32
        %parallel_loop3A_426 = arith.index_cast %parallel_loop3A_425 : i32 to index
        %parallel_loop3A_427 = arith.index_cast %parallel_loop3A_423 : i32 to index
        %parallel_loop3A_428 = arith.constant 0 : index
        %parallel_loop3A_429 = tpu.vector_load %arg8[%parallel_loop3A_426, %parallel_loop3A_427, %parallel_loop3A_428] {strides = array<i32>} : memref<4x128x64xf32, #tpu.memory_space<vmem>>, vector<16xf32>,
        %parallel_loop3A_430 = arith.constant 8.000000e+00 : f32
        %parallel_loop3A_431 = vector.broadcast %parallel_loop3A_430 : f32 to vector<16xf32>
        %parallel_loop3A_432 = arith.mulf %parallel_loop3A_429, %parallel_loop3A_431 : vector<16xf32>
        %parallel_loop3A_433 = arith.addf %parallel_loop3A_432, %get3A_155 : vector<16xf32>
        %parallel_loop3A_434 = arith.constant 0 : i32
        %parallel_loop3A_435 = arith.constant 0 : i32
        %parallel_loop3A_436 = arith.constant 0 : i32
        %parallel_loop3A_437 = arith.constant 0 : i32
        %parallel_loop3A_438 = tpu.memref_slice %arg9[%parallel_loop3A_434, %parallel_loop3A_435, %parallel_loop3A_436, %parallel_loop3A_437] : memref<2x8x8x129xf32, #tpu.memory_space<vmem>> -> memref<1x8x8x129xf32, #tpu.memory_space<vmem>>
        %parallel_loop3A_439 = tpu.memref_squeeze %parallel_loop3A_438 : memref<1x8x8x129xf32, #tpu.memory_space<vmem>> -> memref<8x8x129xf32, #tpu.memory_space<vmem>>
        tpu.vector_store_idx %parallel_loop3A_439[%shift_right_arithmetic3A_9, %and3A_32, %parallel_loop3A_424], %parallel_loop3A_433 : memref<8x8x129xf32, #tpu.memory_space<vmem>>[vector<16xi32>, vector<16xi32>, vector<16xi32>], vector<16xf32>,
        %parallel_loop3A_440 = arith.constant 2 : i32
        %parallel_loop3A_441 = arith.index_cast %parallel_loop3A_440 : i32 to index
        %parallel_loop3A_442 = arith.index_cast %parallel_loop3A_423 : i32 to index
        %parallel_loop3A_443 = arith.constant 16 : index
        %parallel_loop3A_444 = tpu.vector_load %arg8[%parallel_loop3A_441, %parallel_loop3A_442, %parallel_loop3A_443] {strides = array<i32>} : memref<4x128x64xf32, #tpu.memory_space<vmem>>, vector<16xf32>,
        %parallel_loop3A_445 = arith.constant 8.000000e+00 : f32
        %parallel_loop3A_446 = vector.broadcast %parallel_loop3A_445 : f32 to vector<16xf32>
        %parallel_loop3A_447 = arith.mulf %parallel_loop3A_444, %parallel_loop3A_446 : vector<16xf32>
        %parallel_loop3A_448 = arith.addf %parallel_loop3A_447, %get3A_158 : vector<16xf32>
        %parallel_loop3A_449 = arith.constant 0 : i32
        %parallel_loop3A_450 = arith.constant 0 : i32
        %parallel_loop3A_451 = arith.constant 0 : i32
        %parallel_loop3A_452 = arith.constant 0 : i32
        %parallel_loop3A_453 = tpu.memref_slice %arg9[%parallel_loop3A_449, %parallel_loop3A_450, %parallel_loop3A_451, %parallel_loop3A_452] : memref<2x8x8x129xf32, #tpu.memory_space<vmem>> -> memref<1x8x8x129xf32, #tpu.memory_space<vmem>>
        %parallel_loop3A_454 = tpu.memref_squeeze %parallel_loop3A_453 : memref<1x8x8x129xf32, #tpu.memory_space<vmem>> -> memref<8x8x129xf32, #tpu.memory_space<vmem>>
        tpu.vector_store_idx %parallel_loop3A_454[%shift_right_arithmetic3A_15, %and3A_38, %parallel_loop3A_424], %parallel_loop3A_448 : memref<8x8x129xf32, #tpu.memory_space<vmem>>[vector<16xi32>, vector<16xi32>, vector<16xi32>], vector<16xf32>,
        %parallel_loop3A_455 = arith.constant 2 : i32
        %parallel_loop3A_456 = arith.index_cast %parallel_loop3A_455 : i32 to index
        %parallel_loop3A_457 = arith.index_cast %parallel_loop3A_423 : i32 to index
        %parallel_loop3A_458 = arith.constant 32 : index
        %parallel_loop3A_459 = tpu.vector_load %arg8[%parallel_loop3A_456, %parallel_loop3A_457, %parallel_loop3A_458] {strides = array<i32>} : memref<4x128x64xf32, #tpu.memory_space<vmem>>, vector<16xf32>,
        %parallel_loop3A_460 = arith.constant 8.000000e+00 : f32
        %parallel_loop3A_461 = vector.broadcast %parallel_loop3A_460 : f32 to vector<16xf32>
        %parallel_loop3A_462 = arith.mulf %parallel_loop3A_459, %parallel_loop3A_461 : vector<16xf32>
        %parallel_loop3A_463 = arith.addf %parallel_loop3A_462, %get3A_161 : vector<16xf32>
        %parallel_loop3A_464 = arith.constant 0 : i32
        %parallel_loop3A_465 = arith.constant 0 : i32
        %parallel_loop3A_466 = arith.constant 0 : i32
        %parallel_loop3A_467 = arith.constant 0 : i32
        %parallel_loop3A_468 = tpu.memref_slice %arg9[%parallel_loop3A_464, %parallel_loop3A_465, %parallel_loop3A_466, %parallel_loop3A_467] : memref<2x8x8x129xf32, #tpu.memory_space<vmem>> -> memref<1x8x8x129xf32, #tpu.memory_space<vmem>>
        %parallel_loop3A_469 = tpu.memref_squeeze %parallel_loop3A_468 : memref<1x8x8x129xf32, #tpu.memory_space<vmem>> -> memref<8x8x129xf32, #tpu.memory_space<vmem>>
        tpu.vector_store_idx %parallel_loop3A_469[%shift_right_arithmetic3A_21, %and3A_44, %parallel_loop3A_424], %parallel_loop3A_463 : memref<8x8x129xf32, #tpu.memory_space<vmem>>[vector<16xi32>, vector<16xi32>, vector<16xi32>], vector<16xf32>,
        %parallel_loop3A_470 = arith.constant 2 : i32
        %parallel_loop3A_471 = arith.index_cast %parallel_loop3A_470 : i32 to index
        %parallel_loop3A_472 = arith.index_cast %parallel_loop3A_423 : i32 to index
        %parallel_loop3A_473 = arith.constant 48 : index
        %parallel_loop3A_474 = tpu.vector_load %arg8[%parallel_loop3A_471, %parallel_loop3A_472, %parallel_loop3A_473] {strides = array<i32>} : memref<4x128x64xf32, #tpu.memory_space<vmem>>, vector<16xf32>,
        %parallel_loop3A_475 = arith.constant 8.000000e+00 : f32
        %parallel_loop3A_476 = vector.broadcast %parallel_loop3A_475 : f32 to vector<16xf32>
        %parallel_loop3A_477 = arith.mulf %parallel_loop3A_474, %parallel_loop3A_476 : vector<16xf32>
        %parallel_loop3A_478 = arith.addf %parallel_loop3A_477, %get3A_164 : vector<16xf32>
        %parallel_loop3A_479 = arith.constant 0 : i32
        %parallel_loop3A_480 = arith.constant 0 : i32
        %parallel_loop3A_481 = arith.constant 0 : i32
        %parallel_loop3A_482 = arith.constant 0 : i32
        %parallel_loop3A_483 = tpu.memref_slice %arg9[%parallel_loop3A_479, %parallel_loop3A_480, %parallel_loop3A_481, %parallel_loop3A_482] : memref<2x8x8x129xf32, #tpu.memory_space<vmem>> -> memref<1x8x8x129xf32, #tpu.memory_space<vmem>>
        %parallel_loop3A_484 = tpu.memref_squeeze %parallel_loop3A_483 : memref<1x8x8x129xf32, #tpu.memory_space<vmem>> -> memref<8x8x129xf32, #tpu.memory_space<vmem>>
        tpu.vector_store_idx %parallel_loop3A_484[%shift_right_arithmetic3A_27, %and3A_50, %parallel_loop3A_424], %parallel_loop3A_478 : memref<8x8x129xf32, #tpu.memory_space<vmem>>[vector<16xi32>, vector<16xi32>, vector<16xi32>], vector<16xf32>,
      } {sc.loop_unroll_factor = 8 : i64, sc.parallel_access}
      %add3A_323 = arith.constant 2 : i32
      %add3A_324 = arith.addi %mul3A_2, %add3A_323 : i32
      %dma_start3A_325 = arith.constant 0 : i32
      %dma_start3A_326 = arith.constant 0 : i32
      %dma_start3A_327 = arith.constant 0 : i32
      %dma_start3A_328 = arith.constant 0 : i32
      %dma_start3A_329 = arith.constant 0 : i32
      %dma_start3A_330 = tpu.memref_slice %arg9[%dma_start3A_325, %dma_start3A_327, %dma_start3A_328, %dma_start3A_329] : memref<2x8x8x129xf32, #tpu.memory_space<vmem>> -> memref<1x8x8x128xf32, #tpu.memory_space<vmem>>
      %dma_start3A_331 = tpu.memref_squeeze %dma_start3A_330 : memref<1x8x8x128xf32, #tpu.memory_space<vmem>> -> memref<8x8x128xf32, #tpu.memory_space<vmem>>
      %dma_start3A_332 = arith.constant 0 : i32
      %dma_start3A_333 = arith.constant 0 : i32
      %dma_start3A_334 = arith.constant 0 : i32
      %dma_start3A_335 = tpu.memref_slice %arg5[%scan3A_153, %dma_start3A_332, %add3A_324, %dma_start3A_333, %dma_start3A_334] : memref<50x8x128x8x128xf32, #tpu.memory_space<hbm>> -> memref<1x8x1x8x128xf32, #tpu.memory_space<hbm>>
      %dma_start3A_336 = tpu.memref_squeeze %dma_start3A_335 : memref<1x8x1x8x128xf32, #tpu.memory_space<hbm>> -> memref<8x8x128xf32, #tpu.memory_space<hbm>>
      %dma_start3A_337 = tpu.memref_slice %arg11[%dma_start3A_326] : memref<2x!tpu.dma_semaphore, #tpu.memory_space<semaphore_mem>> -> memref<1x!tpu.dma_semaphore, #tpu.memory_space<semaphore_mem>>
      %dma_start3A_338 = tpu.memref_squeeze %dma_start3A_337 : memref<1x!tpu.dma_semaphore, #tpu.memory_space<semaphore_mem>> -> memref<!tpu.dma_semaphore, #tpu.memory_space<semaphore_mem>>
      %dma_start3A_339 = arith.constant 0 : i32
      %dma_start3A_340 = arith.constant 0 : i32
      %dma_start3A_341 = arith.constant 0 : i32
      %dma_start3A_342 = tpu.memref_slice %arg5[%scan3A_153, %dma_start3A_339, %add3A_324, %dma_start3A_340, %dma_start3A_341] : memref<50x8x128x8x128xf32, #tpu.memory_space<hbm>> -> memref<1x8x1x8x128xf32, #tpu.memory_space<hbm>>
      %dma_start3A_343 = tpu.memref_squeeze %dma_start3A_342 : memref<1x8x1x8x128xf32, #tpu.memory_space<hbm>> -> memref<8x8x128xf32, #tpu.memory_space<hbm>>
      %dma_start3A_344 = arith.constant 0 : i32
      %dma_start3A_345 = arith.constant 0 : i32
      %dma_start3A_346 = arith.constant 0 : i32
      %dma_start3A_347 = tpu.memref_slice %arg9[%dma_start3A_325, %dma_start3A_344, %dma_start3A_345, %dma_start3A_346] : memref<2x8x8x129xf32, #tpu.memory_space<vmem>> -> memref<1x8x8x128xf32, #tpu.memory_space<vmem>>
      %dma_start3A_348 = tpu.memref_squeeze %dma_start3A_347 : memref<1x8x8x128xf32, #tpu.memory_space<vmem>> -> memref<8x8x128xf32, #tpu.memory_space<vmem>>
      tpu.enqueue_dma source(%dma_start3A_348 : memref<8x8x128xf32, #tpu.memory_space<vmem>>) target(%dma_start3A_343 : memref<8x8x128xf32, #tpu.memory_space<hbm>>) target_semaphore(%dma_start3A_338 : memref<!tpu.dma_semaphore, #tpu.memory_space<semaphore_mem>>)
      %dma_wait3A_349 = arith.constant 3 : i32
      %dma_wait3A_350 = arith.constant 3 : i32
      %dma_wait3A_351 = arith.constant 0 : i32
      %dma_wait3A_352 = arith.constant 0 : i32
      %dma_wait3A_353 = tpu.memref_slice %arg8[%dma_wait3A_349, %dma_wait3A_351, %dma_wait3A_352] : memref<4x128x64xf32, #tpu.memory_space<vmem>> -> memref<1x128x64xf32, #tpu.memory_space<vmem>>
      %dma_wait3A_354 = tpu.memref_squeeze %dma_wait3A_353 : memref<1x128x64xf32, #tpu.memory_space<vmem>> -> memref<128x64xf32, #tpu.memory_space<vmem>>
      %dma_wait3A_355 = arith.constant 384 : i32
      %dma_wait3A_356 = tpu.memref_slice %arg7[%scan3A_153, %dma_wait3A_355] : memref<50x512xi32, #tpu.memory_space<vmem>> -> memref<1x128xi32, #tpu.memory_space<vmem>>
      %dma_wait3A_357 = tpu.memref_squeeze %dma_wait3A_356 : memref<1x128xi32, #tpu.memory_space<vmem>> -> memref<128xi32, #tpu.memory_space<vmem>>
      %dma_wait3A_358 = arith.constant 0 : i32
      %dma_wait3A_359 = arith.constant 0 : i32
      %dma_wait3A_360 = tpu.memref_slice %arg3[%dma_wait3A_358, %dma_wait3A_359] : memref<2000000x64xf32, #tpu.memory_space<hbm>> -> memref<2000000x64xf32, #tpu.memory_space<hbm>>
      %dma_wait3A_361 = tpu.memref_slice %arg10[%dma_wait3A_350] : memref<4x!tpu.dma_semaphore, #tpu.memory_space<semaphore_mem>> -> memref<1x!tpu.dma_semaphore, #tpu.memory_space<semaphore_mem>>
      %dma_wait3A_362 = tpu.memref_squeeze %dma_wait3A_361 : memref<1x!tpu.dma_semaphore, #tpu.memory_space<semaphore_mem>> -> memref<!tpu.dma_semaphore, #tpu.memory_space<semaphore_mem>>
      tpu.wait_indirect_dma semaphore(%dma_wait3A_362 : memref<!tpu.dma_semaphore, #tpu.memory_space<semaphore_mem>>) src(%dma_wait3A_360 : memref<2000000x64xf32, #tpu.memory_space<hbm>>) dst(%dma_wait3A_354 : memref<128x64xf32, #tpu.memory_space<vmem>>)
      %lt3A_363 = arith.constant 49 : i32
      %lt3A_364 = arith.cmpi slt, %scan3A_153, %lt3A_363 : i32
      %convert_element_type3A_365 = arith.extui %lt3A_364 : i1 to i32
      %cond3A_366 = arith.constant 0 : i32
      %cond3A_367 = arith.cmpi ne, %convert_element_type3A_365, %cond3A_366 : i32
      scf.if %cond3A_367 {
        %add3A_423 = arith.constant 1 : i32
        %add3A_424 = arith.addi %scan3A_153, %add3A_423 : i32
        %dma_start3A_425 = arith.constant 2 : i32
        %dma_start3A_426 = arith.constant 2 : i32
        %dma_start3A_427 = arith.constant 0 : i32
        %dma_start3A_428 = arith.constant 0 : i32
        %dma_start3A_429 = tpu.memref_slice %arg8[%dma_start3A_425, %dma_start3A_427, %dma_start3A_428] : memref<4x128x64xf32, #tpu.memory_space<vmem>> -> memref<1x128x64xf32, #tpu.memory_space<vmem>>
        %dma_start3A_430 = tpu.memref_squeeze %dma_start3A_429 : memref<1x128x64xf32, #tpu.memory_space<vmem>> -> memref<128x64xf32, #tpu.memory_space<vmem>>
        %dma_start3A_431 = arith.constant 256 : i32
        %dma_start3A_432 = tpu.memref_slice %arg7[%add3A_424, %dma_start3A_431] : memref<50x512xi32, #tpu.memory_space<vmem>> -> memref<1x128xi32, #tpu.memory_space<vmem>>
        %dma_start3A_433 = tpu.memref_squeeze %dma_start3A_432 : memref<1x128xi32, #tpu.memory_space<vmem>> -> memref<128xi32, #tpu.memory_space<vmem>>
        %dma_start3A_434 = arith.constant 0 : i32
        %dma_start3A_435 = arith.constant 0 : i32
        %dma_start3A_436 = tpu.memref_slice %arg3[%dma_start3A_434, %dma_start3A_435] : memref<2000000x64xf32, #tpu.memory_space<hbm>> -> memref<2000000x64xf32, #tpu.memory_space<hbm>>
        %dma_start3A_437 = tpu.memref_slice %arg10[%dma_start3A_426] : memref<4x!tpu.dma_semaphore, #tpu.memory_space<semaphore_mem>> -> memref<1x!tpu.dma_semaphore, #tpu.memory_space<semaphore_mem>>
        %dma_start3A_438 = tpu.memref_squeeze %dma_start3A_437 : memref<1x!tpu.dma_semaphore, #tpu.memory_space<semaphore_mem>> -> memref<!tpu.dma_semaphore, #tpu.memory_space<semaphore_mem>>
        tpu.enqueue_indirect_dma source(%dma_start3A_436 : memref<2000000x64xf32, #tpu.memory_space<hbm>>) target(%dma_start3A_430 : memref<128x64xf32, #tpu.memory_space<vmem>>) offsets(%dma_start3A_433 : memref<128xi32, #tpu.memory_space<vmem>>) semaphore(%dma_start3A_438 : memref<!tpu.dma_semaphore, #tpu.memory_space<semaphore_mem>>)
      } else {
      }
      %add3A_368 = arith.constant 1 : i32
      %add3A_369 = arith.addi %mul3A_2, %add3A_368 : i32
      %dma_wait3A_370 = arith.constant 1 : i32
      %dma_wait3A_371 = arith.constant 1 : i32
      %dma_wait3A_372 = arith.constant 0 : i32
      %dma_wait3A_373 = arith.constant 0 : i32
      %dma_wait3A_374 = arith.constant 0 : i32
      %dma_wait3A_375 = tpu.memref_slice %arg9[%dma_wait3A_370, %dma_wait3A_372, %dma_wait3A_373, %dma_wait3A_374] : memref<2x8x8x129xf32, #tpu.memory_space<vmem>> -> memref<1x8x8x128xf32, #tpu.memory_space<vmem>>
      %dma_wait3A_376 = tpu.memref_squeeze %dma_wait3A_375 : memref<1x8x8x128xf32, #tpu.memory_space<vmem>> -> memref<8x8x128xf32, #tpu.memory_space<vmem>>
      %dma_wait3A_377 = arith.constant 0 : i32
      %dma_wait3A_378 = arith.constant 0 : i32
      %dma_wait3A_379 = arith.constant 0 : i32
      %dma_wait3A_380 = tpu.memref_slice %arg5[%scan3A_153, %dma_wait3A_377, %add3A_369, %dma_wait3A_378, %dma_wait3A_379] : memref<50x8x128x8x128xf32, #tpu.memory_space<hbm>> -> memref<1x8x1x8x128xf32, #tpu.memory_space<hbm>>
      %dma_wait3A_381 = tpu.memref_squeeze %dma_wait3A_380 : memref<1x8x1x8x128xf32, #tpu.memory_space<hbm>> -> memref<8x8x128xf32, #tpu.memory_space<hbm>>
      %dma_wait3A_382 = tpu.memref_slice %arg11[%dma_wait3A_371] : memref<2x!tpu.dma_semaphore, #tpu.memory_space<semaphore_mem>> -> memref<1x!tpu.dma_semaphore, #tpu.memory_space<semaphore_mem>>
      %dma_wait3A_383 = tpu.memref_squeeze %dma_wait3A_382 : memref<1x!tpu.dma_semaphore, #tpu.memory_space<semaphore_mem>> -> memref<!tpu.dma_semaphore, #tpu.memory_space<semaphore_mem>>
      %dma_wait3A_384 = arith.constant 0 : i32
      %dma_wait3A_385 = arith.constant 0 : i32
      %dma_wait3A_386 = arith.constant 0 : i32
      %dma_wait3A_387 = tpu.memref_slice %arg5[%scan3A_153, %dma_wait3A_384, %add3A_369, %dma_wait3A_385, %dma_wait3A_386] : memref<50x8x128x8x128xf32, #tpu.memory_space<hbm>> -> memref<1x8x1x8x128xf32, #tpu.memory_space<hbm>>
      %dma_wait3A_388 = tpu.memref_squeeze %dma_wait3A_387 : memref<1x8x1x8x128xf32, #tpu.memory_space<hbm>> -> memref<8x8x128xf32, #tpu.memory_space<hbm>>
      %dma_wait3A_389 = arith.constant 0 : i32
      %dma_wait3A_390 = arith.constant 0 : i32
      %dma_wait3A_391 = arith.constant 0 : i32
      %dma_wait3A_392 = tpu.memref_slice %arg9[%dma_wait3A_370, %dma_wait3A_389, %dma_wait3A_390, %dma_wait3A_391] : memref<2x8x8x129xf32, #tpu.memory_space<vmem>> -> memref<1x8x8x128xf32, #tpu.memory_space<vmem>>
      %dma_wait3A_393 = tpu.memref_squeeze %dma_wait3A_392 : memref<1x8x8x128xf32, #tpu.memory_space<vmem>> -> memref<8x8x128xf32, #tpu.memory_space<vmem>>
      tpu.wait_dma2 semaphore(%dma_wait3A_383 : memref<!tpu.dma_semaphore, #tpu.memory_space<semaphore_mem>>) src(%dma_wait3A_393 : memref<8x8x128xf32, #tpu.memory_space<vmem>>) dst(%dma_wait3A_388 : memref<8x8x128xf32, #tpu.memory_space<hbm>>)
      %parallel_loop3A_394 = arith.constant 0 : i32
      %parallel_loop3A_395 = arith.constant 128 : i32
      %parallel_loop3A_396 = arith.constant 1 : i32
      scf.for %parallel_loop3A_423 = %parallel_loop3A_394 to %parallel_loop3A_395 step %parallel_loop3A_396  : i32 {
        %parallel_loop3A_424 = vector.broadcast %parallel_loop3A_423 : i32 to vector<16xi32>
        %parallel_loop3A_425 = arith.constant 3 : i32
        %parallel_loop3A_426 = arith.index_cast %parallel_loop3A_425 : i32 to index
        %parallel_loop3A_427 = arith.index_cast %parallel_loop3A_423 : i32 to index
        %parallel_loop3A_428 = arith.constant 0 : index
        %parallel_loop3A_429 = tpu.vector_load %arg8[%parallel_loop3A_426, %parallel_loop3A_427, %parallel_loop3A_428] {strides = array<i32>} : memref<4x128x64xf32, #tpu.memory_space<vmem>>, vector<16xf32>,
        %parallel_loop3A_430 = arith.constant 8.000000e+00 : f32
        %parallel_loop3A_431 = vector.broadcast %parallel_loop3A_430 : f32 to vector<16xf32>
        %parallel_loop3A_432 = arith.mulf %parallel_loop3A_429, %parallel_loop3A_431 : vector<16xf32>
        %parallel_loop3A_433 = arith.addf %parallel_loop3A_432, %get3A_155 : vector<16xf32>
        %parallel_loop3A_434 = arith.constant 1 : i32
        %parallel_loop3A_435 = arith.constant 0 : i32
        %parallel_loop3A_436 = arith.constant 0 : i32
        %parallel_loop3A_437 = arith.constant 0 : i32
        %parallel_loop3A_438 = tpu.memref_slice %arg9[%parallel_loop3A_434, %parallel_loop3A_435, %parallel_loop3A_436, %parallel_loop3A_437] : memref<2x8x8x129xf32, #tpu.memory_space<vmem>> -> memref<1x8x8x129xf32, #tpu.memory_space<vmem>>
        %parallel_loop3A_439 = tpu.memref_squeeze %parallel_loop3A_438 : memref<1x8x8x129xf32, #tpu.memory_space<vmem>> -> memref<8x8x129xf32, #tpu.memory_space<vmem>>
        tpu.vector_store_idx %parallel_loop3A_439[%shift_right_arithmetic3A_9, %and3A_32, %parallel_loop3A_424], %parallel_loop3A_433 : memref<8x8x129xf32, #tpu.memory_space<vmem>>[vector<16xi32>, vector<16xi32>, vector<16xi32>], vector<16xf32>,
        %parallel_loop3A_440 = arith.constant 3 : i32
        %parallel_loop3A_441 = arith.index_cast %parallel_loop3A_440 : i32 to index
        %parallel_loop3A_442 = arith.index_cast %parallel_loop3A_423 : i32 to index
        %parallel_loop3A_443 = arith.constant 16 : index
        %parallel_loop3A_444 = tpu.vector_load %arg8[%parallel_loop3A_441, %parallel_loop3A_442, %parallel_loop3A_443] {strides = array<i32>} : memref<4x128x64xf32, #tpu.memory_space<vmem>>, vector<16xf32>,
        %parallel_loop3A_445 = arith.constant 8.000000e+00 : f32
        %parallel_loop3A_446 = vector.broadcast %parallel_loop3A_445 : f32 to vector<16xf32>
        %parallel_loop3A_447 = arith.mulf %parallel_loop3A_444, %parallel_loop3A_446 : vector<16xf32>
        %parallel_loop3A_448 = arith.addf %parallel_loop3A_447, %get3A_158 : vector<16xf32>
        %parallel_loop3A_449 = arith.constant 1 : i32
        %parallel_loop3A_450 = arith.constant 0 : i32
        %parallel_loop3A_451 = arith.constant 0 : i32
        %parallel_loop3A_452 = arith.constant 0 : i32
        %parallel_loop3A_453 = tpu.memref_slice %arg9[%parallel_loop3A_449, %parallel_loop3A_450, %parallel_loop3A_451, %parallel_loop3A_452] : memref<2x8x8x129xf32, #tpu.memory_space<vmem>> -> memref<1x8x8x129xf32, #tpu.memory_space<vmem>>
        %parallel_loop3A_454 = tpu.memref_squeeze %parallel_loop3A_453 : memref<1x8x8x129xf32, #tpu.memory_space<vmem>> -> memref<8x8x129xf32, #tpu.memory_space<vmem>>
        tpu.vector_store_idx %parallel_loop3A_454[%shift_right_arithmetic3A_15, %and3A_38, %parallel_loop3A_424], %parallel_loop3A_448 : memref<8x8x129xf32, #tpu.memory_space<vmem>>[vector<16xi32>, vector<16xi32>, vector<16xi32>], vector<16xf32>,
        %parallel_loop3A_455 = arith.constant 3 : i32
        %parallel_loop3A_456 = arith.index_cast %parallel_loop3A_455 : i32 to index
        %parallel_loop3A_457 = arith.index_cast %parallel_loop3A_423 : i32 to index
        %parallel_loop3A_458 = arith.constant 32 : index
        %parallel_loop3A_459 = tpu.vector_load %arg8[%parallel_loop3A_456, %parallel_loop3A_457, %parallel_loop3A_458] {strides = array<i32>} : memref<4x128x64xf32, #tpu.memory_space<vmem>>, vector<16xf32>,
        %parallel_loop3A_460 = arith.constant 8.000000e+00 : f32
        %parallel_loop3A_461 = vector.broadcast %parallel_loop3A_460 : f32 to vector<16xf32>
        %parallel_loop3A_462 = arith.mulf %parallel_loop3A_459, %parallel_loop3A_461 : vector<16xf32>
        %parallel_loop3A_463 = arith.addf %parallel_loop3A_462, %get3A_161 : vector<16xf32>
        %parallel_loop3A_464 = arith.constant 1 : i32
        %parallel_loop3A_465 = arith.constant 0 : i32
        %parallel_loop3A_466 = arith.constant 0 : i32
        %parallel_loop3A_467 = arith.constant 0 : i32
        %parallel_loop3A_468 = tpu.memref_slice %arg9[%parallel_loop3A_464, %parallel_loop3A_465, %parallel_loop3A_466, %parallel_loop3A_467] : memref<2x8x8x129xf32, #tpu.memory_space<vmem>> -> memref<1x8x8x129xf32, #tpu.memory_space<vmem>>
        %parallel_loop3A_469 = tpu.memref_squeeze %parallel_loop3A_468 : memref<1x8x8x129xf32, #tpu.memory_space<vmem>> -> memref<8x8x129xf32, #tpu.memory_space<vmem>>
        tpu.vector_store_idx %parallel_loop3A_469[%shift_right_arithmetic3A_21, %and3A_44, %parallel_loop3A_424], %parallel_loop3A_463 : memref<8x8x129xf32, #tpu.memory_space<vmem>>[vector<16xi32>, vector<16xi32>, vector<16xi32>], vector<16xf32>,
        %parallel_loop3A_470 = arith.constant 3 : i32
        %parallel_loop3A_471 = arith.index_cast %parallel_loop3A_470 : i32 to index
        %parallel_loop3A_472 = arith.index_cast %parallel_loop3A_423 : i32 to index
        %parallel_loop3A_473 = arith.constant 48 : index
        %parallel_loop3A_474 = tpu.vector_load %arg8[%parallel_loop3A_471, %parallel_loop3A_472, %parallel_loop3A_473] {strides = array<i32>} : memref<4x128x64xf32, #tpu.memory_space<vmem>>, vector<16xf32>,
        %parallel_loop3A_475 = arith.constant 8.000000e+00 : f32
        %parallel_loop3A_476 = vector.broadcast %parallel_loop3A_475 : f32 to vector<16xf32>
        %parallel_loop3A_477 = arith.mulf %parallel_loop3A_474, %parallel_loop3A_476 : vector<16xf32>
        %parallel_loop3A_478 = arith.addf %parallel_loop3A_477, %get3A_164 : vector<16xf32>
        %parallel_loop3A_479 = arith.constant 1 : i32
        %parallel_loop3A_480 = arith.constant 0 : i32
        %parallel_loop3A_481 = arith.constant 0 : i32
        %parallel_loop3A_482 = arith.constant 0 : i32
        %parallel_loop3A_483 = tpu.memref_slice %arg9[%parallel_loop3A_479, %parallel_loop3A_480, %parallel_loop3A_481, %parallel_loop3A_482] : memref<2x8x8x129xf32, #tpu.memory_space<vmem>> -> memref<1x8x8x129xf32, #tpu.memory_space<vmem>>
        %parallel_loop3A_484 = tpu.memref_squeeze %parallel_loop3A_483 : memref<1x8x8x129xf32, #tpu.memory_space<vmem>> -> memref<8x8x129xf32, #tpu.memory_space<vmem>>
        tpu.vector_store_idx %parallel_loop3A_484[%shift_right_arithmetic3A_27, %and3A_50, %parallel_loop3A_424], %parallel_loop3A_478 : memref<8x8x129xf32, #tpu.memory_space<vmem>>[vector<16xi32>, vector<16xi32>, vector<16xi32>], vector<16xf32>,
      } {sc.loop_unroll_factor = 8 : i64, sc.parallel_access}
      %add3A_397 = arith.constant 3 : i32
      %add3A_398 = arith.addi %mul3A_2, %add3A_397 : i32
      %dma_start3A_399 = arith.constant 1 : i32
      %dma_start3A_400 = arith.constant 1 : i32
      %dma_start3A_401 = arith.constant 0 : i32
      %dma_start3A_402 = arith.constant 0 : i32
      %dma_start3A_403 = arith.constant 0 : i32
      %dma_start3A_404 = tpu.memref_slice %arg9[%dma_start3A_399, %dma_start3A_401, %dma_start3A_402, %dma_start3A_403] : memref<2x8x8x129xf32, #tpu.memory_space<vmem>> -> memref<1x8x8x128xf32, #tpu.memory_space<vmem>>
      %dma_start3A_405 = tpu.memref_squeeze %dma_start3A_404 : memref<1x8x8x128xf32, #tpu.memory_space<vmem>> -> memref<8x8x128xf32, #tpu.memory_space<vmem>>
      %dma_start3A_406 = arith.constant 0 : i32
      %dma_start3A_407 = arith.constant 0 : i32
      %dma_start3A_408 = arith.constant 0 : i32
      %dma_start3A_409 = tpu.memref_slice %arg5[%scan3A_153, %dma_start3A_406, %add3A_398, %dma_start3A_407, %dma_start3A_408] : memref<50x8x128x8x128xf32, #tpu.memory_space<hbm>> -> memref<1x8x1x8x128xf32, #tpu.memory_space<hbm>>
      %dma_start3A_410 = tpu.memref_squeeze %dma_start3A_409 : memref<1x8x1x8x128xf32, #tpu.memory_space<hbm>> -> memref<8x8x128xf32, #tpu.memory_space<hbm>>
      %dma_start3A_411 = tpu.memref_slice %arg11[%dma_start3A_400] : memref<2x!tpu.dma_semaphore, #tpu.memory_space<semaphore_mem>> -> memref<1x!tpu.dma_semaphore, #tpu.memory_space<semaphore_mem>>
      %dma_start3A_412 = tpu.memref_squeeze %dma_start3A_411 : memref<1x!tpu.dma_semaphore, #tpu.memory_space<semaphore_mem>> -> memref<!tpu.dma_semaphore, #tpu.memory_space<semaphore_mem>>
      %dma_start3A_413 = arith.constant 0 : i32
      %dma_start3A_414 = arith.constant 0 : i32
      %dma_start3A_415 = arith.constant 0 : i32
      %dma_start3A_416 = tpu.memref_slice %arg5[%scan3A_153, %dma_start3A_413, %add3A_398, %dma_start3A_414, %dma_start3A_415] : memref<50x8x128x8x128xf32, #tpu.memory_space<hbm>> -> memref<1x8x1x8x128xf32, #tpu.memory_space<hbm>>
      %dma_start3A_417 = tpu.memref_squeeze %dma_start3A_416 : memref<1x8x1x8x128xf32, #tpu.memory_space<hbm>> -> memref<8x8x128xf32, #tpu.memory_space<hbm>>
      %dma_start3A_418 = arith.constant 0 : i32
      %dma_start3A_419 = arith.constant 0 : i32
      %dma_start3A_420 = arith.constant 0 : i32
      %dma_start3A_421 = tpu.memref_slice %arg9[%dma_start3A_399, %dma_start3A_418, %dma_start3A_419, %dma_start3A_420] : memref<2x8x8x129xf32, #tpu.memory_space<vmem>> -> memref<1x8x8x128xf32, #tpu.memory_space<vmem>>
      %dma_start3A_422 = tpu.memref_squeeze %dma_start3A_421 : memref<1x8x8x128xf32, #tpu.memory_space<vmem>> -> memref<8x8x128xf32, #tpu.memory_space<vmem>>
      tpu.enqueue_dma source(%dma_start3A_422 : memref<8x8x128xf32, #tpu.memory_space<vmem>>) target(%dma_start3A_417 : memref<8x8x128xf32, #tpu.memory_space<hbm>>) target_semaphore(%dma_start3A_412 : memref<!tpu.dma_semaphore, #tpu.memory_space<semaphore_mem>>)
    }
    %scan3A_99 = arith.constant 50 : i32
    %add3A_100 = arith.constant 2 : i32
    %add3A_101 = arith.addi %mul3A_2, %add3A_100 : i32
    %dma_wait3A = arith.constant 0 : i32
    %dma_wait3A_102 = arith.constant 49 : i32
    %dma_wait3A_103 = arith.constant 0 : i32
    %dma_wait3A_104 = arith.constant 0 : i32
    %dma_wait3A_105 = arith.constant 0 : i32
    %dma_wait3A_106 = arith.constant 0 : i32
    %dma_wait3A_107 = tpu.memref_slice %arg9[%dma_wait3A, %dma_wait3A_104, %dma_wait3A_105, %dma_wait3A_106] : memref<2x8x8x129xf32, #tpu.memory_space<vmem>> -> memref<1x8x8x128xf32, #tpu.memory_space<vmem>>
    %dma_wait3A_108 = tpu.memref_squeeze %dma_wait3A_107 : memref<1x8x8x128xf32, #tpu.memory_space<vmem>> -> memref<8x8x128xf32, #tpu.memory_space<vmem>>
    %dma_wait3A_109 = arith.constant 0 : i32
    %dma_wait3A_110 = arith.constant 0 : i32
    %dma_wait3A_111 = arith.constant 0 : i32
    %dma_wait3A_112 = tpu.memref_slice %arg5[%dma_wait3A_102, %dma_wait3A_109, %add3A_101, %dma_wait3A_110, %dma_wait3A_111] : memref<50x8x128x8x128xf32, #tpu.memory_space<hbm>> -> memref<1x8x1x8x128xf32, #tpu.memory_space<hbm>>
    %dma_wait3A_113 = tpu.memref_squeeze %dma_wait3A_112 : memref<1x8x1x8x128xf32, #tpu.memory_space<hbm>> -> memref<8x8x128xf32, #tpu.memory_space<hbm>>
    %dma_wait3A_114 = tpu.memref_slice %arg11[%dma_wait3A_103] : memref<2x!tpu.dma_semaphore, #tpu.memory_space<semaphore_mem>> -> memref<1x!tpu.dma_semaphore, #tpu.memory_space<semaphore_mem>>
    %dma_wait3A_115 = tpu.memref_squeeze %dma_wait3A_114 : memref<1x!tpu.dma_semaphore, #tpu.memory_space<semaphore_mem>> -> memref<!tpu.dma_semaphore, #tpu.memory_space<semaphore_mem>>
    %dma_wait3A_116 = arith.constant 0 : i32
    %dma_wait3A_117 = arith.constant 0 : i32
    %dma_wait3A_118 = arith.constant 0 : i32
    %dma_wait3A_119 = tpu.memref_slice %arg5[%dma_wait3A_102, %dma_wait3A_116, %add3A_101, %dma_wait3A_117, %dma_wait3A_118] : memref<50x8x128x8x128xf32, #tpu.memory_space<hbm>> -> memref<1x8x1x8x128xf32, #tpu.memory_space<hbm>>
    %dma_wait3A_120 = tpu.memref_squeeze %dma_wait3A_119 : memref<1x8x1x8x128xf32, #tpu.memory_space<hbm>> -> memref<8x8x128xf32, #tpu.memory_space<hbm>>
    %dma_wait3A_121 = arith.constant 0 : i32
    %dma_wait3A_122 = arith.constant 0 : i32
    %dma_wait3A_123 = arith.constant 0 : i32
    %dma_wait3A_124 = tpu.memref_slice %arg9[%dma_wait3A, %dma_wait3A_121, %dma_wait3A_122, %dma_wait3A_123] : memref<2x8x8x129xf32, #tpu.memory_space<vmem>> -> memref<1x8x8x128xf32, #tpu.memory_space<vmem>>
    %dma_wait3A_125 = tpu.memref_squeeze %dma_wait3A_124 : memref<1x8x8x128xf32, #tpu.memory_space<vmem>> -> memref<8x8x128xf32, #tpu.memory_space<vmem>>
    tpu.wait_dma2 semaphore(%dma_wait3A_115 : memref<!tpu.dma_semaphore, #tpu.memory_space<semaphore_mem>>) src(%dma_wait3A_125 : memref<8x8x128xf32, #tpu.memory_space<vmem>>) dst(%dma_wait3A_120 : memref<8x8x128xf32, #tpu.memory_space<hbm>>)
    %add3A_126 = arith.constant 3 : i32
    %add3A_127 = arith.addi %mul3A_2, %add3A_126 : i32
    %dma_wait3A_128 = arith.constant 1 : i32
    %dma_wait3A_129 = arith.constant 49 : i32
    %dma_wait3A_130 = arith.constant 1 : i32
    %dma_wait3A_131 = arith.constant 0 : i32
    %dma_wait3A_132 = arith.constant 0 : i32
    %dma_wait3A_133 = arith.constant 0 : i32
    %dma_wait3A_134 = tpu.memref_slice %arg9[%dma_wait3A_128, %dma_wait3A_131, %dma_wait3A_132, %dma_wait3A_133] : memref<2x8x8x129xf32, #tpu.memory_space<vmem>> -> memref<1x8x8x128xf32, #tpu.memory_space<vmem>>
    %dma_wait3A_135 = tpu.memref_squeeze %dma_wait3A_134 : memref<1x8x8x128xf32, #tpu.memory_space<vmem>> -> memref<8x8x128xf32, #tpu.memory_space<vmem>>
    %dma_wait3A_136 = arith.constant 0 : i32
    %dma_wait3A_137 = arith.constant 0 : i32
    %dma_wait3A_138 = arith.constant 0 : i32
    %dma_wait3A_139 = tpu.memref_slice %arg5[%dma_wait3A_129, %dma_wait3A_136, %add3A_127, %dma_wait3A_137, %dma_wait3A_138] : memref<50x8x128x8x128xf32, #tpu.memory_space<hbm>> -> memref<1x8x1x8x128xf32, #tpu.memory_space<hbm>>
    %dma_wait3A_140 = tpu.memref_squeeze %dma_wait3A_139 : memref<1x8x1x8x128xf32, #tpu.memory_space<hbm>> -> memref<8x8x128xf32, #tpu.memory_space<hbm>>
    %dma_wait3A_141 = tpu.memref_slice %arg11[%dma_wait3A_130] : memref<2x!tpu.dma_semaphore, #tpu.memory_space<semaphore_mem>> -> memref<1x!tpu.dma_semaphore, #tpu.memory_space<semaphore_mem>>
    %dma_wait3A_142 = tpu.memref_squeeze %dma_wait3A_141 : memref<1x!tpu.dma_semaphore, #tpu.memory_space<semaphore_mem>> -> memref<!tpu.dma_semaphore, #tpu.memory_space<semaphore_mem>>
    %dma_wait3A_143 = arith.constant 0 : i32
    %dma_wait3A_144 = arith.constant 0 : i32
    %dma_wait3A_145 = arith.constant 0 : i32
    %dma_wait3A_146 = tpu.memref_slice %arg5[%dma_wait3A_129, %dma_wait3A_143, %add3A_127, %dma_wait3A_144, %dma_wait3A_145] : memref<50x8x128x8x128xf32, #tpu.memory_space<hbm>> -> memref<1x8x1x8x128xf32, #tpu.memory_space<hbm>>
    %dma_wait3A_147 = tpu.memref_squeeze %dma_wait3A_146 : memref<1x8x1x8x128xf32, #tpu.memory_space<hbm>> -> memref<8x8x128xf32, #tpu.memory_space<hbm>>
    %dma_wait3A_148 = arith.constant 0 : i32
    %dma_wait3A_149 = arith.constant 0 : i32
    %dma_wait3A_150 = arith.constant 0 : i32
    %dma_wait3A_151 = tpu.memref_slice %arg9[%dma_wait3A_128, %dma_wait3A_148, %dma_wait3A_149, %dma_wait3A_150] : memref<2x8x8x129xf32, #tpu.memory_space<vmem>> -> memref<1x8x8x128xf32, #tpu.memory_space<vmem>>
    %dma_wait3A_152 = tpu.memref_squeeze %dma_wait3A_151 : memref<1x8x8x128xf32, #tpu.memory_space<vmem>> -> memref<8x8x128xf32, #tpu.memory_space<vmem>>
    tpu.wait_dma2 semaphore(%dma_wait3A_142 : memref<!tpu.dma_semaphore, #tpu.memory_space<semaphore_mem>>) src(%dma_wait3A_152 : memref<8x8x128xf32, #tpu.memory_space<vmem>>) dst(%dma_wait3A_147 : memref<8x8x128xf32, #tpu.memory_space<hbm>>)
    return
  }
}

module attributes {stable_mosaic.version = 14 : i64} {
  func.func @_tc_transpose_body(%arg0: i32, %arg1: memref<64x8192xf32, #tpu.memory_space<vmem>>, %arg2: memref<8192x128xf32, #tpu.memory_space<vmem>>) attributes {dimension_semantics = [#tpu.dimension_semantics<arbitrary>], iteration_bounds = array<i64: 123>, scalar_prefetch = 0 : i64, scratch_operands = 0 : i64, tpu.core_type = #tpu.core_type<tc>, window_params = [{transform_indices = @transform_0, window_bounds = array<i64: 64, 8192>}, {transform_indices = @transform_1, window_bounds = array<i64: 8192, 128>}]} {
    %iota3A = tpu.iota {dimensions = array<i32: 0>} : vector<64x64xi32>
    %iota3A_0 = tpu.iota {dimensions = array<i32: 1>} : vector<64x64xi32>
    %add3A = arith.constant 0 : i32
    %add3A_1 = vector.broadcast %add3A : i32 to vector<64x64xi32>
    %add3A_2 = arith.addi %iota3A, %add3A_1 : vector<64x64xi32>
    %eq3A = arith.cmpi eq, %add3A_2, %iota3A_0 : vector<64x64xi32>
    %convert_element_type3A = arith.extui %eq3A : vector<64x64xi1> to vector<64x64xi32>
    %convert_element_type3A_3 = arith.sitofp %convert_element_type3A : vector<64x64xi32> to vector<64x64xf32>
    %get3A = arith.constant 0 : index
    %get3A_4 = arith.constant 0 : index
    %get3A_5 = vector.load %arg1[%get3A, %get3A_4] : memref<64x8192xf32, #tpu.memory_space<vmem>>, vector<64x8192xf32>
    %transpose3A = tpu.transpose %get3A_5, [1, 0] : vector<64x8192xf32> -> vector<8192x64xf32>
    %dot_general3A = arith.constant dense<0.000000e+00> : vector<8192x64xf32>
    %dot_general3A_6 = tpu.matmul %transpose3A, %convert_element_type3A_3, %dot_general3A {dimension_numbers = #tpu.dot_dimension_numbers<[1], [0], [0], [1], [0, 0, 1, 1], [], []>, transpose_lhs_hint = false} : vector<8192x64xf32>, vector<64x64xf32>, vector<8192x64xf32> -> vector<8192x64xf32>
    %swap3A = arith.constant 0 : index
    %swap3A_7 = arith.constant 0 : index
    %swap3A_8 = vector.load %arg2[%swap3A, %swap3A_7] : memref<8192x128xf32, #tpu.memory_space<vmem>>, vector<8192x64xf32>
    tpu.vector_store %arg2[%swap3A, %swap3A_7], %dot_general3A_6 {strides = array<i32>} : memref<8192x128xf32, #tpu.memory_space<vmem>>, vector<8192x64xf32>,
    return
  }
  func.func @transform_0(%arg0: i32) -> (i32, i32) {
    %c0_i32 = arith.constant 0 : i32
    %c0_i32_0 = arith.constant 0 : i32
    return %c0_i32, %arg0 : i32, i32
  }
  func.func @transform_1(%arg0: i32) -> (i32, i32) {
    %c0_i32 = arith.constant 0 : i32
    %c0_i32_0 = arith.constant 0 : i32
    return %arg0, %c0_i32 : i32, i32
  }
}

</mosaic_0001>

<sc_bundles>
// kernel: kernel.4.cloned.1.call-start
scs
__scs_entry_jumppad:
0x0: {  	(pc) =	sbr.rel $0x88, $3  }
0x1: {  	(tag) =	ssettag $0x0;
	lr =	simm.s32 $0x1  }
0x2: {  	[smem:$0x3F9F] =	sst lr;
	_ =	strace $0xD0000000  }
0x3: {  	_ = 	snop  }
0x4: {  	_ = 	snop  }
0x5: {  	_ = 	snop  }
0x6: {  	_ = 	snop  }
0x7: {  	_ = 	snop  }
__scs_overlays_trampoline_lowered:
0x8: {  	[smem:$0x3FAE] =	sst s0  }
0x9: {  	[smem:$0x3FAF] =	sst s1  }
0xa: {  	[smem:$0x3FB0] =	sst s2  }
0xb: {  	[smem:$0x3FB1] =	sst s3  }
0xc: {  	[smem:$0x3FB2] =	sst s4  }
0xd: {  	[smem:$0x3FB3] =	sst s5  }
0xe: {  	[smem:$0x3FB4] =	sst s6  }
0xf: {  	[smem:$0x3FB5] =	sst s7  }
0x10: {  	[smem:$0x3FB6] =	sst s8  }
0x11: {  	[smem:$0x3FB7] =	sst s9;
	s0 =	simm.s32 @!p0 $0x0  }
0x12: {  	s1 =	sld [smem:$0x3F9D];
	s0 =	simm.s32 @p0 $0x1  }
0x13: {  	[smem:$0x3FB8] =	sst s0;
	s0 =	simm.s32 @!p1 $0x0  }
0x14: {  	s2 =	sld [smem:$0x3F9C];
	s0 =	simm.s32 @p1 $0x1  }
0x15: {  	[smem:$0x3FB9] =	sst s0;
	s0 =	simm.s32 @!p2 $0x0  }
0x16: {  	s3 =	sld [smem:$0x3FDB];
	s0 =	simm.s32 @p2 $0x1  }
0x17: {  	s4 =	simm.s32 $0x1BF5;
	[smem:$0x3FBB] =	sst s0  }
0x18: {  	s0 =	sld [smem:$0x3F9E];
	_ =	swait.ge [sflag:s4], $0x0  }
0x19: {  	s7 =	sld [smem:$0x3F9F]  }
0x1a: {  	s8 =	sadd.s32 $0xFFFFE003, lr  }
0x1b: {  	s9 =	sadd.s32 $0xFFFFFEF7, lr;
	s5 =	simm.s32 $0xFFFFFFFF;
	p2 =	slt.u32 s8, $0xFFFFF086  }
0x1c: {  	p1 =	slt.u32 s9, $0xF7A;
	s5 =	simm.s32 @!p2 $0x0  }
0x1d: {  	s5 =	simm.s32 @p1 $0x1;
	p0 =	seq.s32 s7, s2  }
0x1e: {  	s7 =	smul.u32 @!p0 $0xF7A, s2;
	p2 =	seq.s32 @!p0 s5, $0x0  }
0x1f: {  	s9 =	smul.u32 $0xF7A, s1;
	s8 =	simm.s32 @!p0 $0x1BF5;
	p2 =	por !p2, p0  }
0x20: {  	[sflag:s8] =	ssyncset.s32 @!p0 $0xFFFFF086;
	s6 =	sadd.s32 @!p0 s3, s7;
	s7 =	simm.s32 @!p0 $0x108  }
0x21: {  	s3 =	sadd.s32 s3, s9;
	s6 =	sadd.s32 @!p0 $0x88, s6;
	s7 =	simm.s32 @p2 $0x1082  }
0x22: {  	[simem:s7], [sflag:s8] =	dma.local @!p0 [hbm:s6], $0xF7A  }
0x23: {  	s9 =	sor.u32 $0xD0000000, s2;
	s6 =	simm.s32 $0x108;
	_ =	swait.ge @!p0 [sflag:s8], $0x0  }
0x24: {  	s3 =	sadd.s32 $0x88, s3;
	s6 =	simm.s32 @!p1 $0x1082;
	[sflag:s4] =	ssyncset.s32 $0xFFFFF086  }
0x25: {  	[simem:s6], [sflag:s4] =	dma.local [hbm:s3], $0xF7A  }
0x26: {  	[smem:$0x3F9F] =	sst s1;
	(tag) =	ssettag s2;
	_ =	strace s9  }
0x27: {  	s1 =	sld [smem:$0x3FAF]  }
0x28: {  	s2 =	sld [smem:$0x3FB0]  }
0x29: {  	s4 =	sld [smem:$0x3FB2]  }
0x2a: {  	p0 =	seq.s32 s5, $0x0;
	s5 =	sld [smem:$0x3FB3]  }
0x2b: {  	s6 =	sld [smem:$0x3FB4]  }
0x2c: {  	s7 =	sld [smem:$0x3FB5]  }
0x2d: {  	s3 =	simm.s32 $0x108;
	s8 =	sld [smem:$0x3FB6]  }
0x2e: {  	s3 =	simm.s32 @!p0 $0x1082;
	s9 =	sld [smem:$0x3FB7]  }
0x2f: {  	lr =	sadd.s32 s0, s3;
	s0 =	sld [smem:$0x3FAE]  }
0x30: {  	s3 =	sld [smem:$0x3FB1]  }
0x31: {  	[smem:$0x3FBA] =	sst s10  }
0x32: {  	s10 =	sld [smem:$0x3FB8];
	_ =	sdelay $0x3  }
0x33: {  	p0 =	seq.s32 s10, $0x1;
	s10 =	sld [smem:$0x3FBA];
	_ =	sdelay $0x3  }
0x34: {  	[smem:$0x3FBA] =	sst s10  }
0x35: {  	s10 =	sld [smem:$0x3FB9];
	_ =	sdelay $0x3  }
0x36: {  	p1 =	seq.s32 s10, $0x1;
	s10 =	sld [smem:$0x3FBA];
	_ =	sdelay $0x3  }
0x37: {  	[smem:$0x3FBA] =	sst s10  }
0x38: {  	s10 =	sld [smem:$0x3FBB]  }
0x39: {  	_ = 	snop;
	(pc) =	sbr.ind lr, $3  }
0x3a: {  	_ = 	snop  }
0x3b: {  	_ = 	snop  }
0x3c: {  	p2 =	seq.s32 s10, $0x1;
	s10 =	sld [smem:$0x3FBA]  }
0x3d: {  	_ =	shalt  }
0x3e: {  	_ =	shalt  }
0x3f: {  	_ =	shalt  }
0x40: {  	_ =	shalt  }
0x41: {  	_ =	shalt  }
0x42: {  	_ =	shalt  }
0x43: {  	_ =	shalt  }
0x44: {  	_ =	shalt  }
0x45: {  	_ =	shalt  }
0x46: {  	_ =	shalt  }
0x47: {  	_ =	shalt  }
0x48: {  	_ =	shalt  }
0x49: {  	_ =	shalt  }
0x4a: {  	_ =	shalt  }
0x4b: {  	_ =	shalt  }
0x4c: {  	_ =	shalt  }
0x4d: {  	_ =	shalt  }
0x4e: {  	_ =	shalt  }
0x4f: {  	_ =	shalt  }
0x50: {  	_ =	shalt  }
0x51: {  	_ =	shalt  }
0x52: {  	_ =	shalt  }
0x53: {  	_ =	shalt  }
0x54: {  	_ =	shalt  }
0x55: {  	_ =	shalt  }
0x56: {  	_ =	shalt  }
0x57: {  	_ =	shalt  }
0x58: {  	_ =	shalt  }
0x59: {  	_ =	shalt  }
0x5a: {  	_ =	shalt  }
0x5b: {  	_ =	shalt  }
0x5c: {  	_ =	shalt  }
0x5d: {  	_ =	shalt  }
0x5e: {  	_ =	shalt  }
0x5f: {  	_ =	shalt  }
0x60: {  	_ =	shalt  }
0x61: {  	_ =	shalt  }
0x62: {  	_ =	shalt  }
0x63: {  	_ =	shalt  }
0x64: {  	_ =	shalt  }
0x65: {  	_ =	shalt  }
0x66: {  	_ =	shalt  }
0x67: {  	_ =	shalt  }
0x68: {  	_ =	shalt  }
0x69: {  	_ =	shalt  }
0x6a: {  	_ =	shalt  }
0x6b: {  	_ =	shalt  }
0x6c: {  	_ =	shalt  }
0x6d: {  	_ =	shalt  }
0x6e: {  	_ =	shalt  }
0x6f: {  	_ =	shalt  }
0x70: {  	_ =	shalt  }
0x71: {  	_ =	shalt  }
0x72: {  	_ =	shalt  }
0x73: {  	_ =	shalt  }
0x74: {  	_ =	shalt  }
0x75: {  	_ =	shalt  }
0x76: {  	_ =	shalt  }
0x77: {  	_ =	shalt  }
0x78: {  	_ =	shalt  }
0x79: {  	_ =	shalt  }
0x7a: {  	_ =	shalt  }
0x7b: {  	_ =	shalt  }
0x7c: {  	_ =	shalt  }
0x7d: {  	_ =	shalt  }
0x7e: {  	_ =	shalt  }
0x7f: {  	_ =	shalt  }
0x80: {  	_ =	shalt  }
0x81: {  	_ =	shalt  }
0x82: {  	_ =	shalt  }
0x83: {  	_ =	shalt  }
0x84: {  	_ =	shalt  }
0x85: {  	_ =	shalt  }
0x86: {  	_ =	shalt  }
0x87: {  	_ =	shalt  }
.Lfunc_end0:
.L_simem_size_0:
called_computation_lowered:
.L_overlay_start_0:
0x88: {  	s2 =	sld [smem:$0x3FD9]  }
0x89: {  	s3 =	sld [smem:$0x3FFE];
	_ =	sdelay $0x1  }
0x8a: {  	s1 =	srdreg.scid  }
0x8b: {  	s0 =	sand.u32 $0x1, s1  }
0x8c: {  	s17 =	sshll.u32 s0, $0xA;
	s2 =	sadd.s32 s3, s2  }
0x8d: {  	s2 =	sadd.s32 s2, s17  }
0x8e: {  	[smem:$0x3FC6] =	sst s2  }
0x8f: {  	_ = 	snop  }
0x90: {  	s2 =	sld [smem:$0x3FD0];
	(tm) =	ssettm $0x1  }
0x91: {  	s18 =	sld [smem:$0x3FFB];
	_ =	sdelay $0x3  }
0x92: {  	_ =	strace s18  }
0x93: {  	s3 =	sld [smem:$0x3FFC];
	_ =	sdelay $0x3  }
0x94: {  	_ =	strace s3  }
0x95: {  	s3 =	sld [smem:$0x3FFD];
	_ =	sdelay $0x3  }
0x96: {  	_ =	strace s3  }
0x97: {  	_ =	strace $0x8FFFFFFF  }
0x98: {  	s19 =	sld [smem:$0x3FDB];
	_ =	sdelay $0x1  }
0x99: {  	s4 =	simm.s32 $_scs_section_size  }
0x9a: {  	s5 =	simm.s32 $_size__tile_overlayer_lowered;
	s6 =	simm.s32 $_tile_overlayer_lowered  }
0x9b: {  	s22 =	simm.s32 $0x1BFF;
	s21 =	sshll.u32 s6, $0x1;
	s3 =	sadd.s32 s4, s19  }
0x9c: {  	s7 =	simm.s32 $0x0;
	s20 =	sshll.u32 s5, $0x1;
	s5 =	sadd.s32 s21, s3  }
0x9d: {  	[timem:s7], [sflag:s22] =	dma.local [hbm:s5], s20  }
0x9e: {  	_ =	swait.ge [sflag:s22], s20  }
0x9f: {  	s4 =	ssub.s32 $0x0, s20;
	[sflag:s22] =	ssyncset.done $0x0  }
0xa0: {  	[sflag:s22] =	ssyncadd.s32 s4;
	_ =	sdelay $0x1  }
0xa1: {  	s23 =	simm.s32 $0x1B8B  }
0xa2: {  	_ =	swait.ge [sflag:s23], $0x1  }
0xa3: {  	[sflag:s23] =	ssyncset.done $0x0  }
0xa4: {  	s25 =	simm.s32 $0x1B8E;
	s24 =	sld [smem:$0x3FFE];
	[sflag:s23] =	ssyncadd.s32 $0xFFFFFFFF  }
0xa5: {  	s26 =	simm.s32 $execute0_lowered;
	[smem:$0x3FD2] =	sst s25  }
0xa6: {  	s5 =	sshll.u32 s26, $0x1;
	_ =	strace $0x80000046;
	[dreg:$0x1] =	wrdreg $0xFFFFFFFF  }
0xa7: {  	s28 =	simm.s32 $_size_execute0_lowered;
	s3 =	sadd.s32 s3, s5;
	[dreg:$0x0] =	wrdreg $0x0  }
0xa8: {  	s5 =	sshll.u32 s28, $0x1;
	[dreg:$0x2] =	wrdreg s3  }
0xa9: {  	[dreg:$0x3] =	wrdreg s5  }
0xaa: {  	[dreg:$0x4] =	wrdreg $0xC0  }
0xab: {  	_ =	task [dreg:s7], $0x5FFFF  }
0xac: {  	[dreg:$0x1] =	wrdreg $0xFFFFFFFF  }
0xad: {  	[dreg:$0x0] =	wrdreg $0x60  }
0xae: {  	[dreg:$0x2] =	wrdreg s24  }
0xaf: {  	[dreg:$0x3] =	wrdreg s2  }
0xb0: {  	[dreg:$0x4] =	wrdreg $0x9  }
0xb1: {  	_ =	task.clear_ibuf [dreg:s7], $0x5FFFF;
	_ =	strace $0x90000046  }
0xb2: {  	s29 =	simm.s32 $0x9;
	_ =	strace $0x80000048  }
0xb3: {  	_ =	swait.ge [sflag:s29], $0x1  }
0xb4: {  	[sflag:s29] =	ssyncadd.s32 $0xFFFFFFFF  }
0xb5: {  	_ =	strace $0x90000048  }
0xb6: {  	_ =	sfence  }
0xb7: {  	s30 =	sld [smem:$0x0];
	_ =	sdelay $0x2  }
0xb8: {  	s31 =	sshll.u32 s1, $0xD;
	s1 =	sshrl.u32 s1, $0x2  }
0xb9: {  	s3 =	sand.u32 $0x4000, s31;
	s1 =	sadd.s32 s1, s30  }
0xba: {  	s0 =	sor.u32 s3, s0;
	s1 =	sshll.u32 s1, $0x11  }
0xbb: {  	s0 =	sor.u32 s1, s0  }
0xbc: {  	s0 =	sadd.s32 $0x8F2B, s0  }
0xbd: {  	[sflag:s0] =	ssyncadd.remote.s32 $0x1  }
0xbe: {  	_ =	sfence.sel $0xFFFF  }
0xbf: {  	[dreg:$0x0] =	wrdreg $0xFFFFFFFF;
	(pc) =	sbr.abs _section_cstart, $3  }
0xc0: {  	[dreg:$0x1] =	wrdreg $0xFFFFFFFF  }
0xc1: {  	_ =	task.clear_ibuf [dreg:s7], $0x2FFFF;
	_ =	strace $0x9FFFFFFF  }
0xc2: {  	(tm) =	ssettm $0x7FFFFFFF  }
0xc3: {  	_ =	shalt  }
tec
execute0_lowered:
.L_overlay_start_1:
0x0: {  	(tag) =	ssettag $0x1  }
0x1: {  	s3 =	stileid.u32;
	v0 =	vlaneseq.u32  }
0x2: {  	s0 =	rddreg [dreg:$0x0];
	s4 =	sshll.u32 s3, $0x1;
	v6 =	vmul.u32 $0x88, v0;
	s3 =	simm.s32 $0x0  }
0x3: {  	[smem:$0x7FF] =	sst s3  }
0x4: {  	s2 =	rddreg [dreg:$0x1];
	_ =	strace $0x80000047;
	v0 =	vadd.s32 $0x1107, v6;
	[tilespmem:$0x1FE20] =	vst v6  }
0x5: {  	v59 =	vadd.s32 $0x880, v6;
	[tilespmem:$0x1FE00] =	vst v0  }
0x6: {  	v2 =	vadd.s32 $0x1100, v6;
	[tilespmem:$0x1FE30] =	vst v59  }
0x7: {  	v8 =	vadd.s32 $0x1980, v6;
	[tilespmem:$0x1FE40] =	vst v2  }
0x8: {  	v11 =	vor.u32 $0x1, v6;
	[tilespmem:$0x1FE50] =	vst v8  }
0x9: {  	v13 =	vadd.s32 $0x881, v6;
	[tilespmem:$0x1FE60] =	vst v11  }
0xa: {  	v20 =	vadd.s32 $0x1101, v6;
	[tilespmem:$0x1FE70] =	vst v13  }
0xb: {  	v10 =	vadd.s32 $0x1981, v6;
	[tilespmem:$0x1FE80] =	vst v20  }
0xc: {  	v15 =	vor.u32 $0x2, v6;
	[tilespmem:$0x1FE90] =	vst v10  }
0xd: {  	v17 =	vadd.s32 $0x882, v6;
	[tilespmem:$0x1FEA0] =	vst v15  }
0xe: {  	v24 =	vadd.s32 $0x1102, v6;
	[tilespmem:$0x1FEB0] =	vst v17  }
0xf: {  	v14 =	vadd.s32 $0x1982, v6;
	[tilespmem:$0x1FEC0] =	vst v24  }
0x10: {  	v19 =	vor.u32 $0x3, v6;
	[tilespmem:$0x1FED0] =	vst v14  }
0x11: {  	v21 =	vadd.s32 $0x883, v6;
	[tilespmem:$0x1FEE0] =	vst v19  }
0x12: {  	v28 =	vadd.s32 $0x1103, v6;
	[tilespmem:$0x1FEF0] =	vst v21  }
0x13: {  	v18 =	vadd.s32 $0x1983, v6;
	[tilespmem:$0x1FF00] =	vst v28  }
0x14: {  	v23 =	vor.u32 $0x4, v6;
	[tilespmem:$0x1FF10] =	vst v18  }
0x15: {  	v4 =	vadd.s32 $0x884, v6;
	[tilespmem:$0x1FF20] =	vst v23  }
0x16: {  	v33 =	vadd.s32 $0x1104, v6;
	[tilespmem:$0x1FF30] =	vst v4  }
0x17: {  	v22 =	vadd.s32 $0x1984, v6;
	[tilespmem:$0x1FF40] =	vst v33  }
0x18: {  	v27 =	vor.u32 $0x5, v6;
	[tilespmem:$0x1FF50] =	vst v22  }
0x19: {  	v5 =	vadd.s32 $0x885, v6;
	[tilespmem:$0x1FF60] =	vst v27  }
0x1a: {  	s1 =	srdreg.scid;
	v34 =	vadd.s32 $0x1105, v6;
	[tilespmem:$0x1FF70] =	vst v5  }
0x1b: {  	s9 =	simm.s32 $0x7;
	s12 =	simm.s32 $0xC80;
	s13 =	simm.s32 $0x80;
	v26 =	vadd.s32 $0x1985, v6;
	[tilespmem:$0x1FF80] =	vst v34  }
0x1c: {  	s17 =	simm.s32 $0xD80;
	s18 =	simm.s32 $0xB080;
	s19 =	simm.s32 $0x1;
	v31 =	vor.u32 $0x6, v6;
	[tilespmem:$0x1FF90] =	vst v26  }
0x1d: {  	s20 =	simm.s32 $0xD080;
	s21 =	simm.s32 $0xF080;
	s22 =	simm.s32 $0x2;
	v25 =	vadd.s32 $0x886, v6;
	[tilespmem:$0x1FFA0] =	vst v31  }
0x1e: {  	s23 =	simm.s32 $0x11280;
	s24 =	simm.s32 $0x3;
	s25 =	simm.s32 $0x5;
	v32 =	vadd.s32 $0x1106, v6;
	[tilespmem:$0x1FFB0] =	vst v25  }
0x1f: {  	s26 =	simm.s32 $0x4;
	s28 =	simm.s32 $0x6;
	s1 =	sand.u32 $0x1, s1;
	v30 =	vadd.s32 $0x1986, v6;
	[tilespmem:$0x1FFC0] =	vst v32  }
0x20: {  	s29 =	simm.s32 $0x0;
	s6 =	sor.u32 s1, s4;
	s1 =	ssub.s32 $0x2, s1;
	v3 =	vor.u32 $0x7, v6;
	[tilespmem:$0x1FFD0] =	vst v30  }
0x21: {  	s5 =	sadd.s32 $0x400, s0;
	s4 =	sshll.u32 s6, $0x6;
	s31 =	sshrl.u32 s1, $0x1;
	v7 =	vadd.s32 $0x887, v6;
	[tilespmem:$0x1FFE0] =	vst v3  }
0x22: {  	v1 =	vimm.s32 $0x0;
	vm0 =	vcmask $0x300;
	s7 =	sadd.s32 s4, s0;
	s4 =	sadd.s32 $0x19600, s0;
	s0 =	ssub.s32 s1, s31;
	v0 =	vadd.s32 $0x1987, v6;
	[tilespmem:$0x1FFF0] =	vst v7  }
0x23: {  	v1 =	vsel vm0, $0x3, v1;
	s6 =	sshll.u32 s6, $0xC;
	s7 =	sadd.s32 $0x600, s7;
	s8 =	smax.u32 s0, $0x1;
	[tilespmem:$0x1FE10] =	vst v0  }
.LBB2_1:
0x24: {  	[tilespmem:s3], [sflag:$0x7] =	stream.linear.gather [hbm4b:s5+s3], $0xC80, $0x38;
	[tilespmem:$0x13480] =	vst v63  }
0x25: {  	_ =	swait.ge [sflag:s9], $0xC80  }
0x26: {  	[sflag:s9] =	ssyncset.done $0x0  }
0x27: {  	s0 =	simm.s32 $0x200;
	s1 =	simm.s32 $0x4000;
	[sflag:s9] =	ssyncadd.s32 $0xFFFFF380  }
0x28: {  	[tilespmem:s12], [sflag:$0x7] =	stream.strided.gather [hbm4b:s7+s0], $0x6400, s1, s0, $0x38;
	[tilespmem:$0x13480] =	vst v63  }
0x29: {  	_ =	swait.ge [sflag:s9], $0x6400  }
0x2a: {  	[sflag:s9] =	ssyncset.done $0x0  }
0x2b: {  	s15 =	simm.s32 $0x7080;
	[sflag:s9] =	ssyncadd.s32 $0xFFFF9C00  }
0x2c: {  	[tilespmem:s15], [sflag:$0x1] =	stream.indirect.gather [hbm4b:s4+s13], $0x40, s12, s13, $0xb8;
	[tilespmem:$0x13480] =	vst v63  }
0x2d: {  	s16 =	simm.s32 $0xD00;
	s31 =	simm.s32 $0x9080  }
0x2e: {  	[tilespmem:s31], [sflag:$0x2] =	stream.indirect.gather [hbm4b:s4+s13], $0x40, s16, s13, $0xb8;
	[tilespmem:$0x13480] =	vst v63  }
0x2f: {  	s30 =	simm.s32 $0x0  }
0x30: {  	v16 =	vmov v2;
	[tilespmem:s18], [sflag:$0x3] =	stream.indirect.gather [hbm4b:s4+s13], $0x40, s17, s13, $0xb8;
	[tilespmem:$0x13480] =	vst v63  }
.LBB2_2:
0x31: {  	s0 =	sshll.u32 s30, $0x6  }
0x32: {  	s0 =	sand.u32 $0x3FFFFFC0, s0  }
0x33: {  	v36 =	vld [tilespmem:s0+$0x0]  }
0x34: {  	s10 =	sshll.u32 s30, $0x9;
	s11 =	simm.s32 $0x0;
	s14 =	simm.s32 $0x1;
	v35 =	vld [tilespmem:s0+$0x10]  }
0x35: {  	s1 =	simm.s32 $0x2;
	p0 =	seq.s32 s30, $0x0;
	s15 =	simm.s32 $0x3;
	v34 =	vld [tilespmem:s0+$0x20]  }
0x36: {  	s16 =	simm.s32 $0x4;
	s31 =	sand.u32 $0x3FFFFE00, s10;
	v33 =	vld [tilespmem:s0+$0x30];
	_ =	swait.ge [sflag:s19], $0x2000  }
0x37: {  	v39 =	vmov s1;
	s10 =	simm.s32 @!p0 $0x5;
	s1 =	simm.s32 $0x5;
	[sflag:s19] =	ssyncset.done $0x0  }
0x38: {  	v37 =	vmov s11;
	v38 =	vmov s14;
	s11 =	simm.s32 $0x6;
	s0 =	sadd.s32 $0xE00, s31;
	[sflag:s19] =	ssyncadd.s32 $0xFFFFE000  }
0x39: {  	v40 =	vmov s15;
	v41 =	vmov s16;
	[tilespmem:s20], [sflag:$0x4] =	stream.indirect.gather [hbm4b:s4+s13], $0x40, s0, s13, $0xb8;
	[tilespmem:$0x13480] =	vst v63  }
0x3a: {  	v37 =	vshrl.u32 v37, $0x3;
	v42 =	vmov s1;
	v43 =	vmov s11;
	_ =	swait.ge @!p0 [sflag:s10], $0x2000  }
0x3b: {  	s14 =	simm.s32 $0x7;
	v38 =	vshrl.u32 v38, $0x3;
	v39 =	vshrl.u32 v39, $0x3;
	v40 =	vshrl.u32 v40, $0x3;
	[sflag:s10] =	ssyncset.done @!p0 $0x0  }
0x3c: {  	v41 =	vshrl.u32 v41, $0x3;
	s1 =	simm.s32 $0x7180;
	v60 =	vmov s14;
	v37 =	vshll.u32 v37, v1;
	[sflag:s10] =	ssyncadd.s32 @!p0 $0xFFFFE000  }
0x3d: {  	v42 =	vshrl.u32 v42, $0x3;
	v46 =	vshrl.u32 v43, $0x3;
	v44 =	vshrl.u32 v60, $0x3;
	v47 =	vld [tilespmem:s1+$0xC0]  }
0x3e: {  	v38 =	vshll.u32 v38, v1;
	v39 =	vshll.u32 v39, v1;
	v61 =	vshll.u32 v44, v1;
	v48 =	vld [tilespmem:s1+$0xFFFFFF00]  }
0x3f: {  	v40 =	vshll.u32 v40, v1;
	v50 =	vshll.u32 v41, v1;
	v45 =	vbroadcast v61, $0x0;
	v49 =	vld [tilespmem:s1+$0xFFFFFF40]  }
0x40: {  	v43 =	vbroadcast v37, $0x0;
	v51 =	vshll.u32 v42, v1;
	v44 =	vbroadcast v38, $0x0;
	v37 =	vld [tilespmem:s1+$0xFFFFFF80]  }
0x41: {  	v42 =	vbroadcast v39, $0x0;
	v62 =	vshll.u32 v46, v1;
	v60 =	vadd.s32 v3, v45;
	v63 =	vld [tilespmem:s1+$0xFFFFFFC0]  }
0x42: {  	v41 =	vbroadcast v40, $0x0;
	v52 =	vadd.s32 v6, v43;
	v53 =	vld [tilespmem:s1+$0x0];
	v47 =	vmul.f32 $8.000000000e+00, v47  }
0x43: {  	v39 =	vbroadcast v50, $0x0;
	v61 =	vadd.s32 v11, v44;
	v48 =	vmul.f32 $8.000000000e+00, v48  }
0x44: {  	v55 =	vadd.s32 v15, v42;
	v54 =	vld [tilespmem:s1+$0x40];
	v49 =	vmul.f32 $8.000000000e+00, v49;
	v47 =	vadd.f32 v47, v36  }
0x45: {  	v57 =	vadd.s32 v19, v41;
	v56 =	vld [tilespmem:s1+$0x80];
	v37 =	vmul.f32 $8.000000000e+00, v37;
	v48 =	vadd.f32 v48, v36  }
0x46: {  	v58 =	vadd.s32 v23, v39;
	v46 =	vmul.f32 $8.000000000e+00, v63;
	v49 =	vadd.f32 v49, v36;
	[tilespmem:v60+s21+$0x0] =	vst.idx.msk $0xffff, v47  }
0x47: {  	v2 =	vbroadcast v62, $0x0;
	v62 =	vmul.f32 $8.000000000e+00, v53;
	v37 =	vadd.f32 v37, v36;
	[tilespmem:v52+s21+$0x0] =	vst.idx.msk $0xffff, v48;
	v50 =	vld [tilespmem:s1+$0xD0]  }
0x48: {  	v40 =	vbroadcast v51, $0x0;
	v46 =	vadd.f32 v46, v36;
	[tilespmem:v61+s21+$0x0] =	vst.idx.msk $0xffff, v49;
	v52 =	vld [tilespmem:s1+$0xFFFFFF10]  }
0x49: {  	v51 =	vadd.s32 v31, v2;
	v63 =	vmul.f32 $8.000000000e+00, v54;
	[tilespmem:v55+s21+$0x0] =	vst.idx.msk $0xffff, v37;
	v61 =	vadd.f32 v62, v36;
	v54 =	vld [tilespmem:s1+$0xFFFFFF50]  }
0x4a: {  	v48 =	vadd.s32 v27, v40;
	v62 =	vmul.f32 $8.000000000e+00, v56;
	[tilespmem:v57+s21+$0x0] =	vst.idx.msk $0xffff, v46;
	v55 =	vld [tilespmem:s1+$0xFFFFFF90]  }
0x4b: {  	v47 =	vadd.s32 v7, v45;
	v56 =	vld [tilespmem:s1+$0xFFFFFFD0];
	[tilespmem:v58+s21+$0x0] =	vst.idx.msk $0xffff, v61  }
0x4c: {  	v9 =	vmovc v59;
	v37 =	vadd.f32 v62, v36;
	v58 =	vadd.s32 v59, v43;
	v59 =	vld [tilespmem:s1+$0x10];
	v46 =	vmul.f32 $8.000000000e+00, v50  }
0x4d: {  	v63 =	vadd.f32 v63, v36;
	v50 =	vmul.f32 $8.000000000e+00, v52;
	v52 =	vadd.s32 v13, v44  }
0x4e: {  	[tilespmem:v51+s21+$0x0] =	vst.idx.msk $0xffff, v37;
	v51 =	vadd.s32 v17, v42;
	v37 =	vmul.f32 $8.000000000e+00, v54;
	v46 =	vadd.f32 v46, v35  }
0x4f: {  	v61 =	vadd.s32 v21, v41;
	[tilespmem:v48+s21+$0x0] =	vst.idx.msk $0xffff, v63;
	v55 =	vmul.f32 $8.000000000e+00, v55;
	v50 =	vadd.f32 v50, v35  }
0x50: {  	v62 =	vadd.s32 v4, v39;
	v56 =	vmul.f32 $8.000000000e+00, v56;
	v37 =	vadd.f32 v37, v35;
	[tilespmem:v47+s21+$0x0] =	vst.idx.msk $0xffff, v46  }
0x51: {  	s15 =	simm.s32 $0x8;
	v38 =	vmul.f32 $8.000000000e+00, v59;
	[tilespmem:v58+s21+$0x0] =	vst.idx.msk $0xffff, v50;
	v46 =	vadd.f32 v55, v35  }
0x52: {  	v60 =	vmov s15;
	[tilespmem:v52+s21+$0x0] =	vst.idx.msk $0xffff, v37;
	v52 =	vadd.f32 v56, v35  }
0x53: {  	v53 =	vshrl.u32 v60, $0x3;
	v60 =	vld [tilespmem:s1+$0x50];
	[tilespmem:v51+s21+$0x0] =	vst.idx.msk $0xffff, v46;
	v46 =	vadd.f32 v38, v35  }
0x54: {  	v54 =	vld [tilespmem:s1+$0x90];
	[tilespmem:v61+s21+$0x0] =	vst.idx.msk $0xffff, v52  }
0x55: {  	[tilespmem:v62+s21+$0x0] =	vst.idx.msk $0xffff, v46  }
0x56: {  	v12 =	vmov v3;
	v3 =	vld [tilespmem:$0x1FE00]  }
0x57: {  	v50 =	vadd.s32 v5, v40;
	v55 =	vld [tilespmem:s1+$0xE0]  }
0x58: {  	v56 =	vmul.f32 $8.000000000e+00, v60  }
0x59: {  	v47 =	vmul.f32 $8.000000000e+00, v54  }
0x5a: {  	v59 =	vadd.s32 v25, v2;
	v38 =	vadd.f32 v56, v35  }
0x5b: {  	v46 =	vadd.f32 v47, v35;
	v47 =	vadd.s32 v3, v45  }
0x5c: {  	v58 =	vld [tilespmem:s1+$0xFFFFFF20];
	[tilespmem:v50+s21+$0x0] =	vst.idx.msk $0xffff, v38;
	v50 =	vmul.f32 $8.000000000e+00, v55;
	_ =	sdelay $0x1  }
0x5d: {  	s16 =	simm.s32 $0x9;
	v63 =	vld [tilespmem:s1+$0xFFFFFF60];
	v50 =	vadd.f32 v50, v34  }
0x5e: {  	v49 =	vmov s16;
	v37 =	vshll.u32 v53, v1;
	v53 =	vld [tilespmem:s1+$0xFFFFFFA0];
	[tilespmem:v59+s21+$0x0] =	vst.idx.msk $0xffff, v46  }
0x5f: {  	v61 =	vshrl.u32 v49, $0x3;
	v49 =	vadd.s32 v16, v43;
	v56 =	vld [tilespmem:s1+$0xFFFFFFE0];
	[tilespmem:v47+s21+$0x0] =	vst.idx.msk $0xffff, v50  }
0x60: {  	s10 =	simm.s32 $0xA;
	v38 =	vmul.f32 $8.000000000e+00, v58;
	v0 =	vld [tilespmem:$0x1FF40]  }
0x61: {  	v57 =	vmov s10;
	v62 =	vld [tilespmem:s1+$0x20]  }
0x62: {  	v52 =	vshrl.u32 v57, $0x3;
	v57 =	vadd.s32 v20, v44;
	v55 =	vadd.f32 v38, v34  }
0x63: {  	v59 =	vadd.s32 v24, v42;
	v46 =	vmul.f32 $8.000000000e+00, v63  }
0x64: {  	v58 =	vld [tilespmem:s1+$0x60];
	v53 =	vmul.f32 $8.000000000e+00, v53;
	v38 =	vadd.s32 v28, v41;
	[tilespmem:v49+s21+$0x0] =	vst.idx.msk $0xffff, v55  }
0x65: {  	v46 =	vadd.f32 v46, v34;
	v47 =	vmul.f32 $8.000000000e+00, v56;
	v50 =	vadd.s32 v0, v39;
	v0 =	vld [tilespmem:$0x1FF80]  }
0x66: {  	v63 =	vld [tilespmem:s1+$0xA0];
	v49 =	vadd.f32 v53, v34;
	v53 =	vmul.f32 $8.000000000e+00, v62  }
0x67: {  	[tilespmem:v57+s21+$0x0] =	vst.idx.msk $0xffff, v46;
	v46 =	vadd.f32 v47, v34  }
0x68: {  	s11 =	simm.s32 $0xB;
	v56 =	vld [tilespmem:s1+$0xF0];
	v53 =	vadd.f32 v53, v34;
	[tilespmem:v59+s21+$0x0] =	vst.idx.msk $0xffff, v49  }
0x69: {  	s14 =	simm.s32 $0xC;
	s16 =	simm.s32 $0xE;
	v48 =	vmov s11;
	v57 =	vld [tilespmem:s1+$0xFFFFFF30];
	[tilespmem:v38+s21+$0x0] =	vst.idx.msk $0xffff, v46  }
0x6a: {  	s15 =	simm.s32 $0xD;
	v60 =	vmov s14;
	v54 =	vmov s16;
	v59 =	vld [tilespmem:s1+$0xFFFFFF70];
	v55 =	vadd.s32 v0, v40;
	[tilespmem:v50+s21+$0x0] =	vst.idx.msk $0xffff, v53  }
0x6b: {  	v51 =	vmov s15;
	v58 =	vmul.f32 $8.000000000e+00, v58;
	v63 =	vmul.f32 $8.000000000e+00, v63;
	v29 =	vld [tilespmem:$0x1FE10]  }
0x6c: {  	v44 =	vadd.s32 v10, v44;
	v62 =	vadd.s32 v32, v2;
	v47 =	vshrl.u32 v60, $0x3  }
0x6d: {  	v49 =	vshrl.u32 v51, $0x3;
	v51 =	vadd.f32 v58, v34;
	v58 =	vadd.f32 v63, v34;
	v38 =	vld [tilespmem:s1+$0xFFFFFFB0]  }
0x6e: {  	v60 =	vadd.s32 v8, v43;
	v43 =	vadd.s32 v18, v41;
	v46 =	vshrl.u32 v54, $0x3;
	v50 =	vld [tilespmem:s1+$0xFFFFFFF0]  }
0x6f: {  	v54 =	vshll.u32 v61, v1;
	v61 =	vmul.f32 $8.000000000e+00, v56;
	v63 =	vmul.f32 $8.000000000e+00, v59;
	[tilespmem:v55+s21+$0x0] =	vst.idx.msk $0xffff, v51;
	v51 =	vld [tilespmem:s1+$0x30]  }
0x70: {  	v55 =	vshll.u32 v52, v1;
	v52 =	vmul.f32 $8.000000000e+00, v57;
	v45 =	vadd.s32 v29, v45;
	v57 =	vld [tilespmem:s1+$0x70]  }
0x71: {  	v48 =	vshrl.u32 v48, $0x3;
	v61 =	vadd.f32 v61, v33;
	[tilespmem:v62+s21+$0x0] =	vst.idx.msk $0xffff, v58;
	v62 =	vadd.f32 v63, v33  }
0x72: {  	v0 =	vmovc v16;
	v53 =	vadd.s32 v14, v42;
	v38 =	vmul.f32 $8.000000000e+00, v38;
	v52 =	vadd.f32 v52, v33  }
0x73: {  	v42 =	vadd.s32 v22, v39;
	v39 =	vadd.s32 v26, v40;
	v63 =	vmul.f32 $8.000000000e+00, v50;
	[tilespmem:v44+s21+$0x0] =	vst.idx.msk $0xffff, v62  }
0x74: {  	v16 =	vmov v7;
	v56 =	vadd.f32 v38, v33;
	v38 =	vadd.s32 v30, v2;
	[tilespmem:v60+s21+$0x0] =	vst.idx.msk $0xffff, v52  }
0x75: {  	s0 =	simm.s32 $0x10;
	s10 =	simm.s32 $0xF;
	v7 =	vmovc v0;
	v41 =	vld [tilespmem:s1+$0xB0];
	v52 =	vadd.f32 v63, v33;
	v51 =	vmul.f32 $8.000000000e+00, v51;
	[tilespmem:v45+s21+$0x0] =	vst.idx.msk $0xffff, v61;
	v40 =	vmul.f32 $8.000000000e+00, v57  }
.LBB2_3:
0x76: {  	v44 =	vmov s10;
	s1 =	sadd.s32 $0x200, s1;
	v48 =	vshll.u32 v48, v1;
	v47 =	vshll.u32 v47, v1  }
0x77: {  	v49 =	vshll.u32 v49, v1;
	[tilespmem:v53+s21+$0x0] =	vst.idx.msk $0xffff, v56;
	v45 =	vadd.f32 v51, v33;
	v63 =	vld [tilespmem:s1+$0xC0];
	v44 =	vshrl.u32 v44, $0x3  }
0x78: {  	[tilespmem:v43+s21+$0x0] =	vst.idx.msk $0xffff, v52;
	v57 =	vld [tilespmem:s1+$0xFFFFFF00];
	v43 =	vbroadcast v55, $0x0;
	v58 =	vshll.u32 v44, v1;
	v44 =	vbroadcast v54, $0x0  }
0x79: {  	v40 =	vadd.f32 v40, v33;
	v60 =	vld [tilespmem:s1+$0xFFFFFF40];
	[tilespmem:v42+s21+$0x0] =	vst.idx.msk $0xffff, v45;
	v45 =	vbroadcast v58, $0x0;
	v42 =	vbroadcast v48, $0x0  }
0x7a: {  	v46 =	vshll.u32 v46, v1;
	v50 =	vmul.f32 $8.000000000e+00, v41;
	v41 =	vbroadcast v37, $0x0;
	v37 =	vld [tilespmem:s1+$0xFFFFFF80]  }
0x7b: {  	v53 =	vld [tilespmem:s1+$0xFFFFFFC0];
	[tilespmem:v39+s21+$0x0] =	vst.idx.msk $0xffff, v40;
	v40 =	vbroadcast v47, $0x0;
	v39 =	vbroadcast v49, $0x0;
	v47 =	vadd.s32 v12, v45  }
0x7c: {  	v54 =	vld [tilespmem:s1+$0x0];
	v59 =	vadd.f32 v50, v33;
	v48 =	vadd.s32 v6, v41;
	v49 =	vmul.f32 $8.000000000e+00, v63  }
0x7d: {  	v61 =	vadd.s32 v11, v44;
	v58 =	vadd.s32 v23, v40;
	v51 =	vmul.f32 $8.000000000e+00, v57  }
0x7e: {  	v62 =	vld [tilespmem:s1+$0x40];
	v63 =	vmul.f32 $8.000000000e+00, v60;
	v50 =	vadd.s32 v15, v43;
	[tilespmem:v38+s21+$0x0] =	vst.idx.msk $0xffff, v59;
	v49 =	vadd.f32 v49, v36  }
0x7f: {  	v57 =	vadd.s32 v19, v42;
	v51 =	vadd.f32 v51, v36;
	v60 =	vld [tilespmem:s1+$0x80];
	v37 =	vmul.f32 $8.000000000e+00, v37  }
0x80: {  	v53 =	vmul.f32 $8.000000000e+00, v53;
	v38 =	vbroadcast v46, $0x0;
	v46 =	vadd.f32 v63, v36;
	[tilespmem:v47+s21+$0x0] =	vst.idx.msk $0xffff, v49  }
0x81: {  	v63 =	vmul.f32 $8.000000000e+00, v54;
	[tilespmem:v48+s21+$0x0] =	vst.idx.msk $0xffff, v51;
	v37 =	vadd.f32 v37, v36;
	v49 =	vld [tilespmem:s1+$0xD0]  }
0x82: {  	v59 =	vadd.f32 v53, v36;
	[tilespmem:v61+s21+$0x0] =	vst.idx.msk $0xffff, v46;
	v48 =	vadd.s32 v27, v39;
	v51 =	vld [tilespmem:s1+$0xFFFFFF10]  }
0x83: {  	v61 =	vmul.f32 $8.000000000e+00, v62;
	v53 =	vadd.s32 v31, v38;
	v55 =	vld [tilespmem:s1+$0xFFFFFF50];
	v63 =	vadd.f32 v63, v36;
	[tilespmem:v50+s21+$0x0] =	vst.idx.msk $0xffff, v37  }
0x84: {  	[tilespmem:v57+s21+$0x0] =	vst.idx.msk $0xffff, v59;
	v60 =	vmul.f32 $8.000000000e+00, v60;
	v54 =	vld [tilespmem:s1+$0xFFFFFF90]  }
0x85: {  	v62 =	vmov s0;
	v47 =	vadd.s32 v16, v45;
	v61 =	vadd.f32 v61, v36;
	v56 =	vld [tilespmem:s1+$0xFFFFFFD0];
	[tilespmem:v58+s21+$0x0] =	vst.idx.msk $0xffff, v63  }
0x86: {  	v58 =	vadd.s32 v9, v41;
	v59 =	vld [tilespmem:s1+$0x10];
	v37 =	vadd.f32 v60, v36;
	v46 =	vmul.f32 $8.000000000e+00, v49  }
0x87: {  	v50 =	vshrl.u32 v62, $0x3;
	[tilespmem:v48+s21+$0x0] =	vst.idx.msk $0xffff, v61;
	v49 =	vmul.f32 $8.000000000e+00, v51;
	v51 =	vadd.s32 v13, v44  }
0x88: {  	v60 =	vld [tilespmem:s1+$0x50];
	[tilespmem:v53+s21+$0x0] =	vst.idx.msk $0xffff, v37;
	v37 =	vmul.f32 $8.000000000e+00, v55;
	v53 =	vadd.s32 v17, v43;
	v46 =	vadd.f32 v46, v35  }
0x89: {  	v61 =	vadd.s32 v21, v42;
	v55 =	vld [tilespmem:s1+$0x90];
	v49 =	vadd.f32 v49, v35;
	v54 =	vmul.f32 $8.000000000e+00, v54  }
0x8a: {  	v62 =	vadd.s32 v4, v40;
	v56 =	vmul.f32 $8.000000000e+00, v56;
	v37 =	vadd.f32 v37, v35;
	[tilespmem:v47+s21+$0x0] =	vst.idx.msk $0xffff, v46  }
0x8b: {  	v47 =	vmul.f32 $8.000000000e+00, v59;
	[tilespmem:v58+s21+$0x0] =	vst.idx.msk $0xffff, v49;
	v46 =	vadd.f32 v54, v35  }
0x8c: {  	v49 =	vadd.s32 v5, v39;
	v54 =	vld [tilespmem:s1+$0xE0];
	[tilespmem:v51+s21+$0x0] =	vst.idx.msk $0xffff, v37;
	v51 =	vadd.f32 v56, v35  }
0x8d: {  	v2 =	vld [tilespmem:$0x1FF40];
	v56 =	vmul.f32 $8.000000000e+00, v60;
	[tilespmem:v53+s21+$0x0] =	vst.idx.msk $0xffff, v46;
	v46 =	vadd.f32 v47, v35  }
0x8e: {  	v59 =	vadd.s32 v25, v38;
	v58 =	vld [tilespmem:s1+$0xFFFFFF20];
	v47 =	vmul.f32 $8.000000000e+00, v55;
	[tilespmem:v61+s21+$0x0] =	vst.idx.msk $0xffff, v51  }
0x8f: {  	v63 =	vld [tilespmem:s1+$0xFFFFFF60];
	v51 =	vadd.f32 v56, v35;
	[tilespmem:v62+s21+$0x0] =	vst.idx.msk $0xffff, v46  }
0x90: {  	v46 =	vadd.f32 v47, v35;
	v47 =	vadd.s32 v3, v45;
	v62 =	vld [tilespmem:s1+$0x20]  }
0x91: {  	s16 =	sadd.s32 $0x2, s0;
	v53 =	vld [tilespmem:s1+$0xFFFFFFA0];
	[tilespmem:v49+s21+$0x0] =	vst.idx.msk $0xffff, v51;
	v49 =	vmul.f32 $8.000000000e+00, v54  }
0x92: {  	v57 =	vmov s16;
	v56 =	vld [tilespmem:s1+$0xFFFFFFE0]  }
0x93: {  	v61 =	vadd.s32 v7, v41;
	v54 =	vmul.f32 $8.000000000e+00, v58;
	v58 =	vld [tilespmem:s1+$0x60];
	[tilespmem:v59+s21+$0x0] =	vst.idx.msk $0xffff, v46;
	v49 =	vadd.f32 v49, v34  }
0x94: {  	v51 =	vshrl.u32 v57, $0x3;
	v57 =	vadd.s32 v20, v44;
	v46 =	vmul.f32 $8.000000000e+00, v63;
	v63 =	vld [tilespmem:s1+$0xA0]  }
0x95: {  	s15 =	sadd.s32 $0x1, s0;
	v59 =	vadd.s32 v24, v43;
	[tilespmem:v47+s21+$0x0] =	vst.idx.msk $0xffff, v49;
	v49 =	vmul.f32 $8.000000000e+00, v62;
	v62 =	vld [tilespmem:$0x1FF80]  }
0x96: {  	v52 =	vmov s15;
	v54 =	vadd.f32 v54, v34;
	v53 =	vmul.f32 $8.000000000e+00, v53  }
0x97: {  	v2 =	vadd.s32 v2, v40;
	v46 =	vadd.f32 v46, v34;
	v56 =	vmul.f32 $8.000000000e+00, v56  }
0x98: {  	v52 =	vshrl.u32 v52, $0x3;
	v0 =	vadd.s32 v28, v42;
	[tilespmem:v61+s21+$0x0] =	vst.idx.msk $0xffff, v54;
	v47 =	vadd.f32 v53, v34  }
0x99: {  	v61 =	vld [tilespmem:s1+$0xF0];
	[tilespmem:v57+s21+$0x0] =	vst.idx.msk $0xffff, v46;
	v46 =	vadd.f32 v56, v34;
	v54 =	vmul.f32 $8.000000000e+00, v58;
	v56 =	vadd.s32 v32, v38  }
0x9a: {  	s11 =	sadd.s32 $0x3, s0;
	s14 =	sadd.s32 $0x4, s0;
	v57 =	vld [tilespmem:s1+$0xFFFFFF70];
	[tilespmem:v59+s21+$0x0] =	vst.idx.msk $0xffff, v47;
	v58 =	vadd.f32 v49, v34;
	v59 =	vmul.f32 $8.000000000e+00, v63;
	v53 =	vadd.s32 v62, v39  }
0x9b: {  	s15 =	sadd.s32 $0x5, s0;
	s16 =	sadd.s32 $0x6, s0;
	v48 =	vmov s11;
	v60 =	vmov s14;
	v37 =	vshll.u32 v50, v1;
	v62 =	vld [tilespmem:s1+$0xFFFFFF30]  }
0x9c: {  	v50 =	vmov s15;
	v55 =	vmov s16;
	[tilespmem:v2+s21+$0x0] =	vst.idx.msk $0xffff, v58;
	v2 =	vadd.f32 v59, v34  }
0x9d: {  	v45 =	vadd.s32 v29, v45;
	v49 =	vshrl.u32 v50, $0x3;
	v50 =	vld [tilespmem:s1+$0xFFFFFFB0];
	[tilespmem:v0+s21+$0x0] =	vst.idx.msk $0xffff, v46;
	v0 =	vadd.f32 v54, v34  }
0x9e: {  	v44 =	vadd.s32 v10, v44;
	v38 =	vadd.s32 v30, v38;
	v47 =	vshrl.u32 v60, $0x3;
	v60 =	vld [tilespmem:s1+$0xFFFFFFF0];
	[tilespmem:v56+s21+$0x0] =	vst.idx.msk $0xffff, v2  }
0x9f: {  	v46 =	vshrl.u32 v55, $0x3;
	v54 =	vshll.u32 v52, v1;
	v58 =	vld [tilespmem:s1+$0x30];
	v2 =	vmul.f32 $8.000000000e+00, v57;
	[tilespmem:v53+s21+$0x0] =	vst.idx.msk $0xffff, v0  }
0xa0: {  	p0 =	slt.u32 s0, $0x78;
	v52 =	vadd.s32 v8, v41;
	v0 =	vmul.f32 $8.000000000e+00, v61;
	v61 =	vmul.f32 $8.000000000e+00, v62;
	v62 =	vld [tilespmem:s1+$0x70]  }
.Ltmp0:
0xa1: {  	v55 =	vshll.u32 v51, v1;
	v39 =	vadd.s32 v26, v39;
	v2 =	vadd.f32 v2, v33;
	(pc) =	sbr.rel @p0 .LBB2_3-.Ltmp0, $4  }
0xa2: {  	v50 =	vmul.f32 $8.000000000e+00, v50;
	v53 =	vadd.s32 v14, v43;
	v0 =	vadd.f32 v0, v33  }
0xa3: {  	v63 =	vmul.f32 $8.000000000e+00, v60;
	v43 =	vadd.s32 v18, v42;
	[tilespmem:v44+s21+$0x0] =	vst.idx.msk $0xffff, v2;
	v51 =	vadd.f32 v61, v33  }
0xa4: {  	v48 =	vshrl.u32 v48, $0x3;
	v42 =	vadd.s32 v22, v40;
	v56 =	vadd.f32 v50, v33;
	[tilespmem:v45+s21+$0x0] =	vst.idx.msk $0xffff, v0  }
0xa5: {  	s10 =	sadd.s32 $0x7, s0;
	s0 =	sadd.s32 $0x8, s0;
	v41 =	vld [tilespmem:s1+$0xB0];
	[tilespmem:v52+s21+$0x0] =	vst.idx.msk $0xffff, v51;
	v51 =	vmul.f32 $8.000000000e+00, v58;
	v52 =	vadd.f32 v63, v33;
	v40 =	vmul.f32 $8.000000000e+00, v62  }
0xa6: {  	v0 =	vmov s10;
	s0 =	sadd.s32 $0x200, s1  }
0xa7: {  	v2 =	vld [tilespmem:s0+$0xC0];
	v0 =	vshrl.u32 v0, $0x3  }
0xa8: {  	v44 =	vshll.u32 v48, v1;
	v48 =	vbroadcast v37, $0x0;
	v45 =	vld [tilespmem:s0+$0xFFFFFF00];
	v0 =	vshll.u32 v0, v1  }
0xa9: {  	v63 =	vshll.u32 v47, v1;
	v58 =	vshll.u32 v49, v1;
	v57 =	vld [tilespmem:s0+$0xFFFFFF40];
	v50 =	vbroadcast v0, $0x0  }
0xaa: {  	v49 =	vbroadcast v54, $0x0;
	v47 =	vbroadcast v55, $0x0;
	v54 =	vshll.u32 v46, v1;
	v0 =	vld [tilespmem:s0+$0xFFFFFF80]  }
0xab: {  	v55 =	vld [tilespmem:s0+$0xFFFFFFC0];
	v46 =	vbroadcast v44, $0x0;
	v44 =	vbroadcast v63, $0x0;
	v59 =	vadd.s32 v12, v50  }
0xac: {  	v61 =	vld [tilespmem:s0+$0x0];
	v60 =	vadd.s32 v6, v48;
	v12 =	vbroadcast v58, $0x0;
	v2 =	vmul.f32 $8.000000000e+00, v2  }
0xad: {  	v63 =	vld [tilespmem:s0+$0x40];
	v62 =	vadd.s32 v11, v49;
	v37 =	vmul.f32 $8.000000000e+00, v45;
	v45 =	vbroadcast v54, $0x0  }
0xae: {  	v54 =	vmul.f32 $8.000000000e+00, v57;
	v57 =	vadd.s32 v15, v47;
	v2 =	vadd.f32 v2, v36  }
0xaf: {  	v15 =	vmovc v44;
	v58 =	vadd.f32 v37, v36;
	v0 =	vmul.f32 $8.000000000e+00, v0;
	v37 =	vadd.s32 v19, v46  }
0xb0: {  	v11 =	vld [tilespmem:s0+$0x80];
	[tilespmem:v59+s21+$0x0] =	vst.idx.msk $0xffff, v2;
	v2 =	vadd.f32 v54, v36;
	v54 =	vmul.f32 $8.000000000e+00, v55;
	v55 =	vadd.s32 v23, v44  }
0xb1: {  	[tilespmem:v60+s21+$0x0] =	vst.idx.msk $0xffff, v58;
	v0 =	vadd.f32 v0, v36;
	v44 =	vmul.f32 $8.000000000e+00, v61;
	v59 =	vadd.s32 v27, v12;
	v60 =	vld [tilespmem:s0+$0xD0]  }
0xb2: {  	v61 =	vmul.f32 $8.000000000e+00, v63;
	[tilespmem:v62+s21+$0x0] =	vst.idx.msk $0xffff, v2;
	v2 =	vld [tilespmem:s0+$0xFFFFFF10];
	v54 =	vadd.f32 v54, v36  }
0xb3: {  	[tilespmem:v57+s21+$0x0] =	vst.idx.msk $0xffff, v0;
	v57 =	vadd.f32 v44, v36;
	v0 =	vld [tilespmem:s0+$0xFFFFFF50]  }
0xb4: {  	v62 =	vadd.s32 v31, v45;
	v58 =	vld [tilespmem:s0+$0xFFFFFF90];
	[tilespmem:v37+s21+$0x0] =	vst.idx.msk $0xffff, v54;
	v37 =	vadd.f32 v61, v36  }
0xb5: {  	v63 =	vmul.f32 $8.000000000e+00, v11;
	v54 =	vld [tilespmem:s0+$0xFFFFFFD0];
	[tilespmem:v55+s21+$0x0] =	vst.idx.msk $0xffff, v57;
	v55 =	vadd.s32 v16, v50  }
0xb6: {  	v57 =	vadd.s32 v9, v48;
	v61 =	vld [tilespmem:s0+$0x10];
	[tilespmem:v59+s21+$0x0] =	vst.idx.msk $0xffff, v37;
	v37 =	vmul.f32 $8.000000000e+00, v60  }
0xb7: {  	v44 =	vadd.f32 v63, v36;
	v59 =	vadd.s32 v13, v49;
	v2 =	vmul.f32 $8.000000000e+00, v2  }
0xb8: {  	[tilespmem:v53+s21+$0x0] =	vst.idx.msk $0xffff, v56;
	v60 =	vld [tilespmem:s0+$0x50];
	v0 =	vmul.f32 $8.000000000e+00, v0;
	v37 =	vadd.f32 v37, v35  }
0xb9: {  	v51 =	vadd.f32 v51, v33;
	[tilespmem:v62+s21+$0x0] =	vst.idx.msk $0xffff, v44;
	v2 =	vadd.f32 v2, v35  }
0xba: {  	v62 =	vld [tilespmem:s0+$0x90];
	[tilespmem:v55+s21+$0x0] =	vst.idx.msk $0xffff, v37;
	v0 =	vadd.f32 v0, v35;
	v37 =	vmul.f32 $8.000000000e+00, v54;
	v54 =	vadd.s32 v4, v15  }
0xbb: {  	v44 =	vadd.s32 v17, v47;
	v63 =	vmul.f32 $8.000000000e+00, v58;
	[tilespmem:v57+s21+$0x0] =	vst.idx.msk $0xffff, v2;
	v53 =	vmul.f32 $8.000000000e+00, v61;
	v57 =	vld [tilespmem:s0+$0xE0]  }
0xbc: {  	v56 =	vadd.s32 v21, v46;
	v55 =	vadd.s32 v5, v12;
	[tilespmem:v59+s21+$0x0] =	vst.idx.msk $0xffff, v0;
	v0 =	vld [tilespmem:s0+$0xFFFFFF20]  }
0xbd: {  	[tilespmem:v43+s21+$0x0] =	vst.idx.msk $0xffff, v52;
	v2 =	vadd.f32 v63, v35;
	v63 =	vmul.f32 $8.000000000e+00, v60;
	v60 =	vadd.f32 v53, v35  }
0xbe: {  	[tilespmem:v42+s21+$0x0] =	vst.idx.msk $0xffff, v51;
	v59 =	vadd.s32 v25, v45  }
0xbf: {  	v37 =	vadd.f32 v37, v35;
	v62 =	vmul.f32 $8.000000000e+00, v62;
	[tilespmem:v54+s21+$0x0] =	vst.idx.msk $0xffff, v60;
	v54 =	vadd.s32 v3, v50  }
0xc0: {  	[tilespmem:v44+s21+$0x0] =	vst.idx.msk $0xffff, v2;
	v63 =	vadd.f32 v63, v35;
	v60 =	vadd.s32 v7, v48;
	v57 =	vmul.f32 $8.000000000e+00, v57  }
0xc1: {  	v2 =	vld [tilespmem:s0+$0xFFFFFF60];
	[tilespmem:v56+s21+$0x0] =	vst.idx.msk $0xffff, v37;
	v53 =	vadd.f32 v62, v35;
	v0 =	vmul.f32 $8.000000000e+00, v0  }
0xc2: {  	v37 =	vld [tilespmem:s0+$0xFFFFFFA0];
	[tilespmem:v55+s21+$0x0] =	vst.idx.msk $0xffff, v63;
	v57 =	vadd.f32 v57, v34  }
0xc3: {  	v44 =	vld [tilespmem:s0+$0xFFFFFFE0];
	[tilespmem:v59+s21+$0x0] =	vst.idx.msk $0xffff, v53;
	v0 =	vadd.f32 v0, v34  }
0xc4: {  	v62 =	vld [tilespmem:s0+$0x20];
	[tilespmem:v54+s21+$0x0] =	vst.idx.msk $0xffff, v57  }
0xc5: {  	v6 =	vmov v23;
	v23 =	vld [tilespmem:$0x1FF40];
	[tilespmem:v60+s21+$0x0] =	vst.idx.msk $0xffff, v0  }
0xc6: {  	v53 =	vadd.s32 v20, v49;
	v27 =	vld [tilespmem:$0x1FF80]  }
0xc7: {  	v43 =	vadd.s32 v24, v47;
	v63 =	vld [tilespmem:s0+$0x60];
	v2 =	vmul.f32 $8.000000000e+00, v2  }
0xc8: {  	v42 =	vadd.s32 v28, v46;
	v52 =	vld [tilespmem:s0+$0xA0];
	v37 =	vmul.f32 $8.000000000e+00, v37  }
0xc9: {  	v13 =	vmovc v17;
	v17 =	vmovc v21;
	v21 =	vmov v4;
	v4 =	vmov v15;
	v2 =	vadd.f32 v2, v34  }
0xca: {  	v44 =	vmul.f32 $8.000000000e+00, v44;
	v0 =	vadd.f32 v37, v34;
	v51 =	vadd.s32 v23, v4  }
0xcb: {  	v19 =	vmovc v28;
	v28 =	vmov v32;
	v60 =	vmul.f32 $8.000000000e+00, v62;
	[tilespmem:v53+s21+$0x0] =	vst.idx.msk $0xffff, v2;
	v2 =	vld [tilespmem:s0+$0xFFFFFF30];
	v54 =	vadd.s32 v27, v12  }
0xcc: {  	v32 =	vadd.s32 v32, v45;
	v44 =	vadd.f32 v44, v34;
	v63 =	vmul.f32 $8.000000000e+00, v63;
	[tilespmem:v43+s21+$0x0] =	vst.idx.msk $0xffff, v0;
	v0 =	vld [tilespmem:s0+$0xFFFFFF70]  }
0xcd: {  	v37 =	vadd.f32 v60, v34;
	v57 =	vmul.f32 $8.000000000e+00, v52;
	v58 =	vld [tilespmem:s0+$0xFFFFFFB0]  }
0xce: {  	v62 =	vld [tilespmem:s0+$0xF0];
	[tilespmem:v42+s21+$0x0] =	vst.idx.msk $0xffff, v44;
	v59 =	vadd.f32 v63, v34  }
0xcf: {  	v41 =	vmul.f32 $8.000000000e+00, v41;
	v48 =	vadd.s32 v8, v48;
	v60 =	vld [tilespmem:s0+$0xFFFFFFF0];
	v43 =	vadd.f32 v57, v34;
	[tilespmem:v51+s21+$0x0] =	vst.idx.msk $0xffff, v37  }
0xd0: {  	v40 =	vadd.f32 v40, v33;
	v49 =	vadd.s32 v10, v49;
	v2 =	vmul.f32 $8.000000000e+00, v2;
	v51 =	vld [tilespmem:s0+$0x30];
	[tilespmem:v54+s21+$0x0] =	vst.idx.msk $0xffff, v59  }
0xd1: {  	v41 =	vadd.f32 v41, v33;
	[tilespmem:v32+s21+$0x0] =	vst.idx.msk $0xffff, v43;
	v32 =	vadd.s32 v14, v47;
	v0 =	vmul.f32 $8.000000000e+00, v0;
	v63 =	vld [tilespmem:s0+$0x70]  }
0xd2: {  	v50 =	vadd.s32 v29, v50;
	[tilespmem:v39+s21+$0x0] =	vst.idx.msk $0xffff, v40;
	v53 =	vld [tilespmem:s0+$0xB0];
	v2 =	vadd.f32 v2, v33;
	v55 =	vmul.f32 $8.000000000e+00, v58  }
0xd3: {  	v56 =	vadd.s32 v18, v46;
	[tilespmem:v38+s21+$0x0] =	vst.idx.msk $0xffff, v41;
	v62 =	vmul.f32 $8.000000000e+00, v62;
	v0 =	vadd.f32 v0, v33  }
0xd4: {  	v57 =	vadd.s32 v22, v4;
	v37 =	vmul.f32 $8.000000000e+00, v60;
	[tilespmem:v48+s21+$0x0] =	vst.idx.msk $0xffff, v2;
	v2 =	vadd.f32 v55, v33  }
0xd5: {  	v54 =	vadd.f32 v62, v33;
	v59 =	vadd.s32 v26, v12;
	[tilespmem:v49+s21+$0x0] =	vst.idx.msk $0xffff, v0;
	v58 =	vmul.f32 $8.000000000e+00, v51  }
0xd6: {  	v62 =	vadd.s32 v30, v45;
	v0 =	vadd.f32 v37, v33;
	[tilespmem:v32+s21+$0x0] =	vst.idx.msk $0xffff, v2;
	v60 =	vmul.f32 $8.000000000e+00, v63  }
0xd7: {  	[tilespmem:v50+s21+$0x0] =	vst.idx.msk $0xffff, v54;
	v63 =	vmul.f32 $8.000000000e+00, v53;
	v2 =	vadd.f32 v58, v33  }
0xd8: {  	s10 =	sshll.u32 s30, $0x14;
	[tilespmem:v56+s21+$0x0] =	vst.idx.msk $0xffff, v0;
	v0 =	vadd.f32 v60, v33  }
0xd9: {  	s0 =	sor.u32 s6, s10;
	[tilespmem:v57+s21+$0x0] =	vst.idx.msk $0xffff, v2;
	v2 =	vadd.f32 v63, v33  }
0xda: {  	s1 =	sshrl.u32 s0, $0x3;
	[tilespmem:v59+s21+$0x0] =	vst.idx.msk $0xffff, v0  }
0xdb: {  	s11 =	simm.s32 $0xF080;
	s10 =	sadd.s32 s2, s1;
	[tilespmem:v62+s21+$0x0] =	vst.idx.msk $0xffff, v2  }
0xdc: {  	[hbm4b:s10+s3] =	stream.linear.scatter [tilespmem:s11], [sflag:$0x5], $0x80, $0x38;
	[tilespmem:$0x13480] =	vst v63  }
0xdd: {  	s14 =	simm.s32 $0xF108;
	s11 =	sadd.s32 $0x10, s10  }
0xde: {  	[hbm4b:s11+s3] =	stream.linear.scatter [tilespmem:s14], [sflag:$0x5], $0x80, $0x38;
	[tilespmem:$0x13480] =	vst v63  }
0xdf: {  	s15 =	simm.s32 $0xF190;
	s16 =	sadd.s32 $0x20, s10  }
0xe0: {  	[hbm4b:s16+s3] =	stream.linear.scatter [tilespmem:s15], [sflag:$0x5], $0x80, $0x38;
	[tilespmem:$0x13480] =	vst v63  }
0xe1: {  	s11 =	simm.s32 $0xF218;
	s14 =	sadd.s32 $0x30, s10  }
0xe2: {  	[hbm4b:s14+s3] =	stream.linear.scatter [tilespmem:s11], [sflag:$0x5], $0x80, $0x38;
	[tilespmem:$0x13480] =	vst v63  }
0xe3: {  	s15 =	simm.s32 $0xF2A0;
	s16 =	sadd.s32 $0x40, s10  }
0xe4: {  	[hbm4b:s16+s3] =	stream.linear.scatter [tilespmem:s15], [sflag:$0x5], $0x80, $0x38;
	[tilespmem:$0x13480] =	vst v63  }
0xe5: {  	s0 =	simm.s32 $0x440;
	s11 =	simm.s32 $0xF328;
	s14 =	sadd.s32 $0x50, s10  }
0xe6: {  	[hbm4b:s14+s3] =	stream.linear.scatter [tilespmem:s11], [sflag:$0x5], $0x80, $0x38;
	[tilespmem:$0x13480] =	vst v63  }
0xe7: {  	s15 =	simm.s32 $0xF3B0;
	s16 =	sadd.s32 $0x60, s10;
	s11 =	simm.s32 $0x2200  }
0xe8: {  	v11 =	vmov v20;
	[hbm4b:s16+s3] =	stream.linear.scatter [tilespmem:s15], [sflag:$0x5], $0x80, $0x38;
	[tilespmem:$0x13480] =	vst v63  }
0xe9: {  	v15 =	vmovc v24;
	v24 =	vmovc v29;
	v61 =	vmov v5;
	v4 =	vmov v3;
	v63 =	vmov v7;
	s14 =	simm.s32 $0xF438;
	s15 =	sadd.s32 $0x70, s10;
	s10 =	sadd.s32 $0x4000, s10  }
.LBB2_5:
0xea: {  	[hbm4b:s15+s3] =	stream.linear.scatter [tilespmem:s14], [sflag:$0x5], $0x80, $0x38;
	[tilespmem:$0x13480] =	vst v63  }
0xeb: {  	s14 =	smov.u32 s0;
	s0 =	smov.u32 s11  }
0xec: {  	s16 =	sadd.s32 $0x1100, s11;
	s0 =	sshra.s32 s0, $0x2;
	s15 =	sadd.s32 $0xF080, s14  }
0xed: {  	[hbm4b:s10+s3] =	stream.linear.scatter [tilespmem:s15], [sflag:$0x5], $0x80, $0x38;
	[tilespmem:$0x13480] =	vst v63  }
0xee: {  	p0 =	sne.s32 s11, $0x7700;
	s11 =	sadd.s32 $0xF108, s14;
	s15 =	sadd.s32 $0x10, s10  }
0xef: {  	[hbm4b:s15+s3] =	stream.linear.scatter [tilespmem:s11], [sflag:$0x5], $0x80, $0x38;
	[tilespmem:$0x13480] =	vst v63  }
0xf0: {  	s11 =	sadd.s32 $0xF190, s14;
	s15 =	sadd.s32 $0x20, s10  }
0xf1: {  	[hbm4b:s15+s3] =	stream.linear.scatter [tilespmem:s11], [sflag:$0x5], $0x80, $0x38;
	[tilespmem:$0x13480] =	vst v63  }
0xf2: {  	s11 =	sadd.s32 $0xF218, s14;
	s15 =	sadd.s32 $0x30, s10  }
0xf3: {  	[hbm4b:s15+s3] =	stream.linear.scatter [tilespmem:s11], [sflag:$0x5], $0x80, $0x38;
	[tilespmem:$0x13480] =	vst v63  }
0xf4: {  	s11 =	sadd.s32 $0xF2A0, s14;
	s15 =	sadd.s32 $0x40, s10  }
0xf5: {  	[hbm4b:s15+s3] =	stream.linear.scatter [tilespmem:s11], [sflag:$0x5], $0x80, $0x38;
	[tilespmem:$0x13480] =	vst v63  }
.Ltmp1:
0xf6: {  	s11 =	sadd.s32 $0xF328, s14;
	s15 =	sadd.s32 $0x50, s10;
	(pc) =	sbr.rel @p0 .LBB2_5-.Ltmp1, $4  }
0xf7: {  	[hbm4b:s15+s3] =	stream.linear.scatter [tilespmem:s11], [sflag:$0x5], $0x80, $0x38;
	[tilespmem:$0x13480] =	vst v63  }
0xf8: {  	s11 =	sadd.s32 $0xF3B0, s14;
	s15 =	sadd.s32 $0x60, s10;
	s14 =	sadd.s32 $0xF438, s14  }
0xf9: {  	[hbm4b:s15+s3] =	stream.linear.scatter [tilespmem:s11], [sflag:$0x5], $0x80, $0x38;
	[tilespmem:$0x13480] =	vst v63  }
0xfa: {  	s15 =	sadd.s32 $0x70, s10;
	s10 =	sadd.s32 $0x4000, s10;
	s11 =	smov.u32 s16  }
0xfb: {  	[hbm4b:s15+s3] =	stream.linear.scatter [tilespmem:s14], [sflag:$0x5], $0x80, $0x38;
	[tilespmem:$0x13480] =	vst v63  }
0xfc: {  	s11 =	sadd.s32 $0xF080, s0  }
0xfd: {  	[hbm4b:s10+s3] =	stream.linear.scatter [tilespmem:s11], [sflag:$0x5], $0x80, $0x38;
	[tilespmem:$0x13480] =	vst v63  }
0xfe: {  	s15 =	sadd.s32 $0xF108, s0;
	s16 =	sadd.s32 $0x10, s10  }
0xff: {  	[hbm4b:s16+s3] =	stream.linear.scatter [tilespmem:s15], [sflag:$0x5], $0x80, $0x38;
	[tilespmem:$0x13480] =	vst v63  }
0x100: {  	s15 =	sadd.s32 $0xF190, s0;
	s16 =	sadd.s32 $0x20, s10  }
0x101: {  	[hbm4b:s16+s3] =	stream.linear.scatter [tilespmem:s15], [sflag:$0x5], $0x80, $0x38;
	[tilespmem:$0x13480] =	vst v63  }
0x102: {  	s15 =	sadd.s32 $0xF218, s0;
	s16 =	sadd.s32 $0x30, s10  }
0x103: {  	[hbm4b:s16+s3] =	stream.linear.scatter [tilespmem:s15], [sflag:$0x5], $0x80, $0x38;
	[tilespmem:$0x13480] =	vst v63  }
0x104: {  	s15 =	sadd.s32 $0xF2A0, s0;
	s16 =	sadd.s32 $0x40, s10  }
0x105: {  	[hbm4b:s16+s3] =	stream.linear.scatter [tilespmem:s15], [sflag:$0x5], $0x80, $0x38;
	[tilespmem:$0x13480] =	vst v63  }
0x106: {  	s15 =	sadd.s32 $0xF328, s0;
	s16 =	sadd.s32 $0x50, s10  }
0x107: {  	[hbm4b:s16+s3] =	stream.linear.scatter [tilespmem:s15], [sflag:$0x5], $0x80, $0x38;
	[tilespmem:$0x13480] =	vst v63  }
0x108: {  	s14 =	sadd.s32 $0xF3B0, s0;
	s15 =	sadd.s32 $0x60, s10  }
0x109: {  	[hbm4b:s15+s3] =	stream.linear.scatter [tilespmem:s14], [sflag:$0x5], $0x80, $0x38;
	[tilespmem:$0x13480] =	vst v63  }
0x10a: {  	p0 =	seq.s32 s30, $0x31;
	s11 =	sadd.s32 $0x70, s10;
	s16 =	sadd.s32 $0xF438, s0  }
0x10b: {  	[hbm4b:s11+s3] =	stream.linear.scatter [tilespmem:s16], [sflag:$0x5], $0x80, $0x38;
	[tilespmem:$0x13480] =	vst v63  }
0x10c: {  	p1 =	seq.s32 @!p0 s30, $0x0;
	_ =	swait.ge [sflag:s22], $0x2000  }
0x10d: {  	p1 =	por p0, !p1;
	s0 =	sadd.s32 @!p0 $0xE80, s31;
	[sflag:s22] =	ssyncset.done $0x0  }
0x10e: {  	s10 =	simm.s32 @!p0 $0x80;
	s11 =	simm.s32 @!p0 $0x7080;
	[sflag:s22] =	ssyncadd.s32 $0xFFFFE000  }
0x10f: {  	[tilespmem:s11], [sflag:$0x1] =	stream.indirect.gather @!p0 [hbm4b:s4+s10], $0x40, s0, s10, $0xb8;
	[tilespmem:$0x13480] =	vst v63  }
0x110: {  	s14 =	simm.s32 $0x0;
	s11 =	simm.s32 $0x3;
	_ =	swait.ge @p1 [sflag:s28], $0x2000  }
0x111: {  	v0 =	vmov s14;
	v38 =	vmov s11;
	s11 =	simm.s32 $0x7;
	[sflag:s28] =	ssyncset.done @p1 $0x0;
	v31 =	vld [tilespmem:$0x1FFE0]  }
0x112: {  	v0 =	vshrl.u32 v0, $0x3;
	s0 =	simm.s32 $0x9270;
	v42 =	vmov s11;
	v3 =	vld [tilespmem:$0x1FE20];
	[sflag:s28] =	ssyncadd.s32 @p1 $0xFFFFE000  }
0x113: {  	v0 =	vshll.u32 v0, v1;
	v42 =	vshrl.u32 v42, $0x3;
	v46 =	vld [tilespmem:s0+$0xFFFFFFD0]  }
0x114: {  	s15 =	simm.s32 $0x1;
	v43 =	vbroadcast v0, $0x0;
	v47 =	vld [tilespmem:s0+$0xFFFFFE10];
	v0 =	vshll.u32 v42, v1  }
0x115: {  	v2 =	vmov s15;
	s14 =	simm.s32 $0x4;
	s15 =	simm.s32 $0x5;
	v45 =	vbroadcast v0, $0x0  }
0x116: {  	s16 =	simm.s32 $0x2;
	v39 =	vmov s14;
	v40 =	vmov s15;
	v2 =	vshrl.u32 v2, $0x3  }
0x117: {  	v37 =	vmov s16;
	v39 =	vshrl.u32 v39, $0x3;
	v9 =	vld [tilespmem:$0x1FE60];
	v49 =	vadd.s32 v31, v45  }
0x118: {  	s16 =	simm.s32 $0x6;
	v40 =	vshrl.u32 v40, $0x3;
	v8 =	vld [tilespmem:$0x1FEA0];
	v50 =	vadd.s32 v3, v43;
	v46 =	vmul.f32 $8.000000000e+00, v46  }
0x119: {  	v2 =	vshll.u32 v2, v1;
	v41 =	vmov s16;
	v12 =	vld [tilespmem:$0x1FEE0];
	v47 =	vmul.f32 $8.000000000e+00, v47  }
0x11a: {  	v37 =	vshrl.u32 v37, $0x3;
	v39 =	vshll.u32 v39, v1;
	v48 =	vld [tilespmem:s0+$0xFFFFFE50];
	v46 =	vadd.f32 v46, v36  }
0x11b: {  	v40 =	vshll.u32 v40, v1;
	v44 =	vbroadcast v2, $0x0;
	v0 =	vld [tilespmem:s0+$0xFFFFFE90];
	v47 =	vadd.f32 v47, v36  }
0x11c: {  	v41 =	vshrl.u32 v41, $0x3;
	v37 =	vshll.u32 v37, v1;
	v38 =	vshrl.u32 v38, $0x3;
	v62 =	vld [tilespmem:s0+$0xFFFFFED0];
	[tilespmem:v49+s23+$0x0] =	vst.idx.msk $0xffff, v46  }
0x11d: {  	v39 =	vbroadcast v39, $0x0;
	v38 =	vshll.u32 v38, v1;
	v42 =	vbroadcast v37, $0x0;
	v51 =	vld [tilespmem:s0+$0xFFFFFF10];
	[tilespmem:v50+s23+$0x0] =	vst.idx.msk $0xffff, v47  }
0x11e: {  	v2 =	vshll.u32 v41, v1;
	v41 =	vbroadcast v38, $0x0;
	v52 =	vadd.s32 v9, v44;
	v25 =	vld [tilespmem:$0x1FF60]  }
0x11f: {  	v53 =	vld [tilespmem:s0+$0xFFFFFF50];
	v38 =	vbroadcast v2, $0x0;
	v32 =	vadd.s32 v8, v42;
	v2 =	vmul.f32 $8.000000000e+00, v48  }
0x120: {  	v40 =	vbroadcast v40, $0x0;
	v55 =	vadd.s32 v12, v41;
	v0 =	vmul.f32 $8.000000000e+00, v0  }
0x121: {  	v56 =	vadd.s32 v6, v39;
	v37 =	vmul.f32 $8.000000000e+00, v62;
	v2 =	vadd.f32 v2, v36  }
0x122: {  	v57 =	vmul.f32 $8.000000000e+00, v51;
	v0 =	vadd.f32 v0, v36  }
0x123: {  	v54 =	vld [tilespmem:s0+$0xFFFFFF90];
	[tilespmem:v52+s23+$0x0] =	vst.idx.msk $0xffff, v2;
	v2 =	vadd.f32 v37, v36;
	v47 =	vadd.s32 v25, v40  }
0x124: {  	v58 =	vmul.f32 $8.000000000e+00, v53;
	v29 =	vld [tilespmem:$0x1FFA0];
	[tilespmem:v32+s23+$0x0] =	vst.idx.msk $0xffff, v0;
	v0 =	vadd.f32 v57, v36  }
0x125: {  	v49 =	vld [tilespmem:s0+$0xFFFFFFE0];
	[tilespmem:v55+s23+$0x0] =	vst.idx.msk $0xffff, v2  }
0x126: {  	v50 =	vld [tilespmem:s0+$0xFFFFFE20];
	v2 =	vadd.f32 v58, v36;
	[tilespmem:v56+s23+$0x0] =	vst.idx.msk $0xffff, v0  }
0x127: {  	v32 =	vld [tilespmem:$0x1FFF0]  }
0x128: {  	v5 =	vld [tilespmem:$0x1FE30];
	[tilespmem:v47+s23+$0x0] =	vst.idx.msk $0xffff, v2  }
0x129: {  	v10 =	vld [tilespmem:$0x1FE70]  }
0x12a: {  	v53 =	vld [tilespmem:s0+$0xFFFFFE60];
	v51 =	vadd.s32 v29, v38  }
0x12b: {  	v60 =	vmul.f32 $8.000000000e+00, v54  }
0x12c: {  	v52 =	vld [tilespmem:s0+$0xFFFFFEA0];
	v46 =	vadd.s32 v32, v45  }
0x12d: {  	v0 =	vadd.f32 v60, v36;
	v56 =	vadd.s32 v5, v43;
	v2 =	vmul.f32 $8.000000000e+00, v49  }
0x12e: {  	v62 =	vld [tilespmem:s0+$0xFFFFFEE0];
	v60 =	vmul.f32 $8.000000000e+00, v50;
	v50 =	vadd.s32 v10, v44  }
0x12f: {  	s14 =	simm.s32 $0x8;
	v57 =	vld [tilespmem:s0+$0xFFFFFF20];
	[tilespmem:v51+s23+$0x0] =	vst.idx.msk $0xffff, v0;
	v0 =	vmul.f32 $8.000000000e+00, v53;
	v2 =	vadd.f32 v2, v35  }
0x130: {  	v59 =	vmov s14;
	v49 =	vadd.f32 v60, v35;
	v58 =	vld [tilespmem:s0+$0xFFFFFF60]  }
0x131: {  	v52 =	vmul.f32 $8.000000000e+00, v52;
	v51 =	vadd.s32 v13, v42;
	v0 =	vadd.f32 v0, v35;
	[tilespmem:v46+s23+$0x0] =	vst.idx.msk $0xffff, v2  }
0x132: {  	v48 =	vshrl.u32 v59, $0x3;
	v59 =	vadd.s32 v17, v41;
	[tilespmem:v56+s23+$0x0] =	vst.idx.msk $0xffff, v49  }
0x133: {  	v37 =	vmul.f32 $8.000000000e+00, v62;
	v60 =	vadd.s32 v21, v39;
	v2 =	vadd.f32 v52, v35;
	v52 =	vld [tilespmem:s0+$0xFFFFFFF0];
	[tilespmem:v50+s23+$0x0] =	vst.idx.msk $0xffff, v0  }
0x134: {  	v46 =	vmul.f32 $8.000000000e+00, v57;
	v49 =	vadd.s32 v61, v40;
	v30 =	vld [tilespmem:$0x1FFB0]  }
0x135: {  	v53 =	vld [tilespmem:s0+$0xFFFFFFA0];
	v0 =	vadd.f32 v37, v35;
	v50 =	vmul.f32 $8.000000000e+00, v58  }
0x136: {  	[tilespmem:v51+s23+$0x0] =	vst.idx.msk $0xffff, v2;
	v2 =	vadd.f32 v46, v35  }
0x137: {  	[tilespmem:v59+s23+$0x0] =	vst.idx.msk $0xffff, v0;
	v0 =	vadd.f32 v50, v35  }
0x138: {  	v56 =	vld [tilespmem:s0+$0xFFFFFE30];
	v46 =	vadd.s32 v4, v45;
	[tilespmem:v60+s23+$0x0] =	vst.idx.msk $0xffff, v2  }
0x139: {  	v26 =	vmov v61;
	v61 =	vld [tilespmem:s0+$0xFFFFFE70];
	[tilespmem:v49+s23+$0x0] =	vst.idx.msk $0xffff, v0;
	v0 =	vmul.f32 $8.000000000e+00, v52;
	v57 =	vadd.s32 v30, v38  }
0x13a: {  	v62 =	vmul.f32 $8.000000000e+00, v53;
	v60 =	vld [tilespmem:s0+$0xFFFFFF30]  }
0x13b: {  	s16 =	simm.s32 $0xA;
	v37 =	vshll.u32 v48, v1;
	v48 =	vld [tilespmem:s0+$0xFFFFFEB0];
	v0 =	vadd.f32 v0, v34  }
0x13c: {  	v55 =	vmov s16;
	v59 =	vadd.s32 v63, v43;
	v53 =	vld [tilespmem:s0+$0xFFFFFEF0];
	v2 =	vadd.f32 v62, v35  }
0x13d: {  	v52 =	vshrl.u32 v55, $0x3;
	v49 =	vmul.f32 $8.000000000e+00, v56;
	v55 =	vadd.s32 v11, v44;
	v56 =	vld [tilespmem:s0+$0xFFFFFF70];
	[tilespmem:v46+s23+$0x0] =	vst.idx.msk $0xffff, v0  }
0x13e: {  	v46 =	vadd.s32 v23, v39;
	[tilespmem:v57+s23+$0x0] =	vst.idx.msk $0xffff, v2;
	v2 =	vmul.f32 $8.000000000e+00, v61  }
0x13f: {  	v49 =	vadd.f32 v49, v34;
	v60 =	vmul.f32 $8.000000000e+00, v60;
	v57 =	vadd.s32 v15, v42  }
0x140: {  	v62 =	vadd.s32 v19, v41;
	v48 =	vmul.f32 $8.000000000e+00, v48;
	v0 =	vadd.f32 v2, v34  }
0x141: {  	s15 =	simm.s32 $0x9;
	[tilespmem:v59+s23+$0x0] =	vst.idx.msk $0xffff, v49;
	v60 =	vadd.f32 v60, v34;
	v2 =	vmul.f32 $8.000000000e+00, v53;
	v53 =	vadd.s32 v27, v40  }
0x142: {  	v54 =	vmov s15;
	s15 =	simm.s32 $0xD;
	v48 =	vadd.f32 v48, v34;
	[tilespmem:v55+s23+$0x0] =	vst.idx.msk $0xffff, v0;
	v55 =	vmul.f32 $8.000000000e+00, v56  }
0x143: {  	v51 =	vmov s15;
	v59 =	vld [tilespmem:s0+$0x0];
	[tilespmem:v46+s23+$0x0] =	vst.idx.msk $0xffff, v60;
	v2 =	vadd.f32 v2, v34  }
0x144: {  	v49 =	vshrl.u32 v51, $0x3;
	v61 =	vld [tilespmem:s0+$0xFFFFFFB0];
	[tilespmem:v57+s23+$0x0] =	vst.idx.msk $0xffff, v48;
	v51 =	vadd.f32 v55, v34  }
0x145: {  	v0 =	vld [tilespmem:s0+$0xFFFFFE40];
	[tilespmem:v62+s23+$0x0] =	vst.idx.msk $0xffff, v2  }
0x146: {  	v7 =	vld [tilespmem:$0x1FE50];
	[tilespmem:v53+s23+$0x0] =	vst.idx.msk $0xffff, v51  }
0x147: {  	s14 =	simm.s32 $0xC;
	s11 =	simm.s32 $0xB;
	v4 =	vld [tilespmem:$0x1FE90]  }
0x148: {  	s16 =	simm.s32 $0xE;
	v47 =	vmov s11;
	v58 =	vmov s14;
	v45 =	vadd.s32 v24, v45;
	v57 =	vld [tilespmem:s0+$0xFFFFFE80]  }
0x149: {  	v50 =	vmov s16;
	v56 =	vadd.s32 v28, v38;
	v61 =	vmul.f32 $8.000000000e+00, v61  }
0x14a: {  	v46 =	vshrl.u32 v50, $0x3;
	v48 =	vshrl.u32 v47, $0x3;
	v47 =	vshrl.u32 v58, $0x3;
	v2 =	vld [tilespmem:s0+$0xFFFFFEC0]  }
0x14b: {  	v50 =	vld [tilespmem:s0+$0xFFFFFF00];
	v58 =	vadd.f32 v61, v34;
	v61 =	vmul.f32 $8.000000000e+00, v59;
	v60 =	vadd.s32 v7, v43  }
0x14c: {  	v51 =	vld [tilespmem:s0+$0xFFFFFF40];
	v0 =	vmul.f32 $8.000000000e+00, v0;
	v44 =	vadd.s32 v4, v44  }
0x14d: {  	v59 =	vld [tilespmem:s0+$0xFFFFFF80];
	v62 =	vmul.f32 $8.000000000e+00, v57;
	v57 =	vadd.f32 v61, v33  }
0x14e: {  	v14 =	vmov v13;
	v13 =	vld [tilespmem:$0x1FED0];
	[tilespmem:v56+s23+$0x0] =	vst.idx.msk $0xffff, v58;
	v0 =	vadd.f32 v0, v33  }
0x14f: {  	v18 =	vmov v17;
	v17 =	vld [tilespmem:$0x1FF10];
	[tilespmem:v45+s23+$0x0] =	vst.idx.msk $0xffff, v57;
	v61 =	vadd.f32 v62, v33  }
0x150: {  	v16 =	vmov v6;
	v2 =	vmul.f32 $8.000000000e+00, v2;
	v6 =	vld [tilespmem:$0x1FF50];
	[tilespmem:v60+s23+$0x0] =	vst.idx.msk $0xffff, v0  }
0x151: {  	v0 =	vld [tilespmem:$0x1FF90];
	[tilespmem:v44+s23+$0x0] =	vst.idx.msk $0xffff, v61  }
0x152: {  	v54 =	vshrl.u32 v54, $0x3;
	v56 =	vadd.f32 v2, v33;
	v2 =	vld [tilespmem:$0x1FFD0]  }
0x153: {  	v20 =	vmov v24;
	v54 =	vshll.u32 v54, v1;
	v62 =	vmul.f32 $8.000000000e+00, v50  }
0x154: {  	v22 =	vmovc v21;
	v21 =	vmovc v16;
	v55 =	vshll.u32 v52, v1;
	v51 =	vmul.f32 $8.000000000e+00, v51;
	v53 =	vadd.s32 v13, v42  }
0x155: {  	v52 =	vadd.f32 v62, v33;
	v16 =	vmovc v13;
	v13 =	vmovc v8;
	v8 =	vmov v7;
	v7 =	vmov v63  }
0x156: {  	v43 =	vadd.s32 v17, v41;
	v24 =	vmovc v17;
	v17 =	vmovc v12;
	v12 =	vmov v4;
	v42 =	vadd.s32 v6, v39  }
0x157: {  	s10 =	simm.s32 $0x10;
	s11 =	simm.s32 $0xF;
	v41 =	vld [tilespmem:s0+$0xFFFFFFC0];
	v6 =	vmovc v5;
	v5 =	vmovc v3;
	v39 =	vadd.s32 v0, v40;
	v40 =	vmul.f32 $8.000000000e+00, v59;
	v38 =	vadd.s32 v2, v38  }
.LBB2_7:
0x158: {  	_ =	sdelay $0x1  }
0x159: {  	v0 =	vmov s11;
	s0 =	sadd.s32 $0x200, s0  }
0x15a: {  	v48 =	vshll.u32 v48, v1;
	v47 =	vshll.u32 v47, v1;
	v49 =	vshll.u32 v49, v1;
	v50 =	vld [tilespmem:s0+$0xFFFFFFD0]  }
0x15b: {  	[tilespmem:v53+s23+$0x0] =	vst.idx.msk $0xffff, v56;
	v2 =	vadd.f32 v51, v33;
	v0 =	vshrl.u32 v0, $0x3;
	v58 =	vld [tilespmem:s0+$0xFFFFFE10];
	v44 =	vmul.f32 $8.000000000e+00, v41  }
0x15c: {  	[tilespmem:v43+s23+$0x0] =	vst.idx.msk $0xffff, v52;
	v40 =	vadd.f32 v40, v33;
	v59 =	vld [tilespmem:s0+$0xFFFFFE50];
	v0 =	vshll.u32 v0, v1  }
0x15d: {  	v43 =	vbroadcast v55, $0x0;
	[tilespmem:v42+s23+$0x0] =	vst.idx.msk $0xffff, v2;
	v45 =	vbroadcast v0, $0x0;
	v2 =	vadd.f32 v44, v33  }
0x15e: {  	v46 =	vshll.u32 v46, v1;
	[tilespmem:v39+s23+$0x0] =	vst.idx.msk $0xffff, v40;
	v0 =	vld [tilespmem:s0+$0xFFFFFE90];
	v42 =	vbroadcast v48, $0x0;
	v41 =	vbroadcast v37, $0x0  }
0x15f: {  	v40 =	vbroadcast v47, $0x0;
	v47 =	vadd.s32 v31, v45;
	v44 =	vbroadcast v54, $0x0;
	[tilespmem:v38+s23+$0x0] =	vst.idx.msk $0xffff, v2;
	v2 =	vld [tilespmem:s0+$0xFFFFFED0]  }
0x160: {  	v39 =	vbroadcast v49, $0x0;
	v52 =	vld [tilespmem:s0+$0xFFFFFF10];
	v48 =	vadd.s32 v5, v41;
	v60 =	vmul.f32 $8.000000000e+00, v50  }
0x161: {  	v63 =	vld [tilespmem:s0+$0xFFFFFF50];
	v61 =	vmul.f32 $8.000000000e+00, v58;
	v37 =	vmul.f32 $8.000000000e+00, v59;
	v62 =	vadd.s32 v9, v44  }
0x162: {  	v38 =	vbroadcast v46, $0x0;
	v46 =	vadd.s32 v13, v43;
	v49 =	vadd.f32 v60, v36  }
0x163: {  	v55 =	vadd.s32 v17, v42;
	v50 =	vadd.f32 v61, v36;
	v0 =	vmul.f32 $8.000000000e+00, v0;
	v54 =	vld [tilespmem:s0+$0xFFFFFF90]  }
0x164: {  	v56 =	vadd.s32 v21, v40;
	v37 =	vadd.f32 v37, v36;
	[tilespmem:v47+s23+$0x0] =	vst.idx.msk $0xffff, v49;
	v2 =	vmul.f32 $8.000000000e+00, v2  }
0x165: {  	v60 =	vmul.f32 $8.000000000e+00, v52;
	v0 =	vadd.f32 v0, v36;
	[tilespmem:v48+s23+$0x0] =	vst.idx.msk $0xffff, v50;
	v48 =	vadd.s32 v25, v39;
	v49 =	vld [tilespmem:s0+$0xFFFFFFE0]  }
0x166: {  	v61 =	vmul.f32 $8.000000000e+00, v63;
	v50 =	vld [tilespmem:s0+$0xFFFFFE20];
	[tilespmem:v62+s23+$0x0] =	vst.idx.msk $0xffff, v37;
	v2 =	vadd.f32 v2, v36  }
0x167: {  	v51 =	vadd.s32 v29, v38;
	[tilespmem:v46+s23+$0x0] =	vst.idx.msk $0xffff, v0;
	v0 =	vadd.f32 v60, v36;
	v63 =	vld [tilespmem:s0+$0xFFFFFE60]  }
0x168: {  	v59 =	vmul.f32 $8.000000000e+00, v54;
	v60 =	vld [tilespmem:s0+$0xFFFFFEA0];
	[tilespmem:v55+s23+$0x0] =	vst.idx.msk $0xffff, v2;
	v2 =	vadd.f32 v61, v36  }
0x169: {  	v62 =	vmov s10;
	v46 =	vadd.s32 v32, v45;
	[tilespmem:v56+s23+$0x0] =	vst.idx.msk $0xffff, v0;
	v61 =	vld [tilespmem:s0+$0xFFFFFEE0]  }
0x16a: {  	v56 =	vadd.s32 v6, v41;
	v0 =	vadd.f32 v59, v36;
	v57 =	vld [tilespmem:s0+$0xFFFFFF20];
	[tilespmem:v48+s23+$0x0] =	vst.idx.msk $0xffff, v2;
	v2 =	vmul.f32 $8.000000000e+00, v49  }
0x16b: {  	v47 =	vshrl.u32 v62, $0x3;
	v62 =	vmul.f32 $8.000000000e+00, v50;
	v50 =	vadd.s32 v10, v44;
	v58 =	vld [tilespmem:s0+$0xFFFFFF60]  }
0x16c: {  	[tilespmem:v51+s23+$0x0] =	vst.idx.msk $0xffff, v0;
	v51 =	vadd.s32 v14, v43;
	v0 =	vmul.f32 $8.000000000e+00, v63;
	v2 =	vadd.f32 v2, v35  }
0x16d: {  	v59 =	vadd.s32 v18, v42;
	v53 =	vld [tilespmem:s0+$0xFFFFFFA0];
	v49 =	vadd.f32 v62, v35;
	v52 =	vmul.f32 $8.000000000e+00, v60  }
0x16e: {  	v3 =	vld [tilespmem:$0x1FE00];
	v60 =	vadd.s32 v22, v40;
	v0 =	vadd.f32 v0, v35;
	v37 =	vmul.f32 $8.000000000e+00, v61;
	[tilespmem:v46+s23+$0x0] =	vst.idx.msk $0xffff, v2  }
0x16f: {  	[tilespmem:v56+s23+$0x0] =	vst.idx.msk $0xffff, v49;
	v49 =	vadd.s32 v26, v39;
	v2 =	vadd.f32 v52, v35;
	v46 =	vmul.f32 $8.000000000e+00, v57;
	v52 =	vld [tilespmem:s0+$0xFFFFFFF0]  }
0x170: {  	v56 =	vld [tilespmem:s0+$0xFFFFFE30];
	[tilespmem:v50+s23+$0x0] =	vst.idx.msk $0xffff, v0;
	v0 =	vadd.f32 v37, v35;
	v50 =	vmul.f32 $8.000000000e+00, v58  }
0x171: {  	v57 =	vadd.s32 v30, v38;
	v61 =	vld [tilespmem:s0+$0xFFFFFE70];
	[tilespmem:v51+s23+$0x0] =	vst.idx.msk $0xffff, v2;
	v2 =	vadd.f32 v46, v35  }
0x172: {  	s15 =	sadd.s32 $0x2, s10;
	v63 =	vmul.f32 $8.000000000e+00, v53;
	[tilespmem:v59+s23+$0x0] =	vst.idx.msk $0xffff, v0;
	v0 =	vadd.f32 v50, v35  }
0x173: {  	v55 =	vmov s15;
	v37 =	vshll.u32 v47, v1;
	v46 =	vadd.s32 v3, v45;
	v47 =	vld [tilespmem:s0+$0xFFFFFEB0];
	[tilespmem:v60+s23+$0x0] =	vst.idx.msk $0xffff, v2  }
0x174: {  	v2 =	vadd.f32 v63, v35;
	v59 =	vadd.s32 v7, v41;
	v53 =	vld [tilespmem:s0+$0xFFFFFEF0];
	[tilespmem:v49+s23+$0x0] =	vst.idx.msk $0xffff, v0;
	v0 =	vmul.f32 $8.000000000e+00, v52  }
0x175: {  	v60 =	vld [tilespmem:s0+$0xFFFFFF30];
	v52 =	vshrl.u32 v55, $0x3;
	v49 =	vmul.f32 $8.000000000e+00, v56;
	v55 =	vadd.s32 v11, v44  }
0x176: {  	[tilespmem:v57+s23+$0x0] =	vst.idx.msk $0xffff, v2;
	v2 =	vmul.f32 $8.000000000e+00, v61;
	v56 =	vld [tilespmem:s0+$0xFFFFFF70];
	v0 =	vadd.f32 v0, v34  }
0x177: {  	v57 =	vadd.s32 v15, v43;
	v61 =	vld [tilespmem:s0+$0xFFFFFFB0];
	v49 =	vadd.f32 v49, v34  }
0x178: {  	v62 =	vadd.s32 v19, v42;
	v47 =	vmul.f32 $8.000000000e+00, v47;
	v2 =	vadd.f32 v2, v34;
	[tilespmem:v46+s23+$0x0] =	vst.idx.msk $0xffff, v0  }
0x179: {  	v63 =	vadd.s32 v23, v40;
	v53 =	vmul.f32 $8.000000000e+00, v53;
	[tilespmem:v59+s23+$0x0] =	vst.idx.msk $0xffff, v49  }
0x17a: {  	v0 =	vadd.f32 v47, v34;
	v46 =	vmul.f32 $8.000000000e+00, v60;
	v59 =	vadd.s32 v27, v39;
	v60 =	vld [tilespmem:s0+$0x0];
	[tilespmem:v55+s23+$0x0] =	vst.idx.msk $0xffff, v2  }
0x17b: {  	v2 =	vadd.f32 v53, v34;
	v53 =	vmul.f32 $8.000000000e+00, v56;
	v56 =	vadd.s32 v28, v38;
	v4 =	vld [tilespmem:s0+$0xFFFFFE80]  }
0x17c: {  	s16 =	sadd.s32 $0x3, s10;
	s15 =	sadd.s32 $0x5, s10;
	[tilespmem:v57+s23+$0x0] =	vst.idx.msk $0xffff, v0;
	v0 =	vadd.f32 v46, v34;
	v57 =	vmul.f32 $8.000000000e+00, v61  }
0x17d: {  	v48 =	vmov s16;
	v51 =	vmov s15;
	v3 =	vld [tilespmem:s0+$0xFFFFFE40];
	[tilespmem:v62+s23+$0x0] =	vst.idx.msk $0xffff, v2;
	v2 =	vadd.f32 v53, v34  }
0x17e: {  	s16 =	sadd.s32 $0x6, s10;
	v45 =	vadd.s32 v20, v45;
	v49 =	vshrl.u32 v51, $0x3;
	v51 =	vld [tilespmem:s0+$0xFFFFFEC0];
	[tilespmem:v63+s23+$0x0] =	vst.idx.msk $0xffff, v0;
	v0 =	vadd.f32 v57, v34  }
0x17f: {  	v50 =	vmov s16;
	v44 =	vadd.s32 v12, v44;
	v63 =	vld [tilespmem:$0x1FF50];
	[tilespmem:v59+s23+$0x0] =	vst.idx.msk $0xffff, v2;
	v2 =	vmul.f32 $8.000000000e+00, v60  }
0x180: {  	s14 =	sadd.s32 $0x1, s10;
	v46 =	vshrl.u32 v50, $0x3;
	v50 =	vld [tilespmem:s0+$0xFFFFFF00];
	[tilespmem:v56+s23+$0x0] =	vst.idx.msk $0xffff, v0;
	v0 =	vmul.f32 $8.000000000e+00, v4  }
0x181: {  	v54 =	vmov s14;
	v62 =	vld [tilespmem:s0+$0xFFFFFF40];
	v2 =	vadd.f32 v2, v33  }
0x182: {  	v54 =	vshrl.u32 v54, $0x3;
	v59 =	vld [tilespmem:s0+$0xFFFFFF80];
	v0 =	vadd.f32 v0, v33  }
0x183: {  	s14 =	sadd.s32 $0x4, s10;
	v54 =	vshll.u32 v54, v1;
	[tilespmem:v45+s23+$0x0] =	vst.idx.msk $0xffff, v2;
	v2 =	vld [tilespmem:$0x1FF90]  }
0x184: {  	p1 =	slt.u32 s10, $0x78;
	v48 =	vshrl.u32 v48, $0x3;
	v58 =	vmov s14;
	v61 =	vadd.s32 v8, v41;
	[tilespmem:v44+s23+$0x0] =	vst.idx.msk $0xffff, v0;
	v0 =	vld [tilespmem:$0x1FFD0]  }
.Ltmp2:
0x185: {  	v47 =	vshrl.u32 v58, $0x3;
	v55 =	vshll.u32 v52, v1;
	v3 =	vmul.f32 $8.000000000e+00, v3;
	(pc) =	sbr.rel @p1 .LBB2_7-.Ltmp2, $4  }
0x186: {  	v53 =	vadd.s32 v16, v43;
	v4 =	vmul.f32 $8.000000000e+00, v51;
	v50 =	vmul.f32 $8.000000000e+00, v50  }
0x187: {  	v43 =	vadd.s32 v24, v42;
	v3 =	vadd.f32 v3, v33;
	v42 =	vadd.s32 v63, v40  }
0x188: {  	v56 =	vadd.f32 v4, v33;
	v51 =	vmul.f32 $8.000000000e+00, v62;
	v52 =	vadd.f32 v50, v33  }
0x189: {  	s11 =	sadd.s32 $0x7, s10;
	s10 =	sadd.s32 $0x8, s10;
	v41 =	vld [tilespmem:s0+$0xFFFFFFC0];
	[tilespmem:v61+s23+$0x0] =	vst.idx.msk $0xffff, v3;
	v40 =	vmul.f32 $8.000000000e+00, v59;
	v39 =	vadd.s32 v2, v39;
	v38 =	vadd.s32 v0, v38  }
0x18a: {  	v0 =	vmov s11;
	s0 =	sadd.s32 $0x200, s0  }
0x18b: {  	v2 =	vld [tilespmem:s0+$0xFFFFFFD0];
	v0 =	vshrl.u32 v0, $0x3  }
0x18c: {  	v3 =	vshll.u32 v48, v1;
	v48 =	vbroadcast v37, $0x0;
	v4 =	vld [tilespmem:s0+$0xFFFFFE10];
	v0 =	vshll.u32 v0, v1  }
0x18d: {  	v63 =	vshll.u32 v47, v1;
	v45 =	vshll.u32 v49, v1;
	v57 =	vld [tilespmem:s0+$0xFFFFFE50];
	v50 =	vbroadcast v0, $0x0  }
0x18e: {  	v49 =	vbroadcast v54, $0x0;
	v47 =	vbroadcast v55, $0x0;
	v54 =	vshll.u32 v46, v1;
	v0 =	vld [tilespmem:s0+$0xFFFFFE90]  }
0x18f: {  	v55 =	vld [tilespmem:s0+$0xFFFFFED0];
	v46 =	vbroadcast v3, $0x0;
	v44 =	vbroadcast v63, $0x0;
	v3 =	vadd.s32 v31, v50  }
0x190: {  	v59 =	vld [tilespmem:s0+$0xFFFFFF10];
	v37 =	vbroadcast v45, $0x0;
	v58 =	vadd.s32 v5, v48;
	v2 =	vmul.f32 $8.000000000e+00, v2  }
0x191: {  	v61 =	vld [tilespmem:s0+$0xFFFFFF50];
	v45 =	vbroadcast v54, $0x0;
	v60 =	vadd.s32 v9, v49;
	v4 =	vmul.f32 $8.000000000e+00, v4  }
0x192: {  	v31 =	vadd.s32 v13, v47;
	v54 =	vmul.f32 $8.000000000e+00, v57;
	v2 =	vadd.f32 v2, v36  }
0x193: {  	v62 =	vld [tilespmem:s0+$0xFFFFFF90];
	v63 =	vadd.s32 v17, v46;
	v4 =	vadd.f32 v4, v36;
	v0 =	vmul.f32 $8.000000000e+00, v0  }
0x194: {  	v17 =	vadd.s32 v21, v44;
	[tilespmem:v3+s23+$0x0] =	vst.idx.msk $0xffff, v2;
	v2 =	vadd.f32 v54, v36;
	v3 =	vmul.f32 $8.000000000e+00, v55  }
0x195: {  	v21 =	vmul.f32 $8.000000000e+00, v59;
	[tilespmem:v58+s23+$0x0] =	vst.idx.msk $0xffff, v4;
	v0 =	vadd.f32 v0, v36;
	v55 =	vadd.s32 v25, v37;
	v58 =	vld [tilespmem:s0+$0xFFFFFFE0]  }
0x196: {  	v25 =	vmul.f32 $8.000000000e+00, v61;
	[tilespmem:v60+s23+$0x0] =	vst.idx.msk $0xffff, v2;
	v2 =	vld [tilespmem:s0+$0xFFFFFE20];
	v3 =	vadd.f32 v3, v36  }
0x197: {  	v4 =	vadd.f32 v21, v36;
	v60 =	vadd.s32 v29, v45;
	[tilespmem:v31+s23+$0x0] =	vst.idx.msk $0xffff, v0;
	v0 =	vld [tilespmem:s0+$0xFFFFFE60]  }
0x198: {  	v29 =	vmul.f32 $8.000000000e+00, v62;
	v61 =	vld [tilespmem:s0+$0xFFFFFEA0];
	[tilespmem:v63+s23+$0x0] =	vst.idx.msk $0xffff, v3;
	v3 =	vadd.f32 v25, v36  }
0x199: {  	v54 =	vadd.s32 v32, v50;
	[tilespmem:v17+s23+$0x0] =	vst.idx.msk $0xffff, v4;
	v59 =	vld [tilespmem:s0+$0xFFFFFEE0]  }
0x19a: {  	v17 =	vadd.s32 v6, v48;
	v21 =	vld [tilespmem:s0+$0xFFFFFF20];
	v31 =	vadd.f32 v29, v36;
	[tilespmem:v55+s23+$0x0] =	vst.idx.msk $0xffff, v3;
	v3 =	vmul.f32 $8.000000000e+00, v58  }
0x19b: {  	v25 =	vadd.s32 v10, v49;
	v2 =	vmul.f32 $8.000000000e+00, v2  }
0x19c: {  	[tilespmem:v60+s23+$0x0] =	vst.idx.msk $0xffff, v31;
	v31 =	vadd.s32 v14, v47;
	v0 =	vmul.f32 $8.000000000e+00, v0;
	v3 =	vadd.f32 v3, v35  }
0x19d: {  	[tilespmem:v53+s23+$0x0] =	vst.idx.msk $0xffff, v56;
	v32 =	vmul.f32 $8.000000000e+00, v61;
	v61 =	vadd.s32 v18, v46;
	v2 =	vadd.f32 v2, v35  }
0x19e: {  	v63 =	vadd.s32 v22, v44;
	[tilespmem:v54+s23+$0x0] =	vst.idx.msk $0xffff, v3;
	v0 =	vadd.f32 v0, v35;
	v3 =	vmul.f32 $8.000000000e+00, v59  }
0x19f: {  	[tilespmem:v17+s23+$0x0] =	vst.idx.msk $0xffff, v2;
	v2 =	vadd.f32 v32, v35;
	v17 =	vmul.f32 $8.000000000e+00, v21  }
0x1a0: {  	v29 =	vld [tilespmem:s0+$0xFFFFFF60];
	[tilespmem:v25+s23+$0x0] =	vst.idx.msk $0xffff, v0;
	v3 =	vadd.f32 v3, v35  }
0x1a1: {  	v60 =	vld [tilespmem:s0+$0xFFFFFFA0];
	v18 =	vadd.s32 v26, v37;
	[tilespmem:v31+s23+$0x0] =	vst.idx.msk $0xffff, v2;
	v26 =	vadd.f32 v17, v35  }
0x1a2: {  	v0 =	vld [tilespmem:s0+$0xFFFFFE30];
	[tilespmem:v61+s23+$0x0] =	vst.idx.msk $0xffff, v3  }
0x1a3: {  	v2 =	vld [tilespmem:s0+$0xFFFFFE70];
	[tilespmem:v63+s23+$0x0] =	vst.idx.msk $0xffff, v26  }
0x1a4: {  	v9 =	vld [tilespmem:$0x1FE00]  }
0x1a5: {  	v21 =	vld [tilespmem:s0+$0xFFFFFFF0];
	v22 =	vmul.f32 $8.000000000e+00, v29  }
0x1a6: {  	v25 =	vadd.s32 v30, v45  }
0x1a7: {  	v32 =	vadd.s32 v7, v48;
	v29 =	vmul.f32 $8.000000000e+00, v60;
	v3 =	vld [tilespmem:s0+$0xFFFFFEB0];
	v55 =	vadd.f32 v22, v35  }
0x1a8: {  	v62 =	vadd.s32 v11, v49;
	v0 =	vmul.f32 $8.000000000e+00, v0  }
0x1a9: {  	v53 =	vadd.f32 v29, v35;
	[tilespmem:v18+s23+$0x0] =	vst.idx.msk $0xffff, v55;
	v2 =	vmul.f32 $8.000000000e+00, v2;
	v31 =	vadd.s32 v9, v50  }
0x1aa: {  	v30 =	vld [tilespmem:s0+$0xFFFFFEF0];
	v61 =	vmul.f32 $8.000000000e+00, v21;
	[tilespmem:v43+s23+$0x0] =	vst.idx.msk $0xffff, v52;
	v0 =	vadd.f32 v0, v34  }
0x1ab: {  	v17 =	vadd.s32 v15, v47;
	v60 =	vld [tilespmem:s0+$0xFFFFFF30];
	[tilespmem:v25+s23+$0x0] =	vst.idx.msk $0xffff, v53;
	v2 =	vadd.f32 v2, v34  }
0x1ac: {  	v63 =	vld [tilespmem:s0+$0xFFFFFF70];
	v57 =	vadd.f32 v61, v34;
	v3 =	vmul.f32 $8.000000000e+00, v3;
	[tilespmem:v32+s23+$0x0] =	vst.idx.msk $0xffff, v0  }
0x1ad: {  	v51 =	vadd.f32 v51, v33;
	v18 =	vld [tilespmem:s0+$0xFFFFFFB0];
	[tilespmem:v62+s23+$0x0] =	vst.idx.msk $0xffff, v2  }
0x1ae: {  	v41 =	vmul.f32 $8.000000000e+00, v41;
	v21 =	vadd.s32 v19, v46;
	v0 =	vadd.f32 v3, v34;
	v2 =	vld [tilespmem:s0+$0xFFFFFE40];
	[tilespmem:v31+s23+$0x0] =	vst.idx.msk $0xffff, v57  }
0x1af: {  	v40 =	vadd.f32 v40, v33;
	v22 =	vadd.s32 v23, v44;
	[tilespmem:v42+s23+$0x0] =	vst.idx.msk $0xffff, v51;
	v4 =	vmul.f32 $8.000000000e+00, v30;
	v25 =	vld [tilespmem:s0+$0x0]  }
0x1b0: {  	v41 =	vadd.f32 v41, v33;
	v23 =	vadd.s32 v27, v37;
	v3 =	vmul.f32 $8.000000000e+00, v60;
	[tilespmem:v17+s23+$0x0] =	vst.idx.msk $0xffff, v0;
	v0 =	vld [tilespmem:s0+$0xFFFFFE80]  }
0x1b1: {  	v27 =	vadd.s32 v28, v45;
	[tilespmem:v39+s23+$0x0] =	vst.idx.msk $0xffff, v40;
	v4 =	vadd.f32 v4, v34;
	v26 =	vmul.f32 $8.000000000e+00, v63  }
0x1b2: {  	v48 =	vadd.s32 v8, v48;
	[tilespmem:v38+s23+$0x0] =	vst.idx.msk $0xffff, v41;
	v3 =	vadd.f32 v3, v34;
	v28 =	vmul.f32 $8.000000000e+00, v18  }
0x1b3: {  	v50 =	vadd.s32 v20, v50;
	[tilespmem:v21+s23+$0x0] =	vst.idx.msk $0xffff, v4;
	v30 =	vadd.f32 v26, v34;
	v2 =	vmul.f32 $8.000000000e+00, v2  }
0x1b4: {  	v49 =	vadd.s32 v12, v49;
	v29 =	vld [tilespmem:s0+$0xFFFFFEC0];
	[tilespmem:v22+s23+$0x0] =	vst.idx.msk $0xffff, v3;
	v43 =	vadd.f32 v28, v34;
	v31 =	vmul.f32 $8.000000000e+00, v25  }
0x1b5: {  	v3 =	vld [tilespmem:s0+$0xFFFFFF00];
	[tilespmem:v23+s23+$0x0] =	vst.idx.msk $0xffff, v30;
	v0 =	vmul.f32 $8.000000000e+00, v0;
	v2 =	vadd.f32 v2, v33  }
0x1b6: {  	v51 =	vld [tilespmem:s0+$0xFFFFFF40];
	[tilespmem:v27+s23+$0x0] =	vst.idx.msk $0xffff, v43;
	v42 =	vadd.f32 v31, v33  }
0x1b7: {  	v57 =	vld [tilespmem:$0x1FF50];
	v0 =	vadd.f32 v0, v33;
	[tilespmem:v48+s23+$0x0] =	vst.idx.msk $0xffff, v2  }
0x1b8: {  	v32 =	vld [tilespmem:s0+$0xFFFFFF80];
	[tilespmem:v50+s23+$0x0] =	vst.idx.msk $0xffff, v42  }
0x1b9: {  	v60 =	vld [tilespmem:$0x1FF90];
	[tilespmem:v49+s23+$0x0] =	vst.idx.msk $0xffff, v0  }
0x1ba: {  	v61 =	vld [tilespmem:$0x1FFD0]  }
0x1bb: {  	v54 =	vadd.s32 v16, v47;
	v55 =	vld [tilespmem:s0+$0xFFFFFFC0]  }
0x1bc: {  	v56 =	vadd.s32 v24, v46;
	v4 =	vmul.f32 $8.000000000e+00, v29  }
0x1bd: {  	v3 =	vmul.f32 $8.000000000e+00, v3;
	v58 =	vadd.s32 v57, v44  }
0x1be: {  	v2 =	vadd.f32 v4, v33;
	v59 =	vmul.f32 $8.000000000e+00, v51;
	v37 =	vadd.s32 v60, v37  }
0x1bf: {  	v0 =	vadd.f32 v3, v33;
	v3 =	vmul.f32 $8.000000000e+00, v32;
	v62 =	vadd.s32 v61, v45  }
0x1c0: {  	v63 =	vmul.f32 $8.000000000e+00, v55;
	[tilespmem:v54+s23+$0x0] =	vst.idx.msk $0xffff, v2;
	v2 =	vadd.f32 v59, v33  }
0x1c1: {  	[tilespmem:v56+s23+$0x0] =	vst.idx.msk $0xffff, v0;
	v0 =	vadd.f32 v3, v33  }
0x1c2: {  	[tilespmem:v58+s23+$0x0] =	vst.idx.msk $0xffff, v2;
	v2 =	vadd.f32 v63, v33  }
0x1c3: {  	s1 =	sadd.s32 s1, s2;
	[tilespmem:v37+s23+$0x0] =	vst.idx.msk $0xffff, v0  }
0x1c4: {  	s16 =	simm.s32 $0x11280;
	s10 =	sadd.s32 $0x80, s1;
	[tilespmem:v62+s23+$0x0] =	vst.idx.msk $0xffff, v2  }
0x1c5: {  	[hbm4b:s10+s3] =	stream.linear.scatter [tilespmem:s16], [sflag:$0x6], $0x80, $0x38;
	[tilespmem:$0x13480] =	vst v63  }
0x1c6: {  	s11 =	simm.s32 $0x11308;
	s14 =	sadd.s32 $0x10, s10  }
0x1c7: {  	[hbm4b:s14+s3] =	stream.linear.scatter [tilespmem:s11], [sflag:$0x6], $0x80, $0x38;
	[tilespmem:$0x13480] =	vst v63  }
0x1c8: {  	s15 =	simm.s32 $0x11390;
	s16 =	sadd.s32 $0x20, s10  }
0x1c9: {  	[hbm4b:s16+s3] =	stream.linear.scatter [tilespmem:s15], [sflag:$0x6], $0x80, $0x38;
	[tilespmem:$0x13480] =	vst v63  }
0x1ca: {  	s11 =	simm.s32 $0x11418;
	s14 =	sadd.s32 $0x30, s10  }
0x1cb: {  	[hbm4b:s14+s3] =	stream.linear.scatter [tilespmem:s11], [sflag:$0x6], $0x80, $0x38;
	[tilespmem:$0x13480] =	vst v63  }
0x1cc: {  	s15 =	simm.s32 $0x114A0;
	s16 =	sadd.s32 $0x40, s10  }
0x1cd: {  	[hbm4b:s16+s3] =	stream.linear.scatter [tilespmem:s15], [sflag:$0x6], $0x80, $0x38;
	[tilespmem:$0x13480] =	vst v63  }
0x1ce: {  	s0 =	simm.s32 $0x440;
	s11 =	simm.s32 $0x11528;
	s14 =	sadd.s32 $0x50, s10  }
0x1cf: {  	[hbm4b:s14+s3] =	stream.linear.scatter [tilespmem:s11], [sflag:$0x6], $0x80, $0x38;
	[tilespmem:$0x13480] =	vst v63  }
0x1d0: {  	s15 =	simm.s32 $0x115B0;
	s16 =	sadd.s32 $0x60, s10;
	s11 =	simm.s32 $0x2200  }
0x1d1: {  	[hbm4b:s16+s3] =	stream.linear.scatter [tilespmem:s15], [sflag:$0x6], $0x80, $0x38;
	[tilespmem:$0x13480] =	vst v63  }
0x1d2: {  	v13 =	vmov v20;
	s14 =	simm.s32 $0x11638;
	s15 =	sadd.s32 $0x70, s10;
	s10 =	sadd.s32 $0x4000, s10  }
.LBB2_9:
0x1d3: {  	[hbm4b:s15+s3] =	stream.linear.scatter [tilespmem:s14], [sflag:$0x6], $0x80, $0x38;
	[tilespmem:$0x13480] =	vst v63  }
0x1d4: {  	s14 =	smov.u32 s0;
	s0 =	smov.u32 s11  }
0x1d5: {  	s16 =	sadd.s32 $0x1100, s11;
	s0 =	sshra.s32 s0, $0x2;
	s15 =	sadd.s32 $0x11280, s14  }
0x1d6: {  	[hbm4b:s10+s3] =	stream.linear.scatter [tilespmem:s15], [sflag:$0x6], $0x80, $0x38;
	[tilespmem:$0x13480] =	vst v63  }
0x1d7: {  	p1 =	sne.s32 s11, $0x7700;
	s11 =	sadd.s32 $0x11308, s14;
	s15 =	sadd.s32 $0x10, s10  }
0x1d8: {  	[hbm4b:s15+s3] =	stream.linear.scatter [tilespmem:s11], [sflag:$0x6], $0x80, $0x38;
	[tilespmem:$0x13480] =	vst v63  }
0x1d9: {  	s11 =	sadd.s32 $0x11390, s14;
	s15 =	sadd.s32 $0x20, s10  }
0x1da: {  	[hbm4b:s15+s3] =	stream.linear.scatter [tilespmem:s11], [sflag:$0x6], $0x80, $0x38;
	[tilespmem:$0x13480] =	vst v63  }
0x1db: {  	s11 =	sadd.s32 $0x11418, s14;
	s15 =	sadd.s32 $0x30, s10  }
0x1dc: {  	[hbm4b:s15+s3] =	stream.linear.scatter [tilespmem:s11], [sflag:$0x6], $0x80, $0x38;
	[tilespmem:$0x13480] =	vst v63  }
0x1dd: {  	s11 =	sadd.s32 $0x114A0, s14;
	s15 =	sadd.s32 $0x40, s10  }
0x1de: {  	[hbm4b:s15+s3] =	stream.linear.scatter [tilespmem:s11], [sflag:$0x6], $0x80, $0x38;
	[tilespmem:$0x13480] =	vst v63  }
.Ltmp3:
0x1df: {  	s11 =	sadd.s32 $0x11528, s14;
	s15 =	sadd.s32 $0x50, s10;
	(pc) =	sbr.rel @p1 .LBB2_9-.Ltmp3, $4  }
0x1e0: {  	[hbm4b:s15+s3] =	stream.linear.scatter [tilespmem:s11], [sflag:$0x6], $0x80, $0x38;
	[tilespmem:$0x13480] =	vst v63  }
0x1e1: {  	s11 =	sadd.s32 $0x115B0, s14;
	s15 =	sadd.s32 $0x60, s10;
	s14 =	sadd.s32 $0x11638, s14  }
0x1e2: {  	[hbm4b:s15+s3] =	stream.linear.scatter [tilespmem:s11], [sflag:$0x6], $0x80, $0x38;
	[tilespmem:$0x13480] =	vst v63  }
0x1e3: {  	s15 =	sadd.s32 $0x70, s10;
	s10 =	sadd.s32 $0x4000, s10;
	s11 =	smov.u32 s16  }
0x1e4: {  	[hbm4b:s15+s3] =	stream.linear.scatter [tilespmem:s14], [sflag:$0x6], $0x80, $0x38;
	[tilespmem:$0x13480] =	vst v63  }
0x1e5: {  	s11 =	sadd.s32 $0x11280, s0  }
0x1e6: {  	[hbm4b:s10+s3] =	stream.linear.scatter [tilespmem:s11], [sflag:$0x6], $0x80, $0x38;
	[tilespmem:$0x13480] =	vst v63  }
0x1e7: {  	s15 =	sadd.s32 $0x11308, s0;
	s16 =	sadd.s32 $0x10, s10  }
0x1e8: {  	[hbm4b:s16+s3] =	stream.linear.scatter [tilespmem:s15], [sflag:$0x6], $0x80, $0x38;
	[tilespmem:$0x13480] =	vst v63  }
0x1e9: {  	s15 =	sadd.s32 $0x11390, s0;
	s16 =	sadd.s32 $0x20, s10  }
0x1ea: {  	[hbm4b:s16+s3] =	stream.linear.scatter [tilespmem:s15], [sflag:$0x6], $0x80, $0x38;
	[tilespmem:$0x13480] =	vst v63  }
0x1eb: {  	s15 =	sadd.s32 $0x11418, s0;
	s16 =	sadd.s32 $0x30, s10  }
0x1ec: {  	[hbm4b:s16+s3] =	stream.linear.scatter [tilespmem:s15], [sflag:$0x6], $0x80, $0x38;
	[tilespmem:$0x13480] =	vst v63  }
0x1ed: {  	s15 =	sadd.s32 $0x114A0, s0;
	s16 =	sadd.s32 $0x40, s10  }
0x1ee: {  	[hbm4b:s16+s3] =	stream.linear.scatter [tilespmem:s15], [sflag:$0x6], $0x80, $0x38;
	[tilespmem:$0x13480] =	vst v63  }
0x1ef: {  	s15 =	sadd.s32 $0x11528, s0;
	s16 =	sadd.s32 $0x50, s10  }
0x1f0: {  	[hbm4b:s16+s3] =	stream.linear.scatter [tilespmem:s15], [sflag:$0x6], $0x80, $0x38;
	[tilespmem:$0x13480] =	vst v63  }
0x1f1: {  	s14 =	sadd.s32 $0x115B0, s0;
	s15 =	sadd.s32 $0x60, s10  }
0x1f2: {  	[hbm4b:s15+s3] =	stream.linear.scatter [tilespmem:s14], [sflag:$0x6], $0x80, $0x38;
	[tilespmem:$0x13480] =	vst v63  }
0x1f3: {  	s11 =	sadd.s32 $0x70, s10;
	s16 =	sadd.s32 $0x11638, s0  }
0x1f4: {  	[hbm4b:s11+s3] =	stream.linear.scatter [tilespmem:s16], [sflag:$0x6], $0x80, $0x38;
	[tilespmem:$0x13480] =	vst v63  }
0x1f5: {  	_ =	swait.ge [sflag:s24], $0x2000  }
0x1f6: {  	s0 =	sadd.s32 @!p0 $0xF00, s31;
	[sflag:s24] =	ssyncset.done $0x0  }
0x1f7: {  	s10 =	simm.s32 @!p0 $0x80;
	s11 =	simm.s32 @!p0 $0x9080;
	[sflag:s24] =	ssyncadd.s32 $0xFFFFE000  }
0x1f8: {  	[tilespmem:s11], [sflag:$0x2] =	stream.indirect.gather @!p0 [hbm4b:s4+s10], $0x40, s0, s10, $0xb8;
	[tilespmem:$0x13480] =	vst v63  }
0x1f9: {  	s14 =	simm.s32 $0x0;
	_ =	swait.ge [sflag:s25], $0x2000  }
0x1fa: {  	v0 =	vmov s14;
	v5 =	vld [tilespmem:$0x1FE20]  }
0x1fb: {  	v0 =	vshrl.u32 v0, $0x3  }
0x1fc: {  	v0 =	vshll.u32 v0, v1  }
0x1fd: {  	s15 =	simm.s32 $0x1;
	v43 =	vbroadcast v0, $0x0  }
0x1fe: {  	v2 =	vmov s15;
	s15 =	simm.s32 $0x5;
	s11 =	simm.s32 $0x3  }
0x1ff: {  	s16 =	simm.s32 $0x2;
	v38 =	vmov s15;
	v4 =	vmov s11;
	s11 =	simm.s32 $0x7;
	[sflag:s25] =	ssyncset.done $0x0;
	v58 =	vadd.s32 v5, v43;
	v5 =	vld [tilespmem:$0x1FE60]  }
0x200: {  	v2 =	vshrl.u32 v2, $0x3;
	v3 =	vmov s16;
	s0 =	simm.s32 $0xB270;
	v40 =	vmov s11;
	v21 =	vld [tilespmem:$0x1FFE0];
	[sflag:s25] =	ssyncadd.s32 $0xFFFFE000  }
0x201: {  	s16 =	simm.s32 $0x6;
	v38 =	vshrl.u32 v38, $0x3;
	v2 =	vshll.u32 v2, v1;
	v40 =	vshrl.u32 v40, $0x3;
	v46 =	vld [tilespmem:s0+$0xFFFFFFD0]  }
0x202: {  	v39 =	vmov s16;
	v44 =	vbroadcast v2, $0x0;
	v47 =	vld [tilespmem:s0+$0xFFFFFE10];
	v0 =	vshll.u32 v40, v1  }
0x203: {  	v3 =	vshrl.u32 v3, $0x3;
	v4 =	vshrl.u32 v4, $0x3;
	v48 =	vld [tilespmem:s0+$0xFFFFFE50];
	v45 =	vbroadcast v0, $0x0  }
0x204: {  	v38 =	vshll.u32 v38, v1;
	v4 =	vshll.u32 v4, v1;
	v50 =	vadd.s32 v5, v44;
	v5 =	vld [tilespmem:$0x1FEA0]  }
0x205: {  	v3 =	vshll.u32 v3, v1;
	v41 =	vbroadcast v4, $0x0;
	v4 =	vadd.s32 v21, v45  }
0x206: {  	v39 =	vshrl.u32 v39, $0x3;
	v42 =	vbroadcast v3, $0x0;
	v17 =	vld [tilespmem:$0x1FEE0];
	v46 =	vmul.f32 $8.000000000e+00, v46  }
0x207: {  	v2 =	vshll.u32 v39, v1;
	v3 =	vld [tilespmem:s0+$0xFFFFFED0];
	v40 =	vbroadcast v38, $0x0;
	v47 =	vmul.f32 $8.000000000e+00, v47  }
0x208: {  	s14 =	simm.s32 $0x4;
	v38 =	vbroadcast v2, $0x0;
	v0 =	vld [tilespmem:s0+$0xFFFFFE90];
	v2 =	vmul.f32 $8.000000000e+00, v48;
	v46 =	vadd.f32 v46, v36  }
0x209: {  	v37 =	vmov s14;
	v47 =	vadd.f32 v47, v36;
	v59 =	vadd.s32 v5, v42;
	v5 =	vld [tilespmem:$0x1FF20]  }
0x20a: {  	v37 =	vshrl.u32 v37, $0x3;
	v49 =	vld [tilespmem:s0+$0xFFFFFF10];
	v2 =	vadd.f32 v2, v36;
	[tilespmem:v4+s21+$0x0] =	vst.idx.msk $0xffff, v46  }
0x20b: {  	v37 =	vshll.u32 v37, v1;
	v51 =	vld [tilespmem:s0+$0xFFFFFF50];
	[tilespmem:v58+s21+$0x0] =	vst.idx.msk $0xffff, v47  }
0x20c: {  	v39 =	vbroadcast v37, $0x0;
	v25 =	vld [tilespmem:$0x1FF60];
	[tilespmem:v50+s21+$0x0] =	vst.idx.msk $0xffff, v2  }
0x20d: {  	v53 =	vadd.s32 v17, v41;
	v0 =	vmul.f32 $8.000000000e+00, v0;
	v29 =	vld [tilespmem:$0x1FFA0]  }
0x20e: {  	v52 =	vld [tilespmem:s0+$0xFFFFFF90];
	v3 =	vmul.f32 $8.000000000e+00, v3;
	v54 =	vadd.s32 v5, v39  }
0x20f: {  	v0 =	vadd.f32 v0, v36;
	v4 =	vmul.f32 $8.000000000e+00, v49  }
0x210: {  	v46 =	vld [tilespmem:s0+$0xFFFFFFE0];
	v2 =	vadd.f32 v3, v36  }
0x211: {  	v47 =	vld [tilespmem:s0+$0xFFFFFE20];
	[tilespmem:v59+s21+$0x0] =	vst.idx.msk $0xffff, v0;
	v0 =	vadd.f32 v4, v36;
	v60 =	vadd.s32 v25, v40  }
0x212: {  	v3 =	vmul.f32 $8.000000000e+00, v51;
	v62 =	vld [tilespmem:s0+$0xFFFFFE60];
	[tilespmem:v53+s21+$0x0] =	vst.idx.msk $0xffff, v2;
	v49 =	vadd.s32 v29, v38  }
0x213: {  	v63 =	vld [tilespmem:s0+$0xFFFFFEE0];
	v4 =	vmul.f32 $8.000000000e+00, v52;
	[tilespmem:v54+s21+$0x0] =	vst.idx.msk $0xffff, v0  }
0x214: {  	v2 =	vadd.f32 v3, v36;
	v5 =	vld [tilespmem:$0x1FFF0]  }
0x215: {  	v0 =	vadd.f32 v4, v36;
	v6 =	vld [tilespmem:$0x1FE30]  }
0x216: {  	v50 =	vld [tilespmem:s0+$0xFFFFFEA0];
	[tilespmem:v60+s21+$0x0] =	vst.idx.msk $0xffff, v2  }
0x217: {  	v10 =	vld [tilespmem:$0x1FE70];
	[tilespmem:v49+s21+$0x0] =	vst.idx.msk $0xffff, v0  }
0x218: {  	v14 =	vld [tilespmem:$0x1FEB0]  }
0x219: {  	v18 =	vld [tilespmem:$0x1FEF0];
	v4 =	vadd.s32 v5, v45  }
0x21a: {  	s14 =	simm.s32 $0x8;
	v2 =	vmul.f32 $8.000000000e+00, v46;
	v22 =	vld [tilespmem:$0x1FF30];
	v32 =	vadd.s32 v6, v43  }
0x21b: {  	v61 =	vmov s14;
	v55 =	vld [tilespmem:s0+$0xFFFFFF20];
	v60 =	vmul.f32 $8.000000000e+00, v47  }
0x21c: {  	v48 =	vshrl.u32 v61, $0x3;
	v2 =	vadd.f32 v2, v35;
	v61 =	vadd.s32 v10, v44  }
0x21d: {  	v0 =	vmul.f32 $8.000000000e+00, v62;
	v37 =	vadd.f32 v60, v35;
	v49 =	vadd.s32 v14, v42  }
0x21e: {  	v50 =	vmul.f32 $8.000000000e+00, v50;
	v57 =	vadd.s32 v18, v41;
	[tilespmem:v4+s21+$0x0] =	vst.idx.msk $0xffff, v2  }
0x21f: {  	v52 =	vmul.f32 $8.000000000e+00, v63;
	v56 =	vld [tilespmem:s0+$0xFFFFFF60];
	v0 =	vadd.f32 v0, v35;
	v58 =	vadd.s32 v22, v39;
	[tilespmem:v32+s21+$0x0] =	vst.idx.msk $0xffff, v37  }
0x220: {  	v2 =	vadd.f32 v50, v35;
	v4 =	vmul.f32 $8.000000000e+00, v55;
	v26 =	vld [tilespmem:$0x1FF70]  }
0x221: {  	v62 =	vld [tilespmem:s0+$0xFFFFFFA0];
	[tilespmem:v61+s21+$0x0] =	vst.idx.msk $0xffff, v0;
	v0 =	vadd.f32 v52, v35  }
0x222: {  	v30 =	vld [tilespmem:$0x1FFB0];
	[tilespmem:v49+s21+$0x0] =	vst.idx.msk $0xffff, v2;
	v2 =	vadd.f32 v4, v35  }
0x223: {  	[tilespmem:v57+s21+$0x0] =	vst.idx.msk $0xffff, v0  }
0x224: {  	v54 =	vld [tilespmem:s0+$0xFFFFFFF0];
	[tilespmem:v58+s21+$0x0] =	vst.idx.msk $0xffff, v2  }
0x225: {  	v7 =	vld [tilespmem:$0x1FE40];
	v50 =	vadd.s32 v26, v40  }
0x226: {  	v60 =	vmul.f32 $8.000000000e+00, v56;
	v63 =	vld [tilespmem:s0+$0xFFFFFE30]  }
0x227: {  	v4 =	vmul.f32 $8.000000000e+00, v62;
	v61 =	vadd.s32 v30, v38  }
0x228: {  	v59 =	vld [tilespmem:s0+$0xFFFFFE70];
	v0 =	vadd.f32 v60, v35  }
0x229: {  	v62 =	vld [tilespmem:s0+$0xFFFFFEB0];
	v2 =	vadd.f32 v4, v35;
	v4 =	vadd.s32 v9, v45  }
0x22a: {  	v47 =	vld [tilespmem:s0+$0xFFFFFEF0];
	v57 =	vadd.s32 v7, v43;
	[tilespmem:v50+s21+$0x0] =	vst.idx.msk $0xffff, v0;
	v0 =	vmul.f32 $8.000000000e+00, v54  }
0x22b: {  	s16 =	simm.s32 $0xA;
	v58 =	vld [tilespmem:s0+$0xFFFFFF30];
	v63 =	vmul.f32 $8.000000000e+00, v63  }
0x22c: {  	v53 =	vmov s16;
	v11 =	vld [tilespmem:$0x1FE80];
	[tilespmem:v61+s21+$0x0] =	vst.idx.msk $0xffff, v2;
	v0 =	vadd.f32 v0, v34  }
0x22d: {  	v50 =	vshrl.u32 v53, $0x3;
	v53 =	vadd.f32 v63, v34;
	v15 =	vld [tilespmem:$0x1FEC0]  }
0x22e: {  	v19 =	vld [tilespmem:$0x1FF00];
	[tilespmem:v4+s21+$0x0] =	vst.idx.msk $0xffff, v0  }
0x22f: {  	v23 =	vld [tilespmem:$0x1FF40];
	[tilespmem:v57+s21+$0x0] =	vst.idx.msk $0xffff, v53  }
0x230: {  	v27 =	vld [tilespmem:$0x1FF80]  }
0x231: {  	v32 =	vld [tilespmem:s0+$0xFFFFFF70];
	v54 =	vadd.s32 v11, v44  }
0x232: {  	v2 =	vmul.f32 $8.000000000e+00, v59;
	v52 =	vadd.s32 v15, v42  }
0x233: {  	v37 =	vshll.u32 v48, v1;
	v48 =	vmul.f32 $8.000000000e+00, v62;
	v60 =	vadd.s32 v19, v41  }
0x234: {  	v0 =	vadd.f32 v2, v34;
	v2 =	vmul.f32 $8.000000000e+00, v47;
	v4 =	vadd.s32 v23, v39  }
0x235: {  	v48 =	vadd.f32 v48, v34;
	v53 =	vmul.f32 $8.000000000e+00, v58;
	v57 =	vadd.s32 v27, v40  }
0x236: {  	v59 =	vld [tilespmem:s0+$0xFFFFFFB0];
	v2 =	vadd.f32 v2, v34;
	[tilespmem:v54+s21+$0x0] =	vst.idx.msk $0xffff, v0;
	v54 =	vmul.f32 $8.000000000e+00, v32  }
0x237: {  	v32 =	vadd.f32 v53, v34;
	v31 =	vld [tilespmem:$0x1FFC0];
	[tilespmem:v52+s21+$0x0] =	vst.idx.msk $0xffff, v48  }
0x238: {  	v58 =	vld [tilespmem:s0+$0x0];
	[tilespmem:v60+s21+$0x0] =	vst.idx.msk $0xffff, v2;
	v55 =	vadd.f32 v54, v34  }
0x239: {  	v0 =	vld [tilespmem:s0+$0xFFFFFE40];
	[tilespmem:v4+s21+$0x0] =	vst.idx.msk $0xffff, v32  }
0x23a: {  	v8 =	vld [tilespmem:$0x1FE50];
	[tilespmem:v57+s21+$0x0] =	vst.idx.msk $0xffff, v55  }
0x23b: {  	v12 =	vld [tilespmem:$0x1FE90]  }
0x23c: {  	s15 =	simm.s32 $0x9;
	v52 =	vld [tilespmem:s0+$0xFFFFFE80]  }
0x23d: {  	v3 =	vmov s15;
	v61 =	vadd.s32 v31, v38  }
0x23e: {  	v3 =	vshrl.u32 v3, $0x3;
	v45 =	vadd.s32 v13, v45;
	v62 =	vmul.f32 $8.000000000e+00, v59;
	v2 =	vld [tilespmem:s0+$0xFFFFFEC0]  }
0x23f: {  	v59 =	vmul.f32 $8.000000000e+00, v58;
	v54 =	vshll.u32 v3, v1;
	v4 =	vld [tilespmem:s0+$0xFFFFFF00];
	v3 =	vadd.s32 v8, v43  }
0x240: {  	v63 =	vadd.f32 v62, v34;
	v32 =	vld [tilespmem:s0+$0xFFFFFF40];
	v0 =	vmul.f32 $8.000000000e+00, v0;
	v44 =	vadd.s32 v12, v44  }
0x241: {  	v62 =	vadd.f32 v59, v33;
	v60 =	vld [tilespmem:s0+$0xFFFFFF80];
	v52 =	vmul.f32 $8.000000000e+00, v52  }
0x242: {  	v16 =	vld [tilespmem:$0x1FED0];
	v0 =	vadd.f32 v0, v33;
	[tilespmem:v61+s21+$0x0] =	vst.idx.msk $0xffff, v63  }
0x243: {  	v63 =	vadd.f32 v52, v33;
	v20 =	vld [tilespmem:$0x1FF10];
	[tilespmem:v45+s21+$0x0] =	vst.idx.msk $0xffff, v62  }
0x244: {  	s11 =	simm.s32 $0xB;
	s16 =	simm.s32 $0xE;
	v24 =	vld [tilespmem:$0x1FF50];
	[tilespmem:v3+s21+$0x0] =	vst.idx.msk $0xffff, v0  }
0x245: {  	v51 =	vmov s16;
	v46 =	vmov s11;
	v28 =	vld [tilespmem:$0x1FF90];
	[tilespmem:v44+s21+$0x0] =	vst.idx.msk $0xffff, v63  }
0x246: {  	s14 =	simm.s32 $0xC;
	s15 =	simm.s32 $0xD;
	v48 =	vshrl.u32 v46, $0x3;
	v46 =	vshrl.u32 v51, $0x3;
	v51 =	vmul.f32 $8.000000000e+00, v32;
	v32 =	vld [tilespmem:$0x1FFD0]  }
0x247: {  	v56 =	vmov s14;
	v49 =	vmov s15;
	v2 =	vmul.f32 $8.000000000e+00, v2  }
0x248: {  	v49 =	vshrl.u32 v49, $0x3;
	v47 =	vshrl.u32 v56, $0x3;
	v4 =	vmul.f32 $8.000000000e+00, v4  }
0x249: {  	v55 =	vshll.u32 v50, v1;
	v56 =	vadd.f32 v2, v33;
	v53 =	vadd.s32 v16, v42  }
0x24a: {  	v52 =	vadd.f32 v4, v33;
	v43 =	vadd.s32 v20, v41;
	v42 =	vadd.s32 v24, v39  }
0x24b: {  	s10 =	simm.s32 $0x10;
	s11 =	simm.s32 $0xF;
	v41 =	vld [tilespmem:s0+$0xFFFFFFC0];
	v39 =	vadd.s32 v28, v40;
	v40 =	vmul.f32 $8.000000000e+00, v60;
	v38 =	vadd.s32 v32, v38  }
.LBB2_11:
0x24c: {  	_ = 	snop  }
0x24d: {  	s0 =	sadd.s32 $0x200, s0;
	v58 =	vld [tilespmem:$0x1FE20]  }
0x24e: {  	v0 =	vmov s11;
	v50 =	vld [tilespmem:s0+$0xFFFFFE10]  }
0x24f: {  	v61 =	vld [tilespmem:$0x1FE60];
	v2 =	vadd.f32 v51, v33;
	v0 =	vshrl.u32 v0, $0x3  }
0x250: {  	[tilespmem:v53+s21+$0x0] =	vst.idx.msk $0xffff, v56;
	v53 =	vld [tilespmem:s0+$0xFFFFFFD0];
	v40 =	vadd.f32 v40, v33;
	v0 =	vshll.u32 v0, v1;
	v3 =	vmul.f32 $8.000000000e+00, v41  }
0x251: {  	v57 =	vshll.u32 v49, v1;
	[tilespmem:v42+s21+$0x0] =	vst.idx.msk $0xffff, v2;
	v45 =	vbroadcast v0, $0x0;
	v0 =	vld [tilespmem:s0+$0xFFFFFE90]  }
0x252: {  	[tilespmem:v39+s21+$0x0] =	vst.idx.msk $0xffff, v40;
	v39 =	vbroadcast v57, $0x0;
	v57 =	vld [tilespmem:$0x1FEA0];
	v2 =	vadd.f32 v3, v33  }
0x253: {  	v4 =	vshll.u32 v48, v1;
	v44 =	vbroadcast v54, $0x0;
	[tilespmem:v43+s21+$0x0] =	vst.idx.msk $0xffff, v52;
	v3 =	vld [tilespmem:s0+$0xFFFFFE50];
	v60 =	vmul.f32 $8.000000000e+00, v50  }
0x254: {  	v46 =	vshll.u32 v46, v1;
	v56 =	vshll.u32 v47, v1;
	v41 =	vbroadcast v37, $0x0;
	[tilespmem:v38+s21+$0x0] =	vst.idx.msk $0xffff, v2;
	v2 =	vld [tilespmem:s0+$0xFFFFFED0]  }
0x255: {  	v42 =	vbroadcast v4, $0x0;
	v4 =	vadd.s32 v21, v45;
	v48 =	vadd.f32 v60, v36;
	v60 =	vld [tilespmem:$0x1FF20]  }
0x256: {  	v43 =	vbroadcast v55, $0x0;
	v49 =	vld [tilespmem:s0+$0xFFFFFF10];
	v37 =	vadd.s32 v58, v41;
	v59 =	vmul.f32 $8.000000000e+00, v53  }
0x257: {  	v40 =	vbroadcast v56, $0x0;
	v63 =	vld [tilespmem:s0+$0xFFFFFF50];
	v62 =	vadd.s32 v61, v44;
	v38 =	vbroadcast v46, $0x0  }
0x258: {  	v46 =	vadd.s32 v57, v43;
	v47 =	vadd.f32 v59, v36;
	v58 =	vld [tilespmem:s0+$0xFFFFFF90];
	v3 =	vmul.f32 $8.000000000e+00, v3  }
0x259: {  	v0 =	vmul.f32 $8.000000000e+00, v0;
	v59 =	vadd.s32 v17, v42  }
0x25a: {  	[tilespmem:v4+s21+$0x0] =	vst.idx.msk $0xffff, v47;
	v3 =	vadd.f32 v3, v36;
	v2 =	vmul.f32 $8.000000000e+00, v2;
	v54 =	vadd.s32 v60, v40  }
0x25b: {  	v61 =	vadd.s32 v25, v39;
	v0 =	vadd.f32 v0, v36;
	v4 =	vmul.f32 $8.000000000e+00, v49;
	[tilespmem:v37+s21+$0x0] =	vst.idx.msk $0xffff, v48;
	v47 =	vld [tilespmem:s0+$0xFFFFFFE0]  }
0x25c: {  	v49 =	vadd.s32 v29, v38;
	v48 =	vld [tilespmem:s0+$0xFFFFFE20];
	[tilespmem:v62+s21+$0x0] =	vst.idx.msk $0xffff, v3;
	v2 =	vadd.f32 v2, v36;
	v3 =	vmul.f32 $8.000000000e+00, v63  }
0x25d: {  	v57 =	vadd.s32 v18, v42;
	[tilespmem:v46+s21+$0x0] =	vst.idx.msk $0xffff, v0;
	v0 =	vadd.f32 v4, v36;
	v4 =	vmul.f32 $8.000000000e+00, v58;
	v51 =	vld [tilespmem:s0+$0xFFFFFE60]  }
0x25e: {  	s15 =	sadd.s32 $0x2, s10;
	v50 =	vld [tilespmem:s0+$0xFFFFFEA0];
	v58 =	vadd.s32 v22, v40;
	[tilespmem:v59+s21+$0x0] =	vst.idx.msk $0xffff, v2;
	v2 =	vadd.f32 v3, v36  }
0x25f: {  	v53 =	vmov s15;
	v52 =	vld [tilespmem:s0+$0xFFFFFEE0];
	[tilespmem:v54+s21+$0x0] =	vst.idx.msk $0xffff, v0;
	v0 =	vadd.f32 v4, v36;
	v4 =	vadd.s32 v5, v45  }
0x260: {  	v62 =	vmov s10;
	v54 =	vadd.s32 v6, v41;
	v63 =	vld [tilespmem:s0+$0xFFFFFF20];
	[tilespmem:v61+s21+$0x0] =	vst.idx.msk $0xffff, v2;
	v2 =	vmul.f32 $8.000000000e+00, v47  }
0x261: {  	v46 =	vshrl.u32 v62, $0x3;
	v60 =	vmul.f32 $8.000000000e+00, v48;
	v61 =	vadd.s32 v10, v44;
	v62 =	vld [tilespmem:s0+$0xFFFFFF60];
	[tilespmem:v49+s21+$0x0] =	vst.idx.msk $0xffff, v0  }
0x262: {  	s14 =	sadd.s32 $0x1, s10;
	v49 =	vadd.s32 v14, v43;
	v0 =	vmul.f32 $8.000000000e+00, v51;
	v51 =	vld [tilespmem:s0+$0xFFFFFFA0];
	v2 =	vadd.f32 v2, v35  }
0x263: {  	v3 =	vmov s14;
	s14 =	sadd.s32 $0x4, s10;
	v37 =	vadd.f32 v60, v35;
	v50 =	vmul.f32 $8.000000000e+00, v50  }
0x264: {  	v56 =	vmov s14;
	v0 =	vadd.f32 v0, v35;
	v52 =	vmul.f32 $8.000000000e+00, v52;
	[tilespmem:v4+s21+$0x0] =	vst.idx.msk $0xffff, v2  }
0x265: {  	[tilespmem:v54+s21+$0x0] =	vst.idx.msk $0xffff, v37;
	v2 =	vadd.f32 v50, v35;
	v50 =	vadd.s32 v26, v39;
	v4 =	vmul.f32 $8.000000000e+00, v63;
	v63 =	vld [tilespmem:s0+$0xFFFFFFF0]  }
0x266: {  	v60 =	vld [tilespmem:s0+$0xFFFFFE30];
	[tilespmem:v61+s21+$0x0] =	vst.idx.msk $0xffff, v0;
	v0 =	vadd.f32 v52, v35;
	v61 =	vmul.f32 $8.000000000e+00, v62;
	v62 =	vadd.s32 v30, v38  }
0x267: {  	s16 =	sadd.s32 $0x3, s10;
	v3 =	vshrl.u32 v3, $0x3;
	[tilespmem:v49+s21+$0x0] =	vst.idx.msk $0xffff, v2;
	v59 =	vld [tilespmem:s0+$0xFFFFFE70];
	v2 =	vadd.f32 v4, v35;
	v4 =	vmul.f32 $8.000000000e+00, v51  }
0x268: {  	s15 =	sadd.s32 $0x5, s10;
	v47 =	vmov s16;
	v37 =	vshll.u32 v46, v1;
	v49 =	vld [tilespmem:s0+$0xFFFFFEB0];
	[tilespmem:v57+s21+$0x0] =	vst.idx.msk $0xffff, v0;
	v0 =	vadd.f32 v61, v35  }
0x269: {  	v46 =	vmov s15;
	v48 =	vld [tilespmem:s0+$0xFFFFFEF0];
	[tilespmem:v58+s21+$0x0] =	vst.idx.msk $0xffff, v2;
	v2 =	vadd.f32 v4, v35;
	v4 =	vadd.s32 v9, v45  }
0x26a: {  	v54 =	vadd.s32 v11, v44;
	v57 =	vadd.s32 v7, v41;
	v58 =	vld [tilespmem:s0+$0xFFFFFF30];
	[tilespmem:v50+s21+$0x0] =	vst.idx.msk $0xffff, v0;
	v0 =	vmul.f32 $8.000000000e+00, v63  }
0x26b: {  	v44 =	vadd.s32 v12, v44;
	v52 =	vadd.s32 v15, v43;
	v63 =	vmul.f32 $8.000000000e+00, v60;
	v55 =	vld [tilespmem:s0+$0xFFFFFF70];
	[tilespmem:v62+s21+$0x0] =	vst.idx.msk $0xffff, v2  }
0x26c: {  	v50 =	vshrl.u32 v53, $0x3;
	v2 =	vmul.f32 $8.000000000e+00, v59;
	v59 =	vld [tilespmem:s0+$0xFFFFFFB0];
	v0 =	vadd.f32 v0, v34  }
0x26d: {  	v60 =	vadd.s32 v19, v42;
	v53 =	vadd.f32 v63, v34;
	v49 =	vmul.f32 $8.000000000e+00, v49  }
0x26e: {  	v61 =	vadd.s32 v23, v40;
	v2 =	vadd.f32 v2, v34;
	v48 =	vmul.f32 $8.000000000e+00, v48;
	[tilespmem:v4+s21+$0x0] =	vst.idx.msk $0xffff, v0  }
0x26f: {  	s16 =	sadd.s32 $0x6, s10;
	[tilespmem:v57+s21+$0x0] =	vst.idx.msk $0xffff, v53;
	v0 =	vadd.f32 v49, v34;
	v53 =	vadd.s32 v27, v39;
	v4 =	vmul.f32 $8.000000000e+00, v58;
	v57 =	vld [tilespmem:s0+$0x0]  }
0x270: {  	v51 =	vmov s16;
	v58 =	vld [tilespmem:s0+$0xFFFFFE40];
	[tilespmem:v54+s21+$0x0] =	vst.idx.msk $0xffff, v2;
	v2 =	vadd.f32 v48, v34;
	v54 =	vmul.f32 $8.000000000e+00, v55  }
0x271: {  	v62 =	vadd.s32 v31, v38;
	[tilespmem:v52+s21+$0x0] =	vst.idx.msk $0xffff, v0;
	v63 =	vld [tilespmem:s0+$0xFFFFFE80];
	v0 =	vadd.f32 v4, v34;
	v4 =	vmul.f32 $8.000000000e+00, v59  }
0x272: {  	v38 =	vadd.s32 v32, v38;
	v49 =	vshrl.u32 v46, $0x3;
	v52 =	vld [tilespmem:s0+$0xFFFFFEC0];
	[tilespmem:v60+s21+$0x0] =	vst.idx.msk $0xffff, v2;
	v2 =	vadd.f32 v54, v34  }
0x273: {  	v46 =	vshrl.u32 v51, $0x3;
	v51 =	vld [tilespmem:s0+$0xFFFFFF00];
	[tilespmem:v61+s21+$0x0] =	vst.idx.msk $0xffff, v0;
	v0 =	vadd.f32 v4, v34;
	v4 =	vadd.s32 v13, v45  }
0x274: {  	v54 =	vshll.u32 v3, v1;
	v3 =	vadd.s32 v8, v41;
	v45 =	vld [tilespmem:s0+$0xFFFFFF40];
	[tilespmem:v53+s21+$0x0] =	vst.idx.msk $0xffff, v2;
	v2 =	vmul.f32 $8.000000000e+00, v57  }
0x275: {  	p1 =	slt.u32 s10, $0x78;
	v39 =	vadd.s32 v28, v39;
	v48 =	vshrl.u32 v47, $0x3;
	v60 =	vmul.f32 $8.000000000e+00, v58;
	v61 =	vld [tilespmem:s0+$0xFFFFFF80]  }
.Ltmp4:
0x276: {  	v55 =	vshll.u32 v50, v1;
	[tilespmem:v62+s21+$0x0] =	vst.idx.msk $0xffff, v0;
	v0 =	vmul.f32 $8.000000000e+00, v63;
	v2 =	vadd.f32 v2, v33;
	(pc) =	sbr.rel @p1 .LBB2_11-.Ltmp4, $4  }
0x277: {  	v53 =	vadd.s32 v16, v43;
	v50 =	vadd.f32 v60, v33;
	v52 =	vmul.f32 $8.000000000e+00, v52  }
0x278: {  	v43 =	vadd.s32 v20, v42;
	v0 =	vadd.f32 v0, v33;
	v63 =	vmul.f32 $8.000000000e+00, v51;
	[tilespmem:v4+s21+$0x0] =	vst.idx.msk $0xffff, v2  }
0x279: {  	v47 =	vshrl.u32 v56, $0x3;
	v42 =	vadd.s32 v24, v40;
	[tilespmem:v3+s21+$0x0] =	vst.idx.msk $0xffff, v50;
	v56 =	vadd.f32 v52, v33  }
0x27a: {  	s11 =	sadd.s32 $0x7, s10;
	s10 =	sadd.s32 $0x8, s10;
	v41 =	vld [tilespmem:s0+$0xFFFFFFC0];
	v51 =	vmul.f32 $8.000000000e+00, v45;
	[tilespmem:v44+s21+$0x0] =	vst.idx.msk $0xffff, v0;
	v52 =	vadd.f32 v63, v33;
	v40 =	vmul.f32 $8.000000000e+00, v61  }
0x27b: {  	v0 =	vmov s11  }
0x27c: {  	v0 =	vshrl.u32 v0, $0x3  }
0x27d: {  	v0 =	vshll.u32 v0, v1  }
0x27e: {  	v50 =	vbroadcast v0, $0x0  }
0x27f: {  	v3 =	vshll.u32 v48, v1;
	v45 =	vshll.u32 v49, v1;
	v49 =	vbroadcast v54, $0x0  }
0x280: {  	v54 =	vshll.u32 v46, v1;
	v46 =	vbroadcast v3, $0x0;
	v3 =	vadd.s32 v21, v50;
	v21 =	vld [tilespmem:$0x1FE20]  }
0x281: {  	s0 =	sadd.s32 $0x200, s0  }
0x282: {  	v2 =	vld [tilespmem:s0+$0xFFFFFFD0]  }
0x283: {  	v48 =	vbroadcast v37, $0x0;
	_ =	sdelay $0x1  }
0x284: {  	v58 =	vadd.s32 v21, v48;
	v21 =	vld [tilespmem:$0x1FE60];
	_ =	sdelay $0x1  }
0x285: {  	v4 =	vld [tilespmem:s0+$0xFFFFFE10];
	v2 =	vmul.f32 $8.000000000e+00, v2  }
0x286: {  	v57 =	vld [tilespmem:s0+$0xFFFFFE50]  }
0x287: {  	v63 =	vshll.u32 v47, v1;
	v47 =	vbroadcast v55, $0x0;
	v55 =	vld [tilespmem:s0+$0xFFFFFED0];
	v2 =	vadd.f32 v2, v36  }
0x288: {  	v60 =	vadd.s32 v21, v49;
	v21 =	vld [tilespmem:$0x1FEA0]  }
0x289: {  	v0 =	vld [tilespmem:s0+$0xFFFFFE90];
	[tilespmem:v3+s21+$0x0] =	vst.idx.msk $0xffff, v2  }
0x28a: {  	v44 =	vbroadcast v63, $0x0;
	v63 =	vadd.s32 v17, v46;
	v17 =	vld [tilespmem:$0x1FF20]  }
0x28b: {  	v59 =	vld [tilespmem:s0+$0xFFFFFF10]  }
0x28c: {  	v37 =	vbroadcast v45, $0x0;
	v61 =	vld [tilespmem:s0+$0xFFFFFF50];
	v4 =	vmul.f32 $8.000000000e+00, v4  }
0x28d: {  	v45 =	vbroadcast v54, $0x0;
	v62 =	vld [tilespmem:s0+$0xFFFFFF90];
	v54 =	vmul.f32 $8.000000000e+00, v57;
	v57 =	vadd.s32 v21, v47  }
0x28e: {  	v4 =	vadd.f32 v4, v36;
	v0 =	vmul.f32 $8.000000000e+00, v0  }
0x28f: {  	v2 =	vadd.f32 v54, v36;
	v3 =	vmul.f32 $8.000000000e+00, v55;
	v54 =	vadd.s32 v17, v44  }
0x290: {  	v0 =	vadd.f32 v0, v36;
	v55 =	vadd.s32 v25, v37;
	[tilespmem:v58+s21+$0x0] =	vst.idx.msk $0xffff, v4;
	v4 =	vmul.f32 $8.000000000e+00, v59;
	v58 =	vld [tilespmem:s0+$0xFFFFFFE0]  }
0x291: {  	v25 =	vmul.f32 $8.000000000e+00, v61;
	v3 =	vadd.f32 v3, v36;
	[tilespmem:v60+s21+$0x0] =	vst.idx.msk $0xffff, v2;
	v2 =	vld [tilespmem:s0+$0xFFFFFE20];
	v60 =	vadd.s32 v29, v45  }
0x292: {  	v4 =	vadd.f32 v4, v36;
	v29 =	vmul.f32 $8.000000000e+00, v62;
	[tilespmem:v57+s21+$0x0] =	vst.idx.msk $0xffff, v0;
	v0 =	vld [tilespmem:s0+$0xFFFFFE60]  }
0x293: {  	[tilespmem:v63+s21+$0x0] =	vst.idx.msk $0xffff, v3;
	v3 =	vadd.f32 v25, v36;
	v61 =	vld [tilespmem:s0+$0xFFFFFEA0]  }
0x294: {  	v59 =	vld [tilespmem:s0+$0xFFFFFEE0];
	[tilespmem:v54+s21+$0x0] =	vst.idx.msk $0xffff, v4;
	v4 =	vadd.f32 v29, v36;
	v54 =	vadd.s32 v5, v50  }
0x295: {  	[tilespmem:v55+s21+$0x0] =	vst.idx.msk $0xffff, v3;
	v3 =	vmul.f32 $8.000000000e+00, v58;
	v57 =	vadd.s32 v6, v48;
	v25 =	vld [tilespmem:s0+$0xFFFFFF20]  }
0x296: {  	v55 =	vadd.s32 v10, v49;
	v2 =	vmul.f32 $8.000000000e+00, v2;
	v29 =	vld [tilespmem:s0+$0xFFFFFF60];
	[tilespmem:v60+s21+$0x0] =	vst.idx.msk $0xffff, v4  }
0x297: {  	v3 =	vadd.f32 v3, v35;
	v4 =	vadd.s32 v14, v47;
	v60 =	vld [tilespmem:s0+$0xFFFFFFA0];
	v0 =	vmul.f32 $8.000000000e+00, v0  }
0x298: {  	[tilespmem:v53+s21+$0x0] =	vst.idx.msk $0xffff, v56;
	v63 =	vadd.s32 v18, v46;
	v2 =	vadd.f32 v2, v35;
	v61 =	vmul.f32 $8.000000000e+00, v61  }
0x299: {  	v10 =	vadd.s32 v22, v44;
	[tilespmem:v54+s21+$0x0] =	vst.idx.msk $0xffff, v3;
	v3 =	vmul.f32 $8.000000000e+00, v59;
	v0 =	vadd.f32 v0, v35  }
0x29a: {  	[tilespmem:v57+s21+$0x0] =	vst.idx.msk $0xffff, v2;
	v14 =	vmul.f32 $8.000000000e+00, v25;
	v25 =	vadd.s32 v26, v37;
	v26 =	vld [tilespmem:s0+$0xFFFFFFF0];
	v2 =	vadd.f32 v61, v35  }
0x29b: {  	v30 =	vadd.s32 v30, v45;
	v29 =	vmul.f32 $8.000000000e+00, v29;
	v3 =	vadd.f32 v3, v35;
	[tilespmem:v55+s21+$0x0] =	vst.idx.msk $0xffff, v0;
	v0 =	vld [tilespmem:s0+$0xFFFFFE30]  }
0x29c: {  	v61 =	vadd.f32 v14, v35;
	v62 =	vmul.f32 $8.000000000e+00, v60;
	[tilespmem:v4+s21+$0x0] =	vst.idx.msk $0xffff, v2;
	v2 =	vld [tilespmem:s0+$0xFFFFFE70]  }
0x29d: {  	v55 =	vadd.f32 v29, v35;
	[tilespmem:v63+s21+$0x0] =	vst.idx.msk $0xffff, v3;
	v3 =	vld [tilespmem:s0+$0xFFFFFEB0]  }
0x29e: {  	[tilespmem:v10+s21+$0x0] =	vst.idx.msk $0xffff, v61;
	v63 =	vld [tilespmem:s0+$0xFFFFFEF0];
	v53 =	vadd.f32 v62, v35;
	v10 =	vadd.s32 v9, v50  }
0x29f: {  	v14 =	vadd.s32 v7, v48;
	[tilespmem:v25+s21+$0x0] =	vst.idx.msk $0xffff, v55;
	v25 =	vld [tilespmem:s0+$0xFFFFFF30];
	v26 =	vmul.f32 $8.000000000e+00, v26  }
0x2a0: {  	v51 =	vadd.f32 v51, v33;
	v29 =	vadd.s32 v11, v49;
	[tilespmem:v30+s21+$0x0] =	vst.idx.msk $0xffff, v53;
	v30 =	vld [tilespmem:s0+$0xFFFFFF70];
	v0 =	vmul.f32 $8.000000000e+00, v0  }
0x2a1: {  	[tilespmem:v43+s21+$0x0] =	vst.idx.msk $0xffff, v52;
	v60 =	vadd.s32 v15, v47;
	v61 =	vld [tilespmem:s0+$0xFFFFFFB0];
	v57 =	vadd.f32 v26, v34;
	v2 =	vmul.f32 $8.000000000e+00, v2  }
0x2a2: {  	[tilespmem:v42+s21+$0x0] =	vst.idx.msk $0xffff, v51;
	v62 =	vadd.s32 v19, v46;
	v0 =	vadd.f32 v0, v34;
	v3 =	vmul.f32 $8.000000000e+00, v3  }
0x2a3: {  	[tilespmem:v10+s21+$0x0] =	vst.idx.msk $0xffff, v57;
	v4 =	vmul.f32 $8.000000000e+00, v63;
	v63 =	vadd.s32 v23, v44;
	v2 =	vadd.f32 v2, v34  }
0x2a4: {  	v10 =	vadd.s32 v27, v37;
	v11 =	vld [tilespmem:s0+$0x0];
	[tilespmem:v14+s21+$0x0] =	vst.idx.msk $0xffff, v0;
	v0 =	vadd.f32 v3, v34;
	v3 =	vmul.f32 $8.000000000e+00, v25  }
0x2a5: {  	v4 =	vadd.f32 v4, v34;
	v14 =	vmul.f32 $8.000000000e+00, v30;
	v25 =	vadd.s32 v31, v45;
	[tilespmem:v29+s21+$0x0] =	vst.idx.msk $0xffff, v2;
	v2 =	vld [tilespmem:s0+$0xFFFFFE40]  }
0x2a6: {  	v26 =	vmul.f32 $8.000000000e+00, v61;
	[tilespmem:v60+s21+$0x0] =	vst.idx.msk $0xffff, v0;
	v0 =	vld [tilespmem:s0+$0xFFFFFE80];
	v3 =	vadd.f32 v3, v34  }
0x2a7: {  	[tilespmem:v62+s21+$0x0] =	vst.idx.msk $0xffff, v4;
	v29 =	vadd.f32 v14, v34;
	v27 =	vld [tilespmem:s0+$0xFFFFFEC0]  }
0x2a8: {  	v41 =	vmul.f32 $8.000000000e+00, v41;
	v50 =	vadd.s32 v13, v50;
	v43 =	vadd.f32 v26, v34;
	[tilespmem:v63+s21+$0x0] =	vst.idx.msk $0xffff, v3;
	v3 =	vld [tilespmem:s0+$0xFFFFFF00]  }
0x2a9: {  	v40 =	vadd.f32 v40, v33;
	v48 =	vadd.s32 v8, v48;
	[tilespmem:v10+s21+$0x0] =	vst.idx.msk $0xffff, v29;
	v30 =	vmul.f32 $8.000000000e+00, v11;
	v51 =	vld [tilespmem:s0+$0xFFFFFF40]  }
0x2aa: {  	v41 =	vadd.f32 v41, v33;
	v49 =	vadd.s32 v12, v49;
	v31 =	vld [tilespmem:s0+$0xFFFFFF80];
	[tilespmem:v25+s21+$0x0] =	vst.idx.msk $0xffff, v43;
	v2 =	vmul.f32 $8.000000000e+00, v2  }
0x2ab: {  	[tilespmem:v39+s21+$0x0] =	vst.idx.msk $0xffff, v40;
	v57 =	vadd.s32 v16, v47;
	v58 =	vld [tilespmem:s0+$0xFFFFFFC0];
	v42 =	vadd.f32 v30, v33;
	v0 =	vmul.f32 $8.000000000e+00, v0  }
0x2ac: {  	[tilespmem:v38+s21+$0x0] =	vst.idx.msk $0xffff, v41;
	v59 =	vadd.s32 v20, v46;
	v2 =	vadd.f32 v2, v33;
	v4 =	vmul.f32 $8.000000000e+00, v27  }
0x2ad: {  	v60 =	vadd.s32 v24, v44;
	[tilespmem:v50+s21+$0x0] =	vst.idx.msk $0xffff, v42;
	v0 =	vadd.f32 v0, v33;
	v3 =	vmul.f32 $8.000000000e+00, v3  }
0x2ae: {  	v37 =	vadd.s32 v28, v37;
	[tilespmem:v48+s21+$0x0] =	vst.idx.msk $0xffff, v2;
	v2 =	vadd.f32 v4, v33;
	v61 =	vmul.f32 $8.000000000e+00, v51  }
0x2af: {  	v62 =	vadd.s32 v32, v45;
	[tilespmem:v49+s21+$0x0] =	vst.idx.msk $0xffff, v0;
	v0 =	vadd.f32 v3, v33;
	v3 =	vmul.f32 $8.000000000e+00, v31  }
0x2b0: {  	v63 =	vmul.f32 $8.000000000e+00, v58;
	[tilespmem:v57+s21+$0x0] =	vst.idx.msk $0xffff, v2;
	v2 =	vadd.f32 v61, v33  }
0x2b1: {  	[tilespmem:v59+s21+$0x0] =	vst.idx.msk $0xffff, v0;
	v0 =	vadd.f32 v3, v33  }
0x2b2: {  	[tilespmem:v60+s21+$0x0] =	vst.idx.msk $0xffff, v2;
	v2 =	vadd.f32 v63, v33  }
0x2b3: {  	[tilespmem:v37+s21+$0x0] =	vst.idx.msk $0xffff, v0  }
0x2b4: {  	s10 =	sadd.s32 $0x100, s1;
	s16 =	simm.s32 $0xF080;
	[tilespmem:v62+s21+$0x0] =	vst.idx.msk $0xffff, v2  }
0x2b5: {  	[hbm4b:s10+s3] =	stream.linear.scatter [tilespmem:s16], [sflag:$0x5], $0x80, $0x38;
	[tilespmem:$0x13480] =	vst v63  }
0x2b6: {  	s11 =	simm.s32 $0xF108;
	s14 =	sadd.s32 $0x10, s10  }
0x2b7: {  	[hbm4b:s14+s3] =	stream.linear.scatter [tilespmem:s11], [sflag:$0x5], $0x80, $0x38;
	[tilespmem:$0x13480] =	vst v63  }
0x2b8: {  	s15 =	simm.s32 $0xF190;
	s16 =	sadd.s32 $0x20, s10  }
0x2b9: {  	[hbm4b:s16+s3] =	stream.linear.scatter [tilespmem:s15], [sflag:$0x5], $0x80, $0x38;
	[tilespmem:$0x13480] =	vst v63  }
0x2ba: {  	s11 =	simm.s32 $0xF218;
	s14 =	sadd.s32 $0x30, s10  }
0x2bb: {  	[hbm4b:s14+s3] =	stream.linear.scatter [tilespmem:s11], [sflag:$0x5], $0x80, $0x38;
	[tilespmem:$0x13480] =	vst v63  }
0x2bc: {  	s15 =	simm.s32 $0xF2A0;
	s16 =	sadd.s32 $0x40, s10  }
0x2bd: {  	[hbm4b:s16+s3] =	stream.linear.scatter [tilespmem:s15], [sflag:$0x5], $0x80, $0x38;
	[tilespmem:$0x13480] =	vst v63  }
0x2be: {  	s0 =	simm.s32 $0x440;
	s11 =	simm.s32 $0xF328;
	s14 =	sadd.s32 $0x50, s10  }
0x2bf: {  	[hbm4b:s14+s3] =	stream.linear.scatter [tilespmem:s11], [sflag:$0x5], $0x80, $0x38;
	[tilespmem:$0x13480] =	vst v63  }
0x2c0: {  	s15 =	simm.s32 $0xF3B0;
	s16 =	sadd.s32 $0x60, s10;
	s11 =	simm.s32 $0x2200  }
0x2c1: {  	[hbm4b:s16+s3] =	stream.linear.scatter [tilespmem:s15], [sflag:$0x5], $0x80, $0x38;
	[tilespmem:$0x13480] =	vst v63  }
0x2c2: {  	v20 =	vmov v13;
	v16 =	vmov v9;
	s14 =	simm.s32 $0xF438;
	s15 =	sadd.s32 $0x70, s10;
	s10 =	sadd.s32 $0x4000, s10  }
.LBB2_13:
0x2c3: {  	[hbm4b:s15+s3] =	stream.linear.scatter [tilespmem:s14], [sflag:$0x5], $0x80, $0x38;
	[tilespmem:$0x13480] =	vst v63  }
0x2c4: {  	s14 =	smov.u32 s0;
	s0 =	smov.u32 s11  }
0x2c5: {  	s16 =	sadd.s32 $0x1100, s11;
	s0 =	sshra.s32 s0, $0x2;
	s15 =	sadd.s32 $0xF080, s14  }
0x2c6: {  	[hbm4b:s10+s3] =	stream.linear.scatter [tilespmem:s15], [sflag:$0x5], $0x80, $0x38;
	[tilespmem:$0x13480] =	vst v63  }
0x2c7: {  	p1 =	sne.s32 s11, $0x7700;
	s11 =	sadd.s32 $0xF108, s14;
	s15 =	sadd.s32 $0x10, s10  }
0x2c8: {  	[hbm4b:s15+s3] =	stream.linear.scatter [tilespmem:s11], [sflag:$0x5], $0x80, $0x38;
	[tilespmem:$0x13480] =	vst v63  }
0x2c9: {  	s11 =	sadd.s32 $0xF190, s14;
	s15 =	sadd.s32 $0x20, s10  }
0x2ca: {  	[hbm4b:s15+s3] =	stream.linear.scatter [tilespmem:s11], [sflag:$0x5], $0x80, $0x38;
	[tilespmem:$0x13480] =	vst v63  }
0x2cb: {  	s11 =	sadd.s32 $0xF218, s14;
	s15 =	sadd.s32 $0x30, s10  }
0x2cc: {  	[hbm4b:s15+s3] =	stream.linear.scatter [tilespmem:s11], [sflag:$0x5], $0x80, $0x38;
	[tilespmem:$0x13480] =	vst v63  }
0x2cd: {  	s11 =	sadd.s32 $0xF2A0, s14;
	s15 =	sadd.s32 $0x40, s10  }
0x2ce: {  	[hbm4b:s15+s3] =	stream.linear.scatter [tilespmem:s11], [sflag:$0x5], $0x80, $0x38;
	[tilespmem:$0x13480] =	vst v63  }
.Ltmp5:
0x2cf: {  	s11 =	sadd.s32 $0xF328, s14;
	s15 =	sadd.s32 $0x50, s10;
	(pc) =	sbr.rel @p1 .LBB2_13-.Ltmp5, $4  }
0x2d0: {  	[hbm4b:s15+s3] =	stream.linear.scatter [tilespmem:s11], [sflag:$0x5], $0x80, $0x38;
	[tilespmem:$0x13480] =	vst v63  }
0x2d1: {  	s11 =	sadd.s32 $0xF3B0, s14;
	s15 =	sadd.s32 $0x60, s10;
	s14 =	sadd.s32 $0xF438, s14  }
0x2d2: {  	[hbm4b:s15+s3] =	stream.linear.scatter [tilespmem:s11], [sflag:$0x5], $0x80, $0x38;
	[tilespmem:$0x13480] =	vst v63  }
0x2d3: {  	s15 =	sadd.s32 $0x70, s10;
	s10 =	sadd.s32 $0x4000, s10;
	s11 =	smov.u32 s16  }
0x2d4: {  	[hbm4b:s15+s3] =	stream.linear.scatter [tilespmem:s14], [sflag:$0x5], $0x80, $0x38;
	[tilespmem:$0x13480] =	vst v63  }
0x2d5: {  	s11 =	sadd.s32 $0xF080, s0  }
0x2d6: {  	[hbm4b:s10+s3] =	stream.linear.scatter [tilespmem:s11], [sflag:$0x5], $0x80, $0x38;
	[tilespmem:$0x13480] =	vst v63  }
0x2d7: {  	s15 =	sadd.s32 $0xF108, s0;
	s16 =	sadd.s32 $0x10, s10  }
0x2d8: {  	[hbm4b:s16+s3] =	stream.linear.scatter [tilespmem:s15], [sflag:$0x5], $0x80, $0x38;
	[tilespmem:$0x13480] =	vst v63  }
0x2d9: {  	s15 =	sadd.s32 $0xF190, s0;
	s16 =	sadd.s32 $0x20, s10  }
0x2da: {  	[hbm4b:s16+s3] =	stream.linear.scatter [tilespmem:s15], [sflag:$0x5], $0x80, $0x38;
	[tilespmem:$0x13480] =	vst v63  }
0x2db: {  	s15 =	sadd.s32 $0xF218, s0;
	s16 =	sadd.s32 $0x30, s10  }
0x2dc: {  	[hbm4b:s16+s3] =	stream.linear.scatter [tilespmem:s15], [sflag:$0x5], $0x80, $0x38;
	[tilespmem:$0x13480] =	vst v63  }
0x2dd: {  	s15 =	sadd.s32 $0xF2A0, s0;
	s16 =	sadd.s32 $0x40, s10  }
0x2de: {  	[hbm4b:s16+s3] =	stream.linear.scatter [tilespmem:s15], [sflag:$0x5], $0x80, $0x38;
	[tilespmem:$0x13480] =	vst v63  }
0x2df: {  	s15 =	sadd.s32 $0xF328, s0;
	s16 =	sadd.s32 $0x50, s10  }
0x2e0: {  	[hbm4b:s16+s3] =	stream.linear.scatter [tilespmem:s15], [sflag:$0x5], $0x80, $0x38;
	[tilespmem:$0x13480] =	vst v63  }
0x2e1: {  	s15 =	sadd.s32 $0xF3B0, s0;
	s16 =	sadd.s32 $0x60, s10  }
0x2e2: {  	[hbm4b:s16+s3] =	stream.linear.scatter [tilespmem:s15], [sflag:$0x5], $0x80, $0x38;
	[tilespmem:$0x13480] =	vst v63  }
0x2e3: {  	s15 =	sadd.s32 $0xF438, s0;
	s16 =	sadd.s32 $0x70, s10  }
0x2e4: {  	[hbm4b:s16+s3] =	stream.linear.scatter [tilespmem:s15], [sflag:$0x5], $0x80, $0x38;
	[tilespmem:$0x13480] =	vst v63  }
0x2e5: {  	_ =	swait.ge [sflag:s26], $0x2000  }
0x2e6: {  	s11 =	simm.s32 @!p0 $0xB080;
	s16 =	simm.s32 $0x3;
	[sflag:s26] =	ssyncset.done $0x0  }
0x2e7: {  	s0 =	sadd.s32 @!p0 $0xF80, s31;
	s10 =	simm.s32 @!p0 $0x80;
	v4 =	vmov s16;
	[sflag:s26] =	ssyncadd.s32 $0xFFFFE000  }
0x2e8: {  	v4 =	vshrl.u32 v4, $0x3;
	[tilespmem:s11], [sflag:$0x3] =	stream.indirect.gather @!p0 [hbm4b:s4+s10], $0x40, s0, s10, $0xb8;
	[tilespmem:$0x13480] =	vst v63  }
0x2e9: {  	v4 =	vshll.u32 v4, v1;
	_ =	swait.ge [sflag:s28], $0x2000  }
0x2ea: {  	s14 =	simm.s32 $0x1;
	v41 =	vbroadcast v4, $0x0;
	v4 =	vld [tilespmem:$0x1FFE0]  }
0x2eb: {  	v2 =	vmov s14;
	s14 =	simm.s32 $0x6;
	s15 =	simm.s32 $0x2;
	s11 =	simm.s32 $0x0;
	v24 =	vld [tilespmem:$0x1FE20]  }
0x2ec: {  	v39 =	vmov s14;
	v3 =	vmov s15;
	s15 =	simm.s32 $0x7;
	v0 =	vmov s11;
	[sflag:s28] =	ssyncset.done $0x0;
	v5 =	vld [tilespmem:$0x1FE60]  }
0x2ed: {  	v2 =	vshrl.u32 v2, $0x3;
	v40 =	vmov s15;
	s0 =	simm.s32 $0xD270;
	v0 =	vshrl.u32 v0, $0x3;
	v28 =	vld [tilespmem:$0x1FEA0];
	[sflag:s28] =	ssyncadd.s32 $0xFFFFE000  }
0x2ee: {  	v39 =	vshrl.u32 v39, $0x3;
	v40 =	vshrl.u32 v40, $0x3;
	v0 =	vshll.u32 v0, v1;
	v46 =	vld [tilespmem:s0+$0xFFFFFFD0]  }
0x2ef: {  	v2 =	vshll.u32 v2, v1;
	v47 =	vld [tilespmem:s0+$0xFFFFFE10];
	v43 =	vbroadcast v0, $0x0;
	v0 =	vshll.u32 v40, v1  }
0x2f0: {  	v44 =	vbroadcast v2, $0x0;
	s31 =	simm.s32 $0x4;
	v3 =	vshrl.u32 v3, $0x3;
	v32 =	vld [tilespmem:$0x1FEE0];
	v45 =	vbroadcast v0, $0x0  }
0x2f1: {  	v2 =	vshll.u32 v39, v1;
	v37 =	vmov s31;
	v3 =	vshll.u32 v3, v1;
	v48 =	vld [tilespmem:s0+$0xFFFFFE50]  }
0x2f2: {  	v37 =	vshrl.u32 v37, $0x3;
	v42 =	vbroadcast v3, $0x0;
	s11 =	simm.s32 $0x5;
	v3 =	vld [tilespmem:s0+$0xFFFFFED0];
	v4 =	vadd.s32 v4, v45  }
0x2f3: {  	v38 =	vmov s11;
	v0 =	vld [tilespmem:s0+$0xFFFFFE90];
	v58 =	vadd.s32 v24, v43;
	v46 =	vmul.f32 $8.000000000e+00, v46  }
0x2f4: {  	v38 =	vshrl.u32 v38, $0x3;
	v50 =	vadd.s32 v5, v44;
	v5 =	vld [tilespmem:$0x1FF20];
	v47 =	vmul.f32 $8.000000000e+00, v47  }
0x2f5: {  	v37 =	vshll.u32 v37, v1;
	v38 =	vshll.u32 v38, v1;
	v49 =	vld [tilespmem:s0+$0xFFFFFF10];
	v46 =	vadd.f32 v46, v36  }
0x2f6: {  	v39 =	vbroadcast v37, $0x0;
	v40 =	vbroadcast v38, $0x0;
	v47 =	vadd.f32 v47, v36  }
0x2f7: {  	v38 =	vbroadcast v2, $0x0;
	v59 =	vadd.s32 v28, v42;
	v2 =	vmul.f32 $8.000000000e+00, v48;
	[tilespmem:v4+s23+$0x0] =	vst.idx.msk $0xffff, v46  }
0x2f8: {  	v53 =	vadd.s32 v32, v41;
	v0 =	vmul.f32 $8.000000000e+00, v0;
	[tilespmem:v58+s23+$0x0] =	vst.idx.msk $0xffff, v47  }
0x2f9: {  	v3 =	vmul.f32 $8.000000000e+00, v3;
	v2 =	vadd.f32 v2, v36;
	v54 =	vadd.s32 v5, v39;
	v5 =	vld [tilespmem:$0x1FF60]  }
0x2fa: {  	v51 =	vld [tilespmem:s0+$0xFFFFFF50];
	v0 =	vadd.f32 v0, v36;
	v4 =	vmul.f32 $8.000000000e+00, v49  }
0x2fb: {  	[tilespmem:v50+s23+$0x0] =	vst.idx.msk $0xffff, v2;
	v2 =	vadd.f32 v3, v36  }
0x2fc: {  	v29 =	vld [tilespmem:$0x1FFA0];
	[tilespmem:v59+s23+$0x0] =	vst.idx.msk $0xffff, v0;
	v0 =	vadd.f32 v4, v36  }
0x2fd: {  	[tilespmem:v53+s23+$0x0] =	vst.idx.msk $0xffff, v2  }
0x2fe: {  	v52 =	vld [tilespmem:s0+$0xFFFFFF90];
	[tilespmem:v54+s23+$0x0] =	vst.idx.msk $0xffff, v0;
	v60 =	vadd.s32 v5, v40  }
0x2ff: {  	v3 =	vmul.f32 $8.000000000e+00, v51;
	v8 =	vld [tilespmem:$0x1FE30];
	_ =	sdelay $0x1  }
0x300: {  	v2 =	vadd.f32 v3, v36;
	_ =	sdelay $0x1  }
0x301: {  	v12 =	vld [tilespmem:$0x1FFF0];
	v49 =	vadd.s32 v29, v38;
	[tilespmem:v60+s23+$0x0] =	vst.idx.msk $0xffff, v2  }
0x302: {  	v4 =	vmul.f32 $8.000000000e+00, v52;
	v5 =	vmov v8;
	v63 =	vadd.s32 v8, v43;
	v8 =	vld [tilespmem:$0x1FE70];
	_ =	sdelay $0x1  }
0x303: {  	v0 =	vadd.f32 v4, v36  }
0x304: {  	s16 =	simm.s32 $0x8  }
0x305: {  	v61 =	vmov s16;
	[tilespmem:v49+s23+$0x0] =	vst.idx.msk $0xffff, v0  }
0x306: {  	v48 =	vshrl.u32 v61, $0x3;
	v13 =	vmov v8;
	v61 =	vadd.s32 v8, v44;
	v8 =	vld [tilespmem:$0x1FEB0];
	_ =	sdelay $0x2  }
0x307: {  	v46 =	vld [tilespmem:s0+$0xFFFFFFE0]  }
0x308: {  	v47 =	vld [tilespmem:s0+$0xFFFFFE20]  }
0x309: {  	v17 =	vmov v8;
	v49 =	vadd.s32 v8, v42;
	v8 =	vld [tilespmem:$0x1FEF0];
	_ =	sdelay $0x2  }
0x30a: {  	v4 =	vadd.s32 v12, v45  }
0x30b: {  	v62 =	vld [tilespmem:s0+$0xFFFFFE60];
	v2 =	vmul.f32 $8.000000000e+00, v46  }
0x30c: {  	v60 =	vmul.f32 $8.000000000e+00, v47;
	v21 =	vmov v8;
	v57 =	vadd.s32 v8, v41;
	v8 =	vld [tilespmem:$0x1FF30]  }
0x30d: {  	v2 =	vadd.f32 v2, v35  }
0x30e: {  	v37 =	vadd.f32 v60, v35  }
0x30f: {  	v50 =	vld [tilespmem:s0+$0xFFFFFEA0];
	[tilespmem:v4+s23+$0x0] =	vst.idx.msk $0xffff, v2  }
0x310: {  	v52 =	vld [tilespmem:s0+$0xFFFFFEE0];
	[tilespmem:v63+s23+$0x0] =	vst.idx.msk $0xffff, v37  }
0x311: {  	v0 =	vmul.f32 $8.000000000e+00, v62;
	v6 =	vmov v8;
	v58 =	vadd.s32 v8, v39;
	v8 =	vld [tilespmem:$0x1FF70]  }
0x312: {  	v55 =	vld [tilespmem:s0+$0xFFFFFF20]  }
0x313: {  	v0 =	vadd.f32 v0, v35  }
0x314: {  	v50 =	vmul.f32 $8.000000000e+00, v50;
	v56 =	vld [tilespmem:s0+$0xFFFFFF60]  }
0x315: {  	v62 =	vld [tilespmem:s0+$0xFFFFFFA0];
	[tilespmem:v61+s23+$0x0] =	vst.idx.msk $0xffff, v0  }
0x316: {  	v52 =	vmul.f32 $8.000000000e+00, v52;
	v2 =	vadd.f32 v50, v35;
	v7 =	vmovc v8;
	v50 =	vadd.s32 v8, v40;
	v8 =	vld [tilespmem:$0x1FFB0]  }
0x317: {  	v4 =	vmul.f32 $8.000000000e+00, v55  }
0x318: {  	v0 =	vadd.f32 v52, v35  }
0x319: {  	v54 =	vld [tilespmem:s0+$0xFFFFFFF0];
	[tilespmem:v49+s23+$0x0] =	vst.idx.msk $0xffff, v2;
	v2 =	vadd.f32 v4, v35  }
0x31a: {  	v60 =	vmul.f32 $8.000000000e+00, v56;
	[tilespmem:v57+s23+$0x0] =	vst.idx.msk $0xffff, v0  }
0x31b: {  	v63 =	vld [tilespmem:s0+$0xFFFFFE30];
	v4 =	vmul.f32 $8.000000000e+00, v62;
	[tilespmem:v58+s23+$0x0] =	vst.idx.msk $0xffff, v2;
	v61 =	vadd.s32 v8, v38  }
0x31c: {  	v0 =	vadd.f32 v60, v35;
	v25 =	vmov v8;
	v8 =	vld [tilespmem:$0x1FE40]  }
0x31d: {  	v59 =	vld [tilespmem:s0+$0xFFFFFE70];
	v2 =	vadd.f32 v4, v35;
	v4 =	vadd.s32 v16, v45  }
0x31e: {  	v62 =	vld [tilespmem:s0+$0xFFFFFEB0];
	[tilespmem:v50+s23+$0x0] =	vst.idx.msk $0xffff, v0;
	v0 =	vmul.f32 $8.000000000e+00, v54  }
0x31f: {  	v47 =	vld [tilespmem:s0+$0xFFFFFEF0]  }
0x320: {  	v11 =	vld [tilespmem:$0x1FE80];
	v0 =	vadd.f32 v0, v34;
	[tilespmem:v61+s23+$0x0] =	vst.idx.msk $0xffff, v2  }
0x321: {  	v57 =	vadd.s32 v8, v43;
	v15 =	vld [tilespmem:$0x1FEC0]  }
0x322: {  	s11 =	simm.s32 $0xA;
	v63 =	vmul.f32 $8.000000000e+00, v63;
	v19 =	vld [tilespmem:$0x1FF00];
	[tilespmem:v4+s23+$0x0] =	vst.idx.msk $0xffff, v0  }
0x323: {  	v53 =	vmov s11;
	v23 =	vld [tilespmem:$0x1FF40]  }
0x324: {  	v58 =	vld [tilespmem:s0+$0xFFFFFF30];
	v50 =	vshrl.u32 v53, $0x3;
	v53 =	vadd.f32 v63, v34  }
0x325: {  	v54 =	vadd.s32 v11, v44  }
0x326: {  	v2 =	vmul.f32 $8.000000000e+00, v59;
	[tilespmem:v57+s23+$0x0] =	vst.idx.msk $0xffff, v53;
	v52 =	vadd.s32 v15, v42  }
0x327: {  	v37 =	vshll.u32 v48, v1;
	v48 =	vmul.f32 $8.000000000e+00, v62;
	v60 =	vadd.s32 v19, v41;
	v27 =	vld [tilespmem:$0x1FF80]  }
0x328: {  	v55 =	vld [tilespmem:s0+$0xFFFFFF70];
	v0 =	vadd.f32 v2, v34;
	v2 =	vmul.f32 $8.000000000e+00, v47;
	v4 =	vadd.s32 v23, v39  }
0x329: {  	v48 =	vadd.f32 v48, v34;
	v53 =	vmul.f32 $8.000000000e+00, v58  }
0x32a: {  	v2 =	vadd.f32 v2, v34;
	[tilespmem:v54+s23+$0x0] =	vst.idx.msk $0xffff, v0  }
0x32b: {  	v31 =	vld [tilespmem:$0x1FFC0];
	v63 =	vadd.f32 v53, v34;
	[tilespmem:v52+s23+$0x0] =	vst.idx.msk $0xffff, v48  }
0x32c: {  	v59 =	vld [tilespmem:s0+$0xFFFFFFB0];
	v57 =	vadd.s32 v27, v40;
	[tilespmem:v60+s23+$0x0] =	vst.idx.msk $0xffff, v2  }
0x32d: {  	v58 =	vld [tilespmem:s0+$0x0];
	v54 =	vmul.f32 $8.000000000e+00, v55;
	[tilespmem:v4+s23+$0x0] =	vst.idx.msk $0xffff, v63  }
0x32e: {  	v9 =	vmov v8;
	v8 =	vld [tilespmem:$0x1FE50]  }
0x32f: {  	v0 =	vld [tilespmem:s0+$0xFFFFFE40];
	v55 =	vadd.f32 v54, v34  }
0x330: {  	s31 =	simm.s32 $0x9  }
0x331: {  	v3 =	vmov s31;
	v61 =	vadd.s32 v31, v38;
	[tilespmem:v57+s23+$0x0] =	vst.idx.msk $0xffff, v55  }
0x332: {  	v3 =	vshrl.u32 v3, $0x3;
	v45 =	vadd.s32 v20, v45;
	v62 =	vmul.f32 $8.000000000e+00, v59;
	v14 =	vld [tilespmem:$0x1FE90]  }
0x333: {  	v54 =	vshll.u32 v3, v1;
	v58 =	vmul.f32 $8.000000000e+00, v58;
	v59 =	vld [tilespmem:$0x1FED0];
	v3 =	vadd.s32 v8, v43  }
0x334: {  	v52 =	vld [tilespmem:s0+$0xFFFFFE80];
	v0 =	vmul.f32 $8.000000000e+00, v0;
	v63 =	vadd.f32 v62, v34  }
0x335: {  	v60 =	vadd.f32 v58, v33  }
0x336: {  	v0 =	vadd.f32 v0, v33;
	[tilespmem:v61+s23+$0x0] =	vst.idx.msk $0xffff, v63  }
0x337: {  	v62 =	vld [tilespmem:$0x1FF10];
	[tilespmem:v45+s23+$0x0] =	vst.idx.msk $0xffff, v60  }
0x338: {  	v44 =	vadd.s32 v14, v44;
	v53 =	vadd.s32 v59, v42;
	v42 =	vld [tilespmem:$0x1FF50];
	[tilespmem:v3+s23+$0x0] =	vst.idx.msk $0xffff, v0  }
0x339: {  	v52 =	vmul.f32 $8.000000000e+00, v52;
	v0 =	vld [tilespmem:$0x1FF90]  }
0x33a: {  	v2 =	vld [tilespmem:s0+$0xFFFFFEC0]  }
0x33b: {  	v4 =	vld [tilespmem:s0+$0xFFFFFF00];
	v63 =	vadd.f32 v52, v33  }
0x33c: {  	v57 =	vld [tilespmem:s0+$0xFFFFFF40]  }
0x33d: {  	s31 =	simm.s32 $0xE;
	v55 =	vshll.u32 v50, v1;
	v50 =	vld [tilespmem:s0+$0xFFFFFF80];
	[tilespmem:v44+s23+$0x0] =	vst.idx.msk $0xffff, v63  }
0x33e: {  	s14 =	simm.s32 $0xB;
	s15 =	simm.s32 $0xC;
	s16 =	simm.s32 $0xD;
	v51 =	vmov s31;
	v22 =	vmovc v42;
	v42 =	vadd.s32 v42, v39;
	v26 =	vmovc v0;
	v39 =	vadd.s32 v0, v40;
	v0 =	vld [tilespmem:$0x1FFD0]  }
0x33f: {  	v46 =	vmov s14;
	v56 =	vmov s15;
	v49 =	vmov s16  }
0x340: {  	v49 =	vshrl.u32 v49, $0x3;
	v2 =	vmul.f32 $8.000000000e+00, v2;
	v4 =	vmul.f32 $8.000000000e+00, v4  }
0x341: {  	v47 =	vshrl.u32 v56, $0x3;
	v48 =	vshrl.u32 v46, $0x3;
	v46 =	vshrl.u32 v51, $0x3  }
0x342: {  	v56 =	vadd.f32 v2, v33;
	v52 =	vadd.f32 v4, v33;
	v51 =	vmul.f32 $8.000000000e+00, v57;
	v10 =	vmovc v14;
	v14 =	vmovc v59  }
0x343: {  	s10 =	simm.s32 $0x10;
	s11 =	simm.s32 $0xF;
	v18 =	vmovc v62;
	v43 =	vadd.s32 v62, v41;
	v41 =	vld [tilespmem:s0+$0xFFFFFFC0];
	v40 =	vmul.f32 $8.000000000e+00, v50;
	v30 =	vmovc v0;
	v38 =	vadd.s32 v0, v38  }
.LBB2_15:
0x344: {  	_ = 	snop  }
0x345: {  	s0 =	sadd.s32 $0x200, s0;
	v61 =	vld [tilespmem:$0x1FE60]  }
0x346: {  	v0 =	vmov s11;
	v2 =	vadd.f32 v51, v33;
	v50 =	vld [tilespmem:s0+$0xFFFFFE10]  }
0x347: {  	v4 =	vshll.u32 v48, v1;
	[tilespmem:v53+s23+$0x0] =	vst.idx.msk $0xffff, v56;
	v56 =	vld [tilespmem:s0+$0xFFFFFFD0];
	v0 =	vshrl.u32 v0, $0x3  }
0x348: {  	v0 =	vshll.u32 v0, v1;
	[tilespmem:v42+s23+$0x0] =	vst.idx.msk $0xffff, v2;
	v42 =	vbroadcast v4, $0x0;
	v4 =	vld [tilespmem:$0x1FFE0];
	v3 =	vmul.f32 $8.000000000e+00, v41  }
0x349: {  	v45 =	vbroadcast v0, $0x0;
	v0 =	vld [tilespmem:s0+$0xFFFFFE90]  }
0x34a: {  	v58 =	vshll.u32 v49, v1;
	v49 =	vld [tilespmem:s0+$0xFFFFFF10];
	v2 =	vadd.f32 v3, v33  }
0x34b: {  	v57 =	vshll.u32 v47, v1;
	[tilespmem:v43+s23+$0x0] =	vst.idx.msk $0xffff, v52;
	v3 =	vld [tilespmem:s0+$0xFFFFFE50];
	v60 =	vmul.f32 $8.000000000e+00, v50  }
0x34c: {  	v44 =	vbroadcast v54, $0x0;
	v40 =	vadd.f32 v40, v33;
	v41 =	vbroadcast v37, $0x0;
	[tilespmem:v38+s23+$0x0] =	vst.idx.msk $0xffff, v2;
	v2 =	vld [tilespmem:s0+$0xFFFFFED0]  }
0x34d: {  	v43 =	vbroadcast v55, $0x0;
	v4 =	vadd.s32 v4, v45;
	v48 =	vadd.f32 v60, v36;
	v60 =	vld [tilespmem:$0x1FF20]  }
0x34e: {  	[tilespmem:v39+s23+$0x0] =	vst.idx.msk $0xffff, v40;
	v62 =	vadd.s32 v61, v44;
	v61 =	vld [tilespmem:$0x1FF60];
	v37 =	vadd.s32 v24, v41;
	v59 =	vmul.f32 $8.000000000e+00, v56  }
0x34f: {  	v46 =	vshll.u32 v46, v1;
	v40 =	vbroadcast v57, $0x0;
	v39 =	vbroadcast v58, $0x0;
	v63 =	vld [tilespmem:s0+$0xFFFFFF50]  }
0x350: {  	v57 =	vadd.s32 v28, v43;
	v47 =	vadd.f32 v59, v36;
	v58 =	vld [tilespmem:s0+$0xFFFFFF90];
	v3 =	vmul.f32 $8.000000000e+00, v3  }
0x351: {  	v38 =	vbroadcast v46, $0x0;
	v0 =	vmul.f32 $8.000000000e+00, v0;
	v59 =	vadd.s32 v32, v42  }
0x352: {  	v3 =	vadd.f32 v3, v36;
	v2 =	vmul.f32 $8.000000000e+00, v2;
	v54 =	vadd.s32 v60, v40;
	[tilespmem:v4+s23+$0x0] =	vst.idx.msk $0xffff, v47  }
0x353: {  	v0 =	vadd.f32 v0, v36;
	[tilespmem:v37+s23+$0x0] =	vst.idx.msk $0xffff, v48;
	v37 =	vadd.s32 v61, v39;
	v4 =	vmul.f32 $8.000000000e+00, v49;
	v47 =	vld [tilespmem:s0+$0xFFFFFFE0]  }
0x354: {  	v48 =	vld [tilespmem:s0+$0xFFFFFE20];
	v49 =	vadd.s32 v29, v38;
	[tilespmem:v62+s23+$0x0] =	vst.idx.msk $0xffff, v3;
	v2 =	vadd.f32 v2, v36;
	v3 =	vmul.f32 $8.000000000e+00, v63  }
0x355: {  	s31 =	sadd.s32 $0x2, s10;
	[tilespmem:v57+s23+$0x0] =	vst.idx.msk $0xffff, v0;
	v0 =	vadd.f32 v4, v36;
	v4 =	vmul.f32 $8.000000000e+00, v58;
	v51 =	vld [tilespmem:s0+$0xFFFFFE60]  }
0x356: {  	s15 =	sadd.s32 $0x4, s10;
	v53 =	vmov s31;
	v61 =	vadd.s32 v13, v44;
	v50 =	vld [tilespmem:s0+$0xFFFFFEA0];
	[tilespmem:v59+s23+$0x0] =	vst.idx.msk $0xffff, v2;
	v2 =	vadd.f32 v3, v36  }
0x357: {  	v56 =	vmov s15;
	v52 =	vld [tilespmem:s0+$0xFFFFFEE0];
	[tilespmem:v54+s23+$0x0] =	vst.idx.msk $0xffff, v0;
	v0 =	vadd.f32 v4, v36;
	v4 =	vadd.s32 v12, v45  }
0x358: {  	v62 =	vmov s10;
	v54 =	vadd.s32 v5, v41;
	v63 =	vld [tilespmem:s0+$0xFFFFFF20];
	[tilespmem:v37+s23+$0x0] =	vst.idx.msk $0xffff, v2;
	v2 =	vmul.f32 $8.000000000e+00, v47  }
0x359: {  	v57 =	vadd.s32 v21, v42;
	v46 =	vshrl.u32 v62, $0x3;
	v60 =	vmul.f32 $8.000000000e+00, v48;
	v62 =	vld [tilespmem:s0+$0xFFFFFF60];
	[tilespmem:v49+s23+$0x0] =	vst.idx.msk $0xffff, v0  }
0x35a: {  	v49 =	vadd.s32 v17, v43;
	v0 =	vmul.f32 $8.000000000e+00, v51;
	v51 =	vld [tilespmem:s0+$0xFFFFFFA0];
	v2 =	vadd.f32 v2, v35  }
0x35b: {  	s16 =	sadd.s32 $0x1, s10;
	v58 =	vadd.s32 v6, v40;
	v50 =	vmul.f32 $8.000000000e+00, v50;
	v37 =	vadd.f32 v60, v35  }
0x35c: {  	v3 =	vmov s16;
	v0 =	vadd.f32 v0, v35;
	v52 =	vmul.f32 $8.000000000e+00, v52;
	[tilespmem:v4+s23+$0x0] =	vst.idx.msk $0xffff, v2  }
0x35d: {  	[tilespmem:v54+s23+$0x0] =	vst.idx.msk $0xffff, v37;
	v2 =	vadd.f32 v50, v35;
	v50 =	vadd.s32 v7, v39;
	v4 =	vmul.f32 $8.000000000e+00, v63;
	v63 =	vld [tilespmem:s0+$0xFFFFFFF0]  }
0x35e: {  	v60 =	vld [tilespmem:s0+$0xFFFFFE30];
	[tilespmem:v61+s23+$0x0] =	vst.idx.msk $0xffff, v0;
	v0 =	vadd.f32 v52, v35;
	v61 =	vmul.f32 $8.000000000e+00, v62;
	v62 =	vadd.s32 v25, v38  }
0x35f: {  	s14 =	sadd.s32 $0x3, s10;
	v3 =	vshrl.u32 v3, $0x3;
	[tilespmem:v49+s23+$0x0] =	vst.idx.msk $0xffff, v2;
	v59 =	vld [tilespmem:s0+$0xFFFFFE70];
	v2 =	vadd.f32 v4, v35;
	v4 =	vmul.f32 $8.000000000e+00, v51  }
0x360: {  	s16 =	sadd.s32 $0x5, s10;
	v47 =	vmov s14;
	v37 =	vshll.u32 v46, v1;
	v49 =	vld [tilespmem:s0+$0xFFFFFEB0];
	[tilespmem:v57+s23+$0x0] =	vst.idx.msk $0xffff, v0;
	v0 =	vadd.f32 v61, v35  }
0x361: {  	v46 =	vmov s16;
	v48 =	vld [tilespmem:s0+$0xFFFFFEF0];
	[tilespmem:v58+s23+$0x0] =	vst.idx.msk $0xffff, v2;
	v2 =	vadd.f32 v4, v35;
	v4 =	vadd.s32 v16, v45  }
0x362: {  	v54 =	vadd.s32 v11, v44;
	v57 =	vadd.s32 v9, v41;
	v58 =	vld [tilespmem:s0+$0xFFFFFF30];
	[tilespmem:v50+s23+$0x0] =	vst.idx.msk $0xffff, v0;
	v0 =	vmul.f32 $8.000000000e+00, v63  }
0x363: {  	v44 =	vadd.s32 v10, v44;
	v52 =	vadd.s32 v15, v43;
	v63 =	vmul.f32 $8.000000000e+00, v60;
	v55 =	vld [tilespmem:s0+$0xFFFFFF70];
	[tilespmem:v62+s23+$0x0] =	vst.idx.msk $0xffff, v2  }
0x364: {  	v50 =	vshrl.u32 v53, $0x3;
	v2 =	vmul.f32 $8.000000000e+00, v59;
	v59 =	vld [tilespmem:s0+$0xFFFFFFB0];
	v0 =	vadd.f32 v0, v34  }
0x365: {  	v60 =	vadd.s32 v19, v42;
	v53 =	vadd.f32 v63, v34;
	v49 =	vmul.f32 $8.000000000e+00, v49  }
0x366: {  	v61 =	vadd.s32 v23, v40;
	v2 =	vadd.f32 v2, v34;
	v48 =	vmul.f32 $8.000000000e+00, v48;
	[tilespmem:v4+s23+$0x0] =	vst.idx.msk $0xffff, v0  }
0x367: {  	s31 =	sadd.s32 $0x6, s10;
	[tilespmem:v57+s23+$0x0] =	vst.idx.msk $0xffff, v53;
	v0 =	vadd.f32 v49, v34;
	v53 =	vadd.s32 v27, v39;
	v4 =	vmul.f32 $8.000000000e+00, v58;
	v57 =	vld [tilespmem:s0+$0x0]  }
0x368: {  	v51 =	vmov s31;
	v58 =	vld [tilespmem:s0+$0xFFFFFE40];
	[tilespmem:v54+s23+$0x0] =	vst.idx.msk $0xffff, v2;
	v2 =	vadd.f32 v48, v34;
	v54 =	vmul.f32 $8.000000000e+00, v55  }
0x369: {  	v62 =	vadd.s32 v31, v38;
	[tilespmem:v52+s23+$0x0] =	vst.idx.msk $0xffff, v0;
	v63 =	vld [tilespmem:s0+$0xFFFFFE80];
	v0 =	vadd.f32 v4, v34;
	v4 =	vmul.f32 $8.000000000e+00, v59  }
0x36a: {  	v38 =	vadd.s32 v30, v38;
	v49 =	vshrl.u32 v46, $0x3;
	v52 =	vld [tilespmem:s0+$0xFFFFFEC0];
	[tilespmem:v60+s23+$0x0] =	vst.idx.msk $0xffff, v2;
	v2 =	vadd.f32 v54, v34  }
0x36b: {  	v46 =	vshrl.u32 v51, $0x3;
	v51 =	vld [tilespmem:s0+$0xFFFFFF00];
	[tilespmem:v61+s23+$0x0] =	vst.idx.msk $0xffff, v0;
	v0 =	vadd.f32 v4, v34;
	v4 =	vadd.s32 v20, v45  }
0x36c: {  	v54 =	vshll.u32 v3, v1;
	v3 =	vadd.s32 v8, v41;
	v45 =	vld [tilespmem:s0+$0xFFFFFF40];
	[tilespmem:v53+s23+$0x0] =	vst.idx.msk $0xffff, v2;
	v2 =	vmul.f32 $8.000000000e+00, v57  }
0x36d: {  	p0 =	slt.u32 s10, $0x78;
	v39 =	vadd.s32 v26, v39;
	v48 =	vshrl.u32 v47, $0x3;
	v60 =	vmul.f32 $8.000000000e+00, v58;
	v61 =	vld [tilespmem:s0+$0xFFFFFF80]  }
.Ltmp6:
0x36e: {  	v55 =	vshll.u32 v50, v1;
	[tilespmem:v62+s23+$0x0] =	vst.idx.msk $0xffff, v0;
	v0 =	vmul.f32 $8.000000000e+00, v63;
	v2 =	vadd.f32 v2, v33;
	(pc) =	sbr.rel @p0 .LBB2_15-.Ltmp6, $4  }
0x36f: {  	v53 =	vadd.s32 v14, v43;
	v50 =	vadd.f32 v60, v33;
	v52 =	vmul.f32 $8.000000000e+00, v52  }
0x370: {  	v43 =	vadd.s32 v18, v42;
	v0 =	vadd.f32 v0, v33;
	v63 =	vmul.f32 $8.000000000e+00, v51;
	[tilespmem:v4+s23+$0x0] =	vst.idx.msk $0xffff, v2  }
0x371: {  	v47 =	vshrl.u32 v56, $0x3;
	v42 =	vadd.s32 v22, v40;
	[tilespmem:v3+s23+$0x0] =	vst.idx.msk $0xffff, v50;
	v56 =	vadd.f32 v52, v33  }
0x372: {  	s11 =	sadd.s32 $0x7, s10;
	s10 =	sadd.s32 $0x8, s10;
	v41 =	vld [tilespmem:s0+$0xFFFFFFC0];
	v51 =	vmul.f32 $8.000000000e+00, v45;
	[tilespmem:v44+s23+$0x0] =	vst.idx.msk $0xffff, v0;
	v52 =	vadd.f32 v63, v33;
	v40 =	vmul.f32 $8.000000000e+00, v61  }
0x373: {  	v0 =	vmov s11;
	v3 =	vshll.u32 v48, v1;
	v45 =	vshll.u32 v49, v1  }
0x374: {  	s0 =	sadd.s32 $0x200, s0;
	v49 =	vbroadcast v54, $0x0;
	v54 =	vshll.u32 v46, v1;
	v46 =	vbroadcast v3, $0x0;
	v3 =	vld [tilespmem:$0x1FFE0]  }
0x375: {  	v2 =	vld [tilespmem:s0+$0xFFFFFFD0];
	v0 =	vshrl.u32 v0, $0x3  }
0x376: {  	v0 =	vshll.u32 v0, v1  }
0x377: {  	v50 =	vbroadcast v0, $0x0  }
0x378: {  	v48 =	vbroadcast v37, $0x0  }
0x379: {  	v4 =	vld [tilespmem:s0+$0xFFFFFE10];
	v3 =	vadd.s32 v3, v50  }
0x37a: {  	v58 =	vadd.s32 v24, v48;
	v24 =	vld [tilespmem:$0x1FE60];
	v2 =	vmul.f32 $8.000000000e+00, v2;
	_ =	sdelay $0x1  }
0x37b: {  	v2 =	vadd.f32 v2, v36  }
0x37c: {  	v57 =	vld [tilespmem:s0+$0xFFFFFE50]  }
0x37d: {  	v0 =	vld [tilespmem:s0+$0xFFFFFE90];
	[tilespmem:v3+s23+$0x0] =	vst.idx.msk $0xffff, v2  }
0x37e: {  	v4 =	vmul.f32 $8.000000000e+00, v4;
	v60 =	vadd.s32 v24, v49;
	v24 =	vld [tilespmem:$0x1FF20]  }
0x37f: {  	v63 =	vshll.u32 v47, v1;
	v47 =	vbroadcast v55, $0x0  }
0x380: {  	v55 =	vld [tilespmem:s0+$0xFFFFFED0];
	v44 =	vbroadcast v63, $0x0;
	v37 =	vbroadcast v45, $0x0;
	v4 =	vadd.f32 v4, v36  }
0x381: {  	v59 =	vld [tilespmem:s0+$0xFFFFFF10];
	v45 =	vbroadcast v54, $0x0;
	v54 =	vmul.f32 $8.000000000e+00, v57  }
0x382: {  	v62 =	vld [tilespmem:s0+$0xFFFFFF90];
	v57 =	vadd.s32 v28, v47;
	[tilespmem:v58+s23+$0x0] =	vst.idx.msk $0xffff, v4  }
0x383: {  	v0 =	vmul.f32 $8.000000000e+00, v0;
	v2 =	vadd.f32 v54, v36;
	v54 =	vadd.s32 v24, v44;
	v24 =	vld [tilespmem:$0x1FF60]  }
0x384: {  	v61 =	vld [tilespmem:s0+$0xFFFFFF50];
	v63 =	vadd.s32 v32, v46  }
0x385: {  	v0 =	vadd.f32 v0, v36;
	v3 =	vmul.f32 $8.000000000e+00, v55  }
0x386: {  	v4 =	vmul.f32 $8.000000000e+00, v59;
	[tilespmem:v60+s23+$0x0] =	vst.idx.msk $0xffff, v2;
	v2 =	vld [tilespmem:s0+$0xFFFFFE20]  }
0x387: {  	v3 =	vadd.f32 v3, v36;
	v60 =	vadd.s32 v29, v45;
	[tilespmem:v57+s23+$0x0] =	vst.idx.msk $0xffff, v0;
	v0 =	vld [tilespmem:s0+$0xFFFFFE60]  }
0x388: {  	v32 =	vmul.f32 $8.000000000e+00, v62;
	v58 =	vld [tilespmem:s0+$0xFFFFFFE0];
	v4 =	vadd.f32 v4, v36;
	v55 =	vadd.s32 v24, v37  }
0x389: {  	v59 =	vmul.f32 $8.000000000e+00, v61;
	[tilespmem:v63+s23+$0x0] =	vst.idx.msk $0xffff, v3;
	v3 =	vld [tilespmem:s0+$0xFFFFFEA0]  }
0x38a: {  	[tilespmem:v54+s23+$0x0] =	vst.idx.msk $0xffff, v4;
	v4 =	vadd.f32 v32, v36;
	v54 =	vadd.s32 v5, v48  }
0x38b: {  	v59 =	vadd.f32 v59, v36;
	v2 =	vmul.f32 $8.000000000e+00, v2;
	v32 =	vadd.s32 v13, v49;
	v57 =	vld [tilespmem:s0+$0xFFFFFF20]  }
0x38c: {  	v61 =	vld [tilespmem:s0+$0xFFFFFEE0];
	v36 =	vadd.s32 v12, v50;
	v0 =	vmul.f32 $8.000000000e+00, v0;
	[tilespmem:v60+s23+$0x0] =	vst.idx.msk $0xffff, v4  }
0x38d: {  	v4 =	vadd.s32 v17, v47;
	v2 =	vadd.f32 v2, v35;
	v60 =	vld [tilespmem:s0+$0xFFFFFFA0];
	[tilespmem:v55+s23+$0x0] =	vst.idx.msk $0xffff, v59;
	v55 =	vmul.f32 $8.000000000e+00, v58  }
0x38e: {  	[tilespmem:v53+s23+$0x0] =	vst.idx.msk $0xffff, v56;
	v3 =	vmul.f32 $8.000000000e+00, v3;
	v0 =	vadd.f32 v0, v35;
	v59 =	vld [tilespmem:s0+$0xFFFFFF60]  }
0x38f: {  	v63 =	vadd.s32 v6, v44;
	[tilespmem:v54+s23+$0x0] =	vst.idx.msk $0xffff, v2;
	v55 =	vadd.f32 v55, v35  }
0x390: {  	v53 =	vadd.s32 v21, v46;
	v2 =	vadd.f32 v3, v35;
	[tilespmem:v32+s23+$0x0] =	vst.idx.msk $0xffff, v0;
	v3 =	vmul.f32 $8.000000000e+00, v57  }
0x391: {  	v62 =	vmul.f32 $8.000000000e+00, v61;
	v61 =	vadd.s32 v25, v45;
	v0 =	vld [tilespmem:s0+$0xFFFFFE30];
	[tilespmem:v36+s23+$0x0] =	vst.idx.msk $0xffff, v55  }
0x392: {  	v54 =	vadd.s32 v7, v37;
	[tilespmem:v4+s23+$0x0] =	vst.idx.msk $0xffff, v2;
	v3 =	vadd.f32 v3, v35;
	v4 =	vmul.f32 $8.000000000e+00, v60;
	v56 =	vld [tilespmem:s0+$0xFFFFFFF0]  }
0x393: {  	v2 =	vld [tilespmem:s0+$0xFFFFFE70];
	v36 =	vadd.f32 v62, v35;
	v32 =	vmul.f32 $8.000000000e+00, v59  }
0x394: {  	[tilespmem:v63+s23+$0x0] =	vst.idx.msk $0xffff, v3;
	v4 =	vadd.f32 v4, v35  }
0x395: {  	[tilespmem:v53+s23+$0x0] =	vst.idx.msk $0xffff, v36;
	v36 =	vld [tilespmem:s0+$0xFFFFFEB0];
	v53 =	vadd.s32 v9, v48;
	v62 =	vadd.f32 v32, v35  }
0x396: {  	v63 =	vadd.s32 v16, v50;
	v0 =	vmul.f32 $8.000000000e+00, v0;
	v3 =	vld [tilespmem:s0+$0xFFFFFEF0];
	[tilespmem:v61+s23+$0x0] =	vst.idx.msk $0xffff, v4  }
0x397: {  	v51 =	vadd.f32 v51, v33;
	v4 =	vadd.s32 v11, v49;
	[tilespmem:v54+s23+$0x0] =	vst.idx.msk $0xffff, v62;
	v54 =	vld [tilespmem:s0+$0xFFFFFF30];
	v32 =	vmul.f32 $8.000000000e+00, v56  }
0x398: {  	v2 =	vmul.f32 $8.000000000e+00, v2;
	v0 =	vadd.f32 v0, v34;
	v56 =	vld [tilespmem:s0+$0xFFFFFF70]  }
0x399: {  	[tilespmem:v42+s23+$0x0] =	vst.idx.msk $0xffff, v51;
	v60 =	vadd.s32 v15, v47;
	v61 =	vld [tilespmem:s0+$0xFFFFFFB0];
	v55 =	vadd.f32 v32, v34  }
0x39a: {  	v2 =	vadd.f32 v2, v34;
	v62 =	vadd.s32 v19, v46;
	v36 =	vmul.f32 $8.000000000e+00, v36;
	[tilespmem:v53+s23+$0x0] =	vst.idx.msk $0xffff, v0  }
0x39b: {  	v3 =	vmul.f32 $8.000000000e+00, v3;
	[tilespmem:v63+s23+$0x0] =	vst.idx.msk $0xffff, v55;
	v63 =	vadd.s32 v23, v44  }
0x39c: {  	v51 =	vadd.s32 v27, v37;
	[tilespmem:v4+s23+$0x0] =	vst.idx.msk $0xffff, v2;
	v2 =	vld [tilespmem:s0+$0xFFFFFE40];
	v0 =	vadd.f32 v36, v34;
	v32 =	vmul.f32 $8.000000000e+00, v54  }
0x39d: {  	[tilespmem:v43+s23+$0x0] =	vst.idx.msk $0xffff, v52;
	v57 =	vadd.s32 v31, v45;
	v3 =	vadd.f32 v3, v34;
	v53 =	vld [tilespmem:s0+$0x0];
	v4 =	vmul.f32 $8.000000000e+00, v56  }
0x39e: {  	v58 =	vmul.f32 $8.000000000e+00, v61;
	[tilespmem:v60+s23+$0x0] =	vst.idx.msk $0xffff, v0;
	v0 =	vld [tilespmem:s0+$0xFFFFFE80];
	v36 =	vadd.f32 v32, v34  }
0x39f: {  	v59 =	vld [tilespmem:s0+$0xFFFFFEC0];
	[tilespmem:v62+s23+$0x0] =	vst.idx.msk $0xffff, v3;
	v3 =	vadd.f32 v4, v34  }
0x3a0: {  	v60 =	vadd.f32 v58, v34;
	v62 =	vadd.s32 v8, v48;
	v4 =	vmul.f32 $8.000000000e+00, v41;
	v41 =	vld [tilespmem:s0+$0xFFFFFF00];
	[tilespmem:v63+s23+$0x0] =	vst.idx.msk $0xffff, v36  }
0x3a1: {  	v35 =	vadd.s32 v20, v50;
	v61 =	vadd.f32 v40, v33;
	v2 =	vmul.f32 $8.000000000e+00, v2;
	v63 =	vld [tilespmem:s0+$0xFFFFFF40];
	[tilespmem:v51+s23+$0x0] =	vst.idx.msk $0xffff, v3  }
0x3a2: {  	v55 =	vadd.s32 v10, v49;
	[tilespmem:v57+s23+$0x0] =	vst.idx.msk $0xffff, v60;
	v3 =	vmul.f32 $8.000000000e+00, v53;
	v4 =	vadd.f32 v4, v33;
	v56 =	vld [tilespmem:s0+$0xFFFFFF80]  }
0x3a3: {  	[tilespmem:v39+s23+$0x0] =	vst.idx.msk $0xffff, v61;
	v57 =	vadd.s32 v14, v47;
	v58 =	vld [tilespmem:s0+$0xFFFFFFC0];
	v2 =	vadd.f32 v2, v33;
	v0 =	vmul.f32 $8.000000000e+00, v0  }
0x3a4: {  	v3 =	vadd.f32 v3, v33;
	[tilespmem:v38+s23+$0x0] =	vst.idx.msk $0xffff, v4;
	v4 =	vmul.f32 $8.000000000e+00, v59;
	v59 =	vadd.s32 v18, v46  }
0x3a5: {  	v61 =	vadd.s32 v22, v44;
	[tilespmem:v62+s23+$0x0] =	vst.idx.msk $0xffff, v2;
	v0 =	vadd.f32 v0, v33;
	v60 =	vmul.f32 $8.000000000e+00, v41  }
0x3a6: {  	[tilespmem:v35+s23+$0x0] =	vst.idx.msk $0xffff, v3;
	v2 =	vadd.f32 v4, v33;
	v4 =	vadd.s32 v26, v37;
	v3 =	vmul.f32 $8.000000000e+00, v63  }
0x3a7: {  	[tilespmem:v55+s23+$0x0] =	vst.idx.msk $0xffff, v0;
	v0 =	vadd.f32 v60, v33;
	v63 =	vadd.s32 v30, v45;
	v62 =	vmul.f32 $8.000000000e+00, v56  }
0x3a8: {  	[tilespmem:v57+s23+$0x0] =	vst.idx.msk $0xffff, v2;
	v2 =	vadd.f32 v3, v33;
	v3 =	vmul.f32 $8.000000000e+00, v58  }
0x3a9: {  	[tilespmem:v59+s23+$0x0] =	vst.idx.msk $0xffff, v0;
	v0 =	vadd.f32 v62, v33  }
0x3aa: {  	[tilespmem:v61+s23+$0x0] =	vst.idx.msk $0xffff, v2;
	v2 =	vadd.f32 v3, v33  }
0x3ab: {  	[tilespmem:v4+s23+$0x0] =	vst.idx.msk $0xffff, v0  }
0x3ac: {  	s1 =	sadd.s32 $0x180, s1;
	s10 =	simm.s32 $0x11280;
	[tilespmem:v63+s23+$0x0] =	vst.idx.msk $0xffff, v2  }
0x3ad: {  	[hbm4b:s1+s3] =	stream.linear.scatter [tilespmem:s10], [sflag:$0x6], $0x80, $0x38;
	[tilespmem:$0x13480] =	vst v63  }
0x3ae: {  	s11 =	simm.s32 $0x11308;
	s10 =	sadd.s32 $0x10, s1  }
0x3af: {  	[hbm4b:s10+s3] =	stream.linear.scatter [tilespmem:s11], [sflag:$0x6], $0x80, $0x38;
	[tilespmem:$0x13480] =	vst v63  }
0x3b0: {  	s14 =	simm.s32 $0x11390;
	s16 =	simm.s32 $0x11418;
	s15 =	sadd.s32 $0x20, s1  }
0x3b1: {  	[hbm4b:s15+s3] =	stream.linear.scatter [tilespmem:s14], [sflag:$0x6], $0x80, $0x38;
	[tilespmem:$0x13480] =	vst v63  }
0x3b2: {  	s31 =	sadd.s32 $0x30, s1;
	s0 =	simm.s32 $0x440;
	s10 =	simm.s32 $0x114A0  }
0x3b3: {  	[hbm4b:s31+s3] =	stream.linear.scatter [tilespmem:s16], [sflag:$0x6], $0x80, $0x38;
	[tilespmem:$0x13480] =	vst v63  }
0x3b4: {  	s11 =	sadd.s32 $0x40, s1;
	s14 =	simm.s32 $0x11528;
	s15 =	sadd.s32 $0x50, s1  }
0x3b5: {  	[hbm4b:s11+s3] =	stream.linear.scatter [tilespmem:s10], [sflag:$0x6], $0x80, $0x38;
	[tilespmem:$0x13480] =	vst v63  }
0x3b6: {  	s16 =	simm.s32 $0x115B0;
	s31 =	sadd.s32 $0x60, s1;
	s10 =	simm.s32 $0x2200  }
0x3b7: {  	[hbm4b:s15+s3] =	stream.linear.scatter [tilespmem:s14], [sflag:$0x6], $0x80, $0x38;
	[tilespmem:$0x13480] =	vst v63  }
0x3b8: {  	s11 =	simm.s32 $0x11638;
	s14 =	sadd.s32 $0x70, s1;
	s1 =	sadd.s32 $0x4000, s1  }
0x3b9: {  	v16 =	vmovc v9;
	v59 =	vmov v5;
	v5 =	vmov v7;
	v4 =	vmov v6;
	[hbm4b:s31+s3] =	stream.linear.scatter [tilespmem:s16], [sflag:$0x6], $0x80, $0x38;
	[tilespmem:$0x13480] =	vst v63  }
.LBB2_17:
0x3ba: {  	[hbm4b:s14+s3] =	stream.linear.scatter [tilespmem:s11], [sflag:$0x6], $0x80, $0x38;
	[tilespmem:$0x13480] =	vst v63  }
0x3bb: {  	s11 =	smov.u32 s0;
	s0 =	smov.u32 s10  }
0x3bc: {  	s15 =	sadd.s32 $0x1100, s10;
	s0 =	sshra.s32 s0, $0x2;
	s14 =	sadd.s32 $0x11280, s11  }
0x3bd: {  	[hbm4b:s1+s3] =	stream.linear.scatter [tilespmem:s14], [sflag:$0x6], $0x80, $0x38;
	[tilespmem:$0x13480] =	vst v63  }
0x3be: {  	p0 =	sne.s32 s10, $0x7700;
	s10 =	sadd.s32 $0x11308, s11;
	s14 =	sadd.s32 $0x10, s1  }
0x3bf: {  	[hbm4b:s14+s3] =	stream.linear.scatter [tilespmem:s10], [sflag:$0x6], $0x80, $0x38;
	[tilespmem:$0x13480] =	vst v63  }
0x3c0: {  	s10 =	sadd.s32 $0x11390, s11;
	s14 =	sadd.s32 $0x20, s1  }
0x3c1: {  	[hbm4b:s14+s3] =	stream.linear.scatter [tilespmem:s10], [sflag:$0x6], $0x80, $0x38;
	[tilespmem:$0x13480] =	vst v63  }
0x3c2: {  	s10 =	sadd.s32 $0x11418, s11;
	s14 =	sadd.s32 $0x30, s1  }
0x3c3: {  	[hbm4b:s14+s3] =	stream.linear.scatter [tilespmem:s10], [sflag:$0x6], $0x80, $0x38;
	[tilespmem:$0x13480] =	vst v63  }
0x3c4: {  	s10 =	sadd.s32 $0x114A0, s11;
	s14 =	sadd.s32 $0x40, s1  }
0x3c5: {  	[hbm4b:s14+s3] =	stream.linear.scatter [tilespmem:s10], [sflag:$0x6], $0x80, $0x38;
	[tilespmem:$0x13480] =	vst v63  }
.Ltmp7:
0x3c6: {  	s10 =	sadd.s32 $0x11528, s11;
	s14 =	sadd.s32 $0x50, s1;
	(pc) =	sbr.rel @p0 .LBB2_17-.Ltmp7, $4  }
0x3c7: {  	[hbm4b:s14+s3] =	stream.linear.scatter [tilespmem:s10], [sflag:$0x6], $0x80, $0x38;
	[tilespmem:$0x13480] =	vst v63  }
0x3c8: {  	s10 =	sadd.s32 $0x115B0, s11;
	s14 =	sadd.s32 $0x60, s1;
	s11 =	sadd.s32 $0x11638, s11  }
0x3c9: {  	[hbm4b:s14+s3] =	stream.linear.scatter [tilespmem:s10], [sflag:$0x6], $0x80, $0x38;
	[tilespmem:$0x13480] =	vst v63  }
0x3ca: {  	s14 =	sadd.s32 $0x70, s1;
	s1 =	sadd.s32 $0x4000, s1;
	s10 =	smov.u32 s15  }
0x3cb: {  	[hbm4b:s14+s3] =	stream.linear.scatter [tilespmem:s11], [sflag:$0x6], $0x80, $0x38;
	[tilespmem:$0x13480] =	vst v63  }
0x3cc: {  	s10 =	sadd.s32 $0x11280, s0  }
0x3cd: {  	[hbm4b:s1+s3] =	stream.linear.scatter [tilespmem:s10], [sflag:$0x6], $0x80, $0x38;
	[tilespmem:$0x13480] =	vst v63  }
0x3ce: {  	s16 =	sadd.s32 $0x11308, s0;
	s31 =	sadd.s32 $0x10, s1  }
0x3cf: {  	v6 =	vld [tilespmem:$0x1FE20];
	[hbm4b:s31+s3] =	stream.linear.scatter [tilespmem:s16], [sflag:$0x6], $0x80, $0x38  }
0x3d0: {  	s14 =	sadd.s32 $0x11390, s0;
	s15 =	sadd.s32 $0x20, s1;
	v8 =	vld [tilespmem:$0x1FE50]  }
0x3d1: {  	v11 =	vld [tilespmem:$0x1FE60];
	[hbm4b:s15+s3] =	stream.linear.scatter [tilespmem:s14], [sflag:$0x6], $0x80, $0x38  }
0x3d2: {  	v20 =	vld [tilespmem:$0x1FE80];
	s16 =	sadd.s32 $0x11418, s0;
	s31 =	sadd.s32 $0x30, s1  }
0x3d3: {  	v15 =	vld [tilespmem:$0x1FEA0];
	[hbm4b:s31+s3] =	stream.linear.scatter [tilespmem:s16], [sflag:$0x6], $0x80, $0x38  }
0x3d4: {  	s30 =	sadd.s32 $0x1, s30;
	v24 =	vld [tilespmem:$0x1FEC0];
	s14 =	sadd.s32 $0x114A0, s0;
	s15 =	sadd.s32 $0x40, s1  }
0x3d5: {  	v19 =	vld [tilespmem:$0x1FEE0];
	[hbm4b:s15+s3] =	stream.linear.scatter [tilespmem:s14], [sflag:$0x6], $0x80, $0x38  }
0x3d6: {  	v28 =	vld [tilespmem:$0x1FF00];
	p0 =	sne.s32 s30, $0x32;
	s16 =	sadd.s32 $0x11528, s0;
	s31 =	sadd.s32 $0x50, s1  }
0x3d7: {  	v23 =	vld [tilespmem:$0x1FF20];
	[hbm4b:s31+s3] =	stream.linear.scatter [tilespmem:s16], [sflag:$0x6], $0x80, $0x38  }
.Ltmp8:
0x3d8: {  	v27 =	vld [tilespmem:$0x1FF60];
	(pc) =	sbr.rel @p0 .LBB2_2-.Ltmp8, $4  }
0x3d9: {  	v31 =	vld [tilespmem:$0x1FFA0];
	s14 =	sadd.s32 $0x115B0, s0;
	s15 =	sadd.s32 $0x60, s1  }
0x3da: {  	v32 =	vld [tilespmem:$0x1FFC0];
	[hbm4b:s15+s3] =	stream.linear.scatter [tilespmem:s14], [sflag:$0x6], $0x80, $0x38  }
0x3db: {  	v3 =	vld [tilespmem:$0x1FFE0];
	s16 =	sadd.s32 $0x11638, s0;
	s31 =	sadd.s32 $0x70, s1  }
0x3dc: {  	v7 =	vld [tilespmem:$0x1FFF0];
	[hbm4b:s31+s3] =	stream.linear.scatter [tilespmem:s16], [sflag:$0x6], $0x80, $0x38  }
0x3dd: {  	s29 =	sadd.s32 $0x1, s29  }
0x3de: {  	_ =	swait.ge [sflag:s25], $0x2000;
	p0 =	sne.s32 s29, s8  }
.Ltmp9:
0x3df: {  	[sflag:s25] =	ssyncset.done $0x0;
	(pc) =	sbr.rel @p0 .LBB2_1-.Ltmp9, $4  }
0x3e0: {  	[sflag:s25] =	ssyncadd.s32 $0xFFFFE000  }
0x3e1: {  	_ =	swait.ge [sflag:s28], $0x2000  }
0x3e2: {  	[sflag:s28] =	ssyncset.done $0x0  }
0x3e3: {  	v2 =	vmov v16;
	[sflag:s28] =	ssyncadd.s32 $0xFFFFE000  }
0x3e4: {  	_ =	sfence.sel $0x180000  }
0x3e5: {  	[bflag:$0x0] =	sbarrier.arrive $0xFFFF  }
0x3e6: {  	_ =	strace $0x90000047  }
0x3e7: {  	s0 =	stileid.u32;
	[bflag:$0x2] =	sbarrier.arrive $0xFFFF  }
0x3e8: {  	p0 =	sne.s32 s0, $0x0;
	s0 =	rddreg [dreg:$0x2]  }
0x3e9: {  	s0 =	sadd.s32 @!p0 $0x100000, s0  }
0x3ea: {  	[sflag:s0] =	ssyncadd.tile.s32 @!p0 $0x1;
	_ =	shalt  }
.Lfunc_end2:
_tile_overlayer_lowered:
.L_overlay_start_2:
0x3eb: {  	(tag) =	ssettag $0x2  }
0x3ec: {  	s0 =	rddreg [dreg:$0x0];
	s2 =	stileid.u32  }
0x3ed: {  	s1 =	rddreg [dreg:$0x1];
	p0 =	sne.s32 s2, $0x0  }
0x3ee: {  	s3 =	rddreg [dreg:$0x2];
	[bflag:$0x3] =	sbarrier.arrive $0xFFFF;
	s2 =	simm.s32 @!p0 $0x1C07  }
0x3ef: {  	[timem:s3], [sflag:s2] =	dma.local @!p0 [hbm:s0], s1  }
0x3f0: {  	s0 =	simm.s32 @!p0 $0x7  }
0x3f1: {  	_ =	swait.ge @!p0 [sflag:s0], s1  }
0x3f2: {  	s1 =	ssub.s32 @!p0 $0x0, s1;
	[sflag:s0] =	ssyncset.done @!p0 $0x0  }
0x3f3: {  	[sflag:s0] =	ssyncadd.s32 @!p0 s1  }
0x3f4: {  	[bflag:$0x3] =	sbarrier.arrive $0xFFFF  }
0x3f5: {  	_ =	shalt  }

</sc_bundles>
